<compile_context>
chip_gen: v7x
topology: tpu7x:2x2x1
jax: 0.10.2.dev20260603
libtpu: 0.0.44.dev20260713+nightly
codegen_flags: <defaults>
</compile_context>

<pallas_src>
import functools

import jax
import jax.numpy as jnp
import numpy as np
from jax import lax
from jax.experimental import pallas as pl
from jax.experimental.pallas import tpu as pltpu
from jax.experimental.pallas import tpu_sc as plsc

_N = 10000
_E = 50000
_H = 32
_W48 = 48
_BQ = 64.0

_NW = 32
_CHUNK = 128
_NCHUNK = -(-_E // (_NW * _CHUNK))
_EPT = _NCHUNK * _CHUNK
_RPT = 632
_ROWS = 16 * _RPT

_BN = 2000

def _rotl32(x, r):
    return ((x << np.uint32(r)) | (x >> np.uint32(32 - r))).astype(np.uint32)


def _threefry2x32(k0, k1, x0, x1):
    ks = [np.uint32(k0), np.uint32(k1),
          np.uint32(0x1BD11BDA) ^ np.uint32(k0) ^ np.uint32(k1)]
    rot = [[13, 15, 26, 6], [17, 29, 16, 24]]
    x0 = (x0 + ks[0]).astype(np.uint32)
    x1 = (x1 + ks[1]).astype(np.uint32)
    for i in range(5):
        for r in rot[i % 2]:
            x0 = (x0 + x1).astype(np.uint32)
            x1 = _rotl32(x1, r) ^ x0
        x0 = (x0 + ks[(i + 1) % 3]).astype(np.uint32)
        x1 = (x1 + ks[(i + 2) % 3] + np.uint32(i + 1)).astype(np.uint32)
    return x0, x1


def _np_uniform(fold):
    k0, k1 = _threefry2x32(0, 42, np.zeros(1, np.uint32),
                           np.full(1, fold, np.uint32))
    n = _N * _H
    a, b = _threefry2x32(k0[0], k1[0], np.zeros(n, np.uint32),
                         np.arange(n, dtype=np.uint32))
    bits = a ^ b
    f = ((bits >> np.uint32(9)) | np.uint32(0x3F800000)).view(np.float32)
    f = f - np.float32(1.0)
    return np.maximum(np.float32(0.0), f).reshape(_N, _H)


_U1 = _np_uniform(0)
_U2 = _np_uniform(1)


def _mm1_body(xt_ref, w3_ref, yw_ref, z_ref):
    xt = xt_ref[...]
    bm = xt.shape[1]
    xh = xt.astype(jnp.bfloat16)
    xl = (xt - xh.astype(jnp.float32)).astype(jnp.bfloat16)
    xcat = jnp.concatenate([xh, xl], axis=1)
    p = lax.dot_general(xcat, w3_ref[...], dimension_numbers=(((0,), (0,)), ((), ())),
                        preferred_element_type=jnp.float32)
    y = p[:bm, 0:_H] + p[:bm, _H:2 * _H] + p[bm:, 0:_H]
    z = p[:bm, 2 * _H:3 * _H]
    col = lax.broadcasted_iota(jnp.int32, (y.shape[0], _W48 - _H), 1)
    ones_col = jnp.where(col == 0, 1.0, 0.0)
    yw_ref[...] = jnp.concatenate([y, ones_col], axis=1)
    z_ref[...] = z


def _mm1(xt, w3):
    d_in = xt.shape[0]
    bm = 1024
    return pl.pallas_call(
        _mm1_body,
        grid=(-(-_N // bm),),
        in_specs=[
            pl.BlockSpec((d_in, bm), lambda i: (0, i)),
            pl.BlockSpec((d_in, 3 * _H), lambda i: (0, 0)),
        ],
        out_specs=[
            pl.BlockSpec((bm, _W48), lambda i: (i, 0)),
            pl.BlockSpec((bm, _H), lambda i: (i, 0)),
        ],
        out_shape=[
            jax.ShapeDtypeStruct((_N, _W48), jnp.float32),
            jax.ShapeDtypeStruct((_N, _H), jnp.float32),
        ],
    )(xt, w3)


def _seg_sum_sc(yw, src_c, dst_c, zeros_blk, width):
    mesh = plsc.VectorSubcoreMesh(core_axis_name="c", subcore_axis_name="s")

    @functools.partial(
        pl.kernel,
        mesh=mesh,
        compiler_params=pltpu.CompilerParams(use_tc_tiling_on_sc=False),
        out_type=jax.ShapeDtypeStruct((2, _N, width), jnp.float32),
        scratch_types=[
            pltpu.VMEM((_NCHUNK, _CHUNK), jnp.int32),
            pltpu.VMEM((_NCHUNK, _CHUNK), jnp.int32),
            pltpu.VMEM((_NCHUNK, _CHUNK, width), jnp.float32),
            pltpu.VMEM_SHARED((_ROWS, width), jnp.float32),
            pltpu.SemaphoreType.DMA,
            pltpu.SemaphoreType.DMA,
        ],
    )
    def k(yw_hbm, src_hbm, dst_hbm, zero_hbm, out_hbm,
          src_v, dst_v, rows_v, acc, gsem, ssem):
        cid = lax.axis_index("c")
        sid = lax.axis_index("s")
        wid = cid * 16 + sid
        pltpu.sync_copy(src_hbm.at[wid], src_v)
        pltpu.sync_copy(dst_hbm.at[wid], dst_v)
        gathers = [
            pltpu.async_copy(yw_hbm.at[src_v.at[j]], rows_v.at[j], gsem)
            for j in range(_NCHUNK)
        ]
        pltpu.sync_copy(zero_hbm, acc.at[pl.ds(sid * _RPT, _RPT)])
        plsc.subcore_barrier()
        for g in gathers:
            g.wait()
        scatters = [
            pltpu.async_copy(rows_v.at[j], acc.at[dst_v.at[j]], ssem, add=True)
            for j in range(_NCHUNK)
        ]
        for s in scatters:
            s.wait()
        plsc.subcore_barrier()
        @pl.when(sid < 15)
        def _():
            pltpu.sync_copy(acc.at[pl.ds(sid * _RPT, _RPT)],
                            out_hbm.at[cid, pl.ds(sid * _RPT, _RPT)])

        @pl.when(sid == 15)
        def _():
            rem = _N - 15 * _RPT
            pltpu.sync_copy(acc.at[pl.ds(15 * _RPT, rem)],
                            out_hbm.at[cid, pl.ds(15 * _RPT, rem)])

    return k(yw, src_c, dst_c, zeros_blk)


def _quant(t, u):
    mn = jnp.min(t, axis=1, keepdims=True)
    mx = jnp.max(t, axis=1, keepdims=True)
    xs = _BQ * (t - mn) / (mx - mn)
    a = jnp.floor(xs)
    return a + (xs - a > u).astype(jnp.float32)


def _combine1_body(p_ref, z_ref, u_ref, b_ref, h_ref, d_ref):
    p = p_ref[0] + p_ref[1]
    agg = p[:, :_H]
    deg = p[:, _H:_H + 1]
    degc = jnp.maximum(deg, 1.0)
    t = agg / degc + z_ref[...] + b_ref[...]
    h_ref[...] = _quant(t, u_ref[...])
    d_ref[...] = degc


def _combine1(p, z1, u1, b1):
    return pl.pallas_call(
        _combine1_body,
        grid=(_N // _BN,),
        in_specs=[
            pl.BlockSpec((2, _BN, _W48), lambda i: (0, i, 0)),
            pl.BlockSpec((_BN, _H), lambda i: (i, 0)),
            pl.BlockSpec((_BN, _H), lambda i: (i, 0)),
            pl.BlockSpec((1, _H), lambda i: (0, 0)),
        ],
        out_specs=[
            pl.BlockSpec((_BN, _H), lambda i: (i, 0)),
            pl.BlockSpec((_BN, 1), lambda i: (i, 0)),
        ],
        out_shape=[
            jax.ShapeDtypeStruct((_N, _H), jnp.float32),
            jax.ShapeDtypeStruct((_N, 1), jnp.float32),
        ],
    )(p, z1, u1, b1.reshape(1, _H))


def _final_body(p_ref, h_ref, d_ref, u_ref, b_ref, wl_ref, wr_ref, pw1_ref,
                pb1_ref, pw2_ref, pb2_ref, out_ref):
    agg = p_ref[0] + p_ref[1]
    m2 = agg / d_ref[...]
    h = h_ref[...]
    t = (jnp.dot(m2, wl_ref[...], preferred_element_type=jnp.float32)
         + jnp.dot(h, wr_ref[...], preferred_element_type=jnp.float32)
         + b_ref[...])
    q = _quant(t, u_ref[...])
    hp = jnp.dot(q, pw1_ref[...], preferred_element_type=jnp.float32)
    hp = hp + pb1_ref[...]
    logits = jnp.dot(hp, pw2_ref[...], preferred_element_type=jnp.float32)
    logits = logits + pb2_ref[...]
    m = jnp.max(logits, axis=1, keepdims=True)
    e = jnp.exp(logits - m)
    out_ref[...] = logits - m - jnp.log(jnp.sum(e, axis=1, keepdims=True))


def _final(p, h1, degc, u2, b2, wl2, wr2, pw1, pb1, pw2, pb2):
    out_dim = pw2.shape[1]
    return pl.pallas_call(
        _final_body,
        grid=(_N // _BN,),
        in_specs=[
            pl.BlockSpec((2, _BN, _H), lambda i: (0, i, 0)),
            pl.BlockSpec((_BN, _H), lambda i: (i, 0)),
            pl.BlockSpec((_BN, 1), lambda i: (i, 0)),
            pl.BlockSpec((_BN, _H), lambda i: (i, 0)),
            pl.BlockSpec((1, _H), lambda i: (0, 0)),
            pl.BlockSpec((_H, _H), lambda i: (0, 0)),
            pl.BlockSpec((_H, _H), lambda i: (0, 0)),
            pl.BlockSpec((_H, _H), lambda i: (0, 0)),
            pl.BlockSpec((1, _H), lambda i: (0, 0)),
            pl.BlockSpec((_H, out_dim), lambda i: (0, 0)),
            pl.BlockSpec((1, out_dim), lambda i: (0, 0)),
        ],
        out_specs=pl.BlockSpec((_BN, out_dim), lambda i: (i, 0)),
        out_shape=jax.ShapeDtypeStruct((_N, out_dim), jnp.float32),
    )(p, h1, degc, u2, b2.reshape(1, _H), wl2, wr2, pw1, pb1.reshape(1, _H),
      pw2, pb2.reshape(1, out_dim))


def kernel(x, edge_index, wl1, wr1, b1, wl2, wr2, b2, pw1, pb1, pw2, pb2):
    src = edge_index[0]
    dst = edge_index[1]
    epad = _NW * _EPT
    fill_s = jnp.arange(epad, dtype=jnp.int32) % _N
    src_c = fill_s.at[:_E].set(src)
    src_c = src_c.reshape(_EPT, _NW).T.reshape(_NW, _NCHUNK, _CHUNK)
    fill = _N + jnp.arange(epad, dtype=jnp.int32) % (_ROWS - _N)
    dst_c = fill.at[:_E].set(dst)
    dst_c = dst_c.reshape(_EPT, _NW).T.reshape(_NW, _NCHUNK, _CHUNK)
    zeros48 = jnp.zeros((_RPT, _W48), jnp.float32)
    zeros32 = jnp.zeros((_RPT, _H), jnp.float32)
    u1 = jnp.asarray(_U1)
    u2 = jnp.asarray(_U2)

    wh = wl1.astype(jnp.bfloat16)
    wlo = (wl1 - wh.astype(jnp.float32)).astype(jnp.bfloat16)
    w3 = jnp.concatenate([wh, wlo, wr1.astype(jnp.bfloat16)], axis=1)
    yw1, z1 = _mm1(x.T, w3)
    p1 = _seg_sum_sc(yw1, src_c, dst_c, zeros48, _W48)
    h1, degc = _combine1(p1, z1, u1, b1)
    p2 = _seg_sum_sc(h1, src_c, dst_c, zeros32, _H)
    return _final(p2, h1, degc, u2, b2, wl2, wr2, pw1, pb1, pw2, pb2)

# --- scband reference (transcript-rebuilt; emitter-appended) ---
"""Pipeline reference for scband-graph-sage-12618613916191 (READ-ONLY COPY).

The authoritative reference and input builder live on the scoring server;
editing this copy changes nothing except your own understanding.
"""

import jax, jax.numpy as jnp
import numpy as np

N = 10000
E = 50000
D_IN = 1433
H = 32
OUT = 7
BQ = 64


def setup_inputs(seed: int = 0) -> dict:
    key = jax.random.key(seed)
    ks = jax.random.split(key, 12)
    x = jax.random.normal(ks[0], (N, D_IN), dtype=jnp.float32)
    edge_index = jax.random.randint(ks[1], (2, E), 0, N, dtype=jnp.int32)
    wl1 = jax.random.normal(ks[2], (D_IN, H), dtype=jnp.float32) / np.sqrt(D_IN)
    wr1 = jax.random.normal(ks[3], (D_IN, H), dtype=jnp.float32) / np.sqrt(D_IN)
    b1 = jnp.zeros((H,), dtype=jnp.float32)
    wl2 = jax.random.normal(ks[4], (H, H), dtype=jnp.float32) / np.sqrt(H)
    wr2 = jax.random.normal(ks[5], (H, H), dtype=jnp.float32) / np.sqrt(H)
    b2 = jnp.zeros((H,), dtype=jnp.float32)
    pw1 = jax.random.normal(ks[6], (H, H), dtype=jnp.float32) / np.sqrt(H)
    pb1 = jnp.zeros((H,), dtype=jnp.float32)
    pw2 = jax.random.normal(ks[7], (H, OUT), dtype=jnp.float32) / np.sqrt(H)
    pb2 = jnp.zeros((OUT,), dtype=jnp.float32)
    return {"x": x, "edge_index": edge_index, "wl1": wl1, "wr1": wr1, "b1": b1,
            "wl2": wl2, "wr2": wr2, "b2": b2, "pw1": pw1, "pb1": pb1, "pw2": pw2, "pb2": pb2}


def _sage_conv(x, edge_index, wl, wr, b):
    # SAGEConv with mean aggregation + root weight (PyG default)
    src = edge_index[0]
    dst = edge_index[1]
    msgs = jnp.take(x, src, axis=0)
    agg = jax.ops.segment_sum(msgs, dst, num_segments=N)
    deg = jax.ops.segment_sum(jnp.ones((E,), dtype=x.dtype), dst, num_segments=N)
    agg = agg / jnp.clip(deg, 1.0, None)[:, None]
    return agg @ wl + x @ wr + b


def _tinykg(x, key):
    # original detaches to numpy -> no gradient flows through this op
    x = jax.lax.stop_gradient(x)
    mn = x.min(axis=1, keepdims=True)
    mx = x.max(axis=1, keepdims=True)
    xs = BQ * (x - mn) / (mx - mn)
    a = jnp.floor(xs)
    u = jax.random.uniform(key, xs.shape, dtype=xs.dtype)
    return a + (xs - a > u).astype(xs.dtype)


def reference(x, edge_index, wl1, wr1, b1, wl2, wr2, b2, pw1, pb1, pw2, pb2):
    k = jax.random.key(42)
    # eval mode: dropout layers are identity
    h = _sage_conv(x, edge_index, wl1, wr1, b1)
    h = _tinykg(h, jax.random.fold_in(k, 0))
    h = jax.nn.relu(h)
    h = _sage_conv(h, edge_index, wl2, wr2, b2)
    h = _tinykg(h, jax.random.fold_in(k, 1))
    h = jax.nn.relu(h)
    h = h @ pw1 + pb1
    h = h @ pw2 + pb2
    return jax.nn.log_softmax(h, axis=1)

if __name__ == "__main__":
    import jax
    _d = setup_inputs()
    print(jax.jit(kernel)(*tuple(_d.values())))

</pallas_src>

<mosaic_0001>
#map = affine_map<(d0, d1) -> (0, 0)>
#map1 = affine_map<(d0, d1) -> (0, 0, 0)>
module attributes {stable_mosaic.version = 14 : i64} {
  func.func @k(%arg0: i32, %arg1: i32, %arg2: memref<10000x32xf32, #tpu.memory_space<hbm>>, %arg3: memref<32x13x128xi32, #tpu.memory_space<hbm>>, %arg4: memref<32x13x128xi32, #tpu.memory_space<hbm>>, %arg5: memref<632x32xf32, #tpu.memory_space<hbm>>, %arg6: memref<2x10000x32xf32, #tpu.memory_space<hbm>>, %arg7: memref<13x128xi32, #tpu.memory_space<vmem>>, %arg8: memref<13x128xi32, #tpu.memory_space<vmem>>, %arg9: memref<13x128x32xf32, #tpu.memory_space<vmem>>, %arg10: memref<10112x32xf32, #tpu.memory_space<vmem_shared>>, %arg11: memref<!tpu.dma_semaphore, #tpu.memory_space<semaphore_mem>>, %arg12: memref<!tpu.dma_semaphore, #tpu.memory_space<semaphore_mem>>) attributes {dimension_semantics = [#tpu.dimension_semantics<core_parallel>, #tpu.dimension_semantics<subcore_parallel>], iteration_bounds = array<i64: 2, 16>, scalar_prefetch = 0 : i64, scratch_operands = 6 : i64, tpu.core_type = #tpu.core_type<sc_vector_subcore>, window_params = [{transform_indices = #map}, {transform_indices = #map1}, {transform_indices = #map1}, {transform_indices = #map}, {transform_indices = #map1}]} {
    %mul3A = arith.constant 16 : i32
    %mul3A_0 = arith.muli %arg0, %mul3A : i32
    %add3A = arith.addi %mul3A_0, %arg1 : i32
    "tpu.region"() ({
      %run_scoped3A = tpu.sem_alloc : memref<!tpu.dma_semaphore, #tpu.memory_space<semaphore_mem>>
      %dma_start3A_632 = arith.constant 0 : i32
      %dma_start3A_633 = arith.constant 0 : i32
      %dma_start3A_634 = tpu.memref_slice %arg3[%add3A, %dma_start3A_632, %dma_start3A_633] : memref<32x13x128xi32, #tpu.memory_space<hbm>> -> memref<1x13x128xi32, #tpu.memory_space<hbm>>
      %dma_start3A_635 = tpu.memref_squeeze %dma_start3A_634 : memref<1x13x128xi32, #tpu.memory_space<hbm>> -> memref<13x128xi32, #tpu.memory_space<hbm>>
      %dma_start3A_636 = arith.constant 0 : i32
      %dma_start3A_637 = arith.constant 0 : i32
      %dma_start3A_638 = tpu.memref_slice %arg3[%add3A, %dma_start3A_636, %dma_start3A_637] : memref<32x13x128xi32, #tpu.memory_space<hbm>> -> memref<1x13x128xi32, #tpu.memory_space<hbm>>
      %dma_start3A_639 = tpu.memref_squeeze %dma_start3A_638 : memref<1x13x128xi32, #tpu.memory_space<hbm>> -> memref<13x128xi32, #tpu.memory_space<hbm>>
      tpu.enqueue_dma source(%dma_start3A_639 : memref<13x128xi32, #tpu.memory_space<hbm>>) target(%arg7 : memref<13x128xi32, #tpu.memory_space<vmem>>) target_semaphore(%run_scoped3A : memref<!tpu.dma_semaphore, #tpu.memory_space<semaphore_mem>>)
      %dma_wait3A_640 = arith.constant 0 : i32
      %dma_wait3A_641 = arith.constant 0 : i32
      %dma_wait3A_642 = tpu.memref_slice %arg3[%add3A, %dma_wait3A_640, %dma_wait3A_641] : memref<32x13x128xi32, #tpu.memory_space<hbm>> -> memref<1x13x128xi32, #tpu.memory_space<hbm>>
      %dma_wait3A_643 = tpu.memref_squeeze %dma_wait3A_642 : memref<1x13x128xi32, #tpu.memory_space<hbm>> -> memref<13x128xi32, #tpu.memory_space<hbm>>
      %dma_wait3A_644 = arith.constant 0 : i32
      %dma_wait3A_645 = arith.constant 0 : i32
      %dma_wait3A_646 = tpu.memref_slice %arg3[%add3A, %dma_wait3A_644, %dma_wait3A_645] : memref<32x13x128xi32, #tpu.memory_space<hbm>> -> memref<1x13x128xi32, #tpu.memory_space<hbm>>
      %dma_wait3A_647 = tpu.memref_squeeze %dma_wait3A_646 : memref<1x13x128xi32, #tpu.memory_space<hbm>> -> memref<13x128xi32, #tpu.memory_space<hbm>>
      tpu.wait_dma2 semaphore(%run_scoped3A : memref<!tpu.dma_semaphore, #tpu.memory_space<semaphore_mem>>) src(%dma_wait3A_647 : memref<13x128xi32, #tpu.memory_space<hbm>>) dst(%arg7 : memref<13x128xi32, #tpu.memory_space<vmem>>)
      tpu.yield
    }) : () -> ()
    "tpu.region"() ({
      %run_scoped3A = tpu.sem_alloc : memref<!tpu.dma_semaphore, #tpu.memory_space<semaphore_mem>>
      %dma_start3A_632 = arith.constant 0 : i32
      %dma_start3A_633 = arith.constant 0 : i32
      %dma_start3A_634 = tpu.memref_slice %arg4[%add3A, %dma_start3A_632, %dma_start3A_633] : memref<32x13x128xi32, #tpu.memory_space<hbm>> -> memref<1x13x128xi32, #tpu.memory_space<hbm>>
      %dma_start3A_635 = tpu.memref_squeeze %dma_start3A_634 : memref<1x13x128xi32, #tpu.memory_space<hbm>> -> memref<13x128xi32, #tpu.memory_space<hbm>>
      %dma_start3A_636 = arith.constant 0 : i32
      %dma_start3A_637 = arith.constant 0 : i32
      %dma_start3A_638 = tpu.memref_slice %arg4[%add3A, %dma_start3A_636, %dma_start3A_637] : memref<32x13x128xi32, #tpu.memory_space<hbm>> -> memref<1x13x128xi32, #tpu.memory_space<hbm>>
      %dma_start3A_639 = tpu.memref_squeeze %dma_start3A_638 : memref<1x13x128xi32, #tpu.memory_space<hbm>> -> memref<13x128xi32, #tpu.memory_space<hbm>>
      tpu.enqueue_dma source(%dma_start3A_639 : memref<13x128xi32, #tpu.memory_space<hbm>>) target(%arg8 : memref<13x128xi32, #tpu.memory_space<vmem>>) target_semaphore(%run_scoped3A : memref<!tpu.dma_semaphore, #tpu.memory_space<semaphore_mem>>)
      %dma_wait3A_640 = arith.constant 0 : i32
      %dma_wait3A_641 = arith.constant 0 : i32
      %dma_wait3A_642 = tpu.memref_slice %arg4[%add3A, %dma_wait3A_640, %dma_wait3A_641] : memref<32x13x128xi32, #tpu.memory_space<hbm>> -> memref<1x13x128xi32, #tpu.memory_space<hbm>>
      %dma_wait3A_643 = tpu.memref_squeeze %dma_wait3A_642 : memref<1x13x128xi32, #tpu.memory_space<hbm>> -> memref<13x128xi32, #tpu.memory_space<hbm>>
      %dma_wait3A_644 = arith.constant 0 : i32
      %dma_wait3A_645 = arith.constant 0 : i32
      %dma_wait3A_646 = tpu.memref_slice %arg4[%add3A, %dma_wait3A_644, %dma_wait3A_645] : memref<32x13x128xi32, #tpu.memory_space<hbm>> -> memref<1x13x128xi32, #tpu.memory_space<hbm>>
      %dma_wait3A_647 = tpu.memref_squeeze %dma_wait3A_646 : memref<1x13x128xi32, #tpu.memory_space<hbm>> -> memref<13x128xi32, #tpu.memory_space<hbm>>
      tpu.wait_dma2 semaphore(%run_scoped3A : memref<!tpu.dma_semaphore, #tpu.memory_space<semaphore_mem>>) src(%dma_wait3A_647 : memref<13x128xi32, #tpu.memory_space<hbm>>) dst(%arg8 : memref<13x128xi32, #tpu.memory_space<vmem>>)
      tpu.yield
    }) : () -> ()
    %dma_start3A = arith.constant 0 : i32
    %dma_start3A_1 = arith.constant 0 : i32
    %dma_start3A_2 = arith.constant 0 : i32
    %dma_start3A_3 = arith.constant 0 : i32
    %dma_start3A_4 = tpu.memref_slice %arg9[%dma_start3A_1, %dma_start3A_2, %dma_start3A_3] : memref<13x128x32xf32, #tpu.memory_space<vmem>> -> memref<1x128x32xf32, #tpu.memory_space<vmem>>
    %dma_start3A_5 = tpu.memref_squeeze %dma_start3A_4 : memref<1x128x32xf32, #tpu.memory_space<vmem>> -> memref<128x32xf32, #tpu.memory_space<vmem>>
    %dma_start3A_6 = arith.constant 0 : i32
    %dma_start3A_7 = tpu.memref_slice %arg7[%dma_start3A, %dma_start3A_6] : memref<13x128xi32, #tpu.memory_space<vmem>> -> memref<1x128xi32, #tpu.memory_space<vmem>>
    %dma_start3A_8 = tpu.memref_squeeze %dma_start3A_7 : memref<1x128xi32, #tpu.memory_space<vmem>> -> memref<128xi32, #tpu.memory_space<vmem>>
    %dma_start3A_9 = arith.constant 0 : i32
    %dma_start3A_10 = arith.constant 0 : i32
    %dma_start3A_11 = tpu.memref_slice %arg2[%dma_start3A_9, %dma_start3A_10] : memref<10000x32xf32, #tpu.memory_space<hbm>> -> memref<10000x32xf32, #tpu.memory_space<hbm>>
    tpu.enqueue_indirect_dma source(%dma_start3A_11 : memref<10000x32xf32, #tpu.memory_space<hbm>>) target(%dma_start3A_5 : memref<128x32xf32, #tpu.memory_space<vmem>>) offsets(%dma_start3A_8 : memref<128xi32, #tpu.memory_space<vmem>>) semaphore(%arg11 : memref<!tpu.dma_semaphore, #tpu.memory_space<semaphore_mem>>)
    %dma_start3A_12 = arith.constant 1 : i32
    %dma_start3A_13 = arith.constant 1 : i32
    %dma_start3A_14 = arith.constant 0 : i32
    %dma_start3A_15 = arith.constant 0 : i32
    %dma_start3A_16 = tpu.memref_slice %arg9[%dma_start3A_13, %dma_start3A_14, %dma_start3A_15] : memref<13x128x32xf32, #tpu.memory_space<vmem>> -> memref<1x128x32xf32, #tpu.memory_space<vmem>>
    %dma_start3A_17 = tpu.memref_squeeze %dma_start3A_16 : memref<1x128x32xf32, #tpu.memory_space<vmem>> -> memref<128x32xf32, #tpu.memory_space<vmem>>
    %dma_start3A_18 = arith.constant 0 : i32
    %dma_start3A_19 = tpu.memref_slice %arg7[%dma_start3A_12, %dma_start3A_18] : memref<13x128xi32, #tpu.memory_space<vmem>> -> memref<1x128xi32, #tpu.memory_space<vmem>>
    %dma_start3A_20 = tpu.memref_squeeze %dma_start3A_19 : memref<1x128xi32, #tpu.memory_space<vmem>> -> memref<128xi32, #tpu.memory_space<vmem>>
    %dma_start3A_21 = arith.constant 0 : i32
    %dma_start3A_22 = arith.constant 0 : i32
    %dma_start3A_23 = tpu.memref_slice %arg2[%dma_start3A_21, %dma_start3A_22] : memref<10000x32xf32, #tpu.memory_space<hbm>> -> memref<10000x32xf32, #tpu.memory_space<hbm>>
    tpu.enqueue_indirect_dma source(%dma_start3A_23 : memref<10000x32xf32, #tpu.memory_space<hbm>>) target(%dma_start3A_17 : memref<128x32xf32, #tpu.memory_space<vmem>>) offsets(%dma_start3A_20 : memref<128xi32, #tpu.memory_space<vmem>>) semaphore(%arg11 : memref<!tpu.dma_semaphore, #tpu.memory_space<semaphore_mem>>)
    %dma_start3A_24 = arith.constant 2 : i32
    %dma_start3A_25 = arith.constant 2 : i32
    %dma_start3A_26 = arith.constant 0 : i32
    %dma_start3A_27 = arith.constant 0 : i32
    %dma_start3A_28 = tpu.memref_slice %arg9[%dma_start3A_25, %dma_start3A_26, %dma_start3A_27] : memref<13x128x32xf32, #tpu.memory_space<vmem>> -> memref<1x128x32xf32, #tpu.memory_space<vmem>>
    %dma_start3A_29 = tpu.memref_squeeze %dma_start3A_28 : memref<1x128x32xf32, #tpu.memory_space<vmem>> -> memref<128x32xf32, #tpu.memory_space<vmem>>
    %dma_start3A_30 = arith.constant 0 : i32
    %dma_start3A_31 = tpu.memref_slice %arg7[%dma_start3A_24, %dma_start3A_30] : memref<13x128xi32, #tpu.memory_space<vmem>> -> memref<1x128xi32, #tpu.memory_space<vmem>>
    %dma_start3A_32 = tpu.memref_squeeze %dma_start3A_31 : memref<1x128xi32, #tpu.memory_space<vmem>> -> memref<128xi32, #tpu.memory_space<vmem>>
    %dma_start3A_33 = arith.constant 0 : i32
    %dma_start3A_34 = arith.constant 0 : i32
    %dma_start3A_35 = tpu.memref_slice %arg2[%dma_start3A_33, %dma_start3A_34] : memref<10000x32xf32, #tpu.memory_space<hbm>> -> memref<10000x32xf32, #tpu.memory_space<hbm>>
    tpu.enqueue_indirect_dma source(%dma_start3A_35 : memref<10000x32xf32, #tpu.memory_space<hbm>>) target(%dma_start3A_29 : memref<128x32xf32, #tpu.memory_space<vmem>>) offsets(%dma_start3A_32 : memref<128xi32, #tpu.memory_space<vmem>>) semaphore(%arg11 : memref<!tpu.dma_semaphore, #tpu.memory_space<semaphore_mem>>)
    %dma_start3A_36 = arith.constant 3 : i32
    %dma_start3A_37 = arith.constant 3 : i32
    %dma_start3A_38 = arith.constant 0 : i32
    %dma_start3A_39 = arith.constant 0 : i32
    %dma_start3A_40 = tpu.memref_slice %arg9[%dma_start3A_37, %dma_start3A_38, %dma_start3A_39] : memref<13x128x32xf32, #tpu.memory_space<vmem>> -> memref<1x128x32xf32, #tpu.memory_space<vmem>>
    %dma_start3A_41 = tpu.memref_squeeze %dma_start3A_40 : memref<1x128x32xf32, #tpu.memory_space<vmem>> -> memref<128x32xf32, #tpu.memory_space<vmem>>
    %dma_start3A_42 = arith.constant 0 : i32
    %dma_start3A_43 = tpu.memref_slice %arg7[%dma_start3A_36, %dma_start3A_42] : memref<13x128xi32, #tpu.memory_space<vmem>> -> memref<1x128xi32, #tpu.memory_space<vmem>>
    %dma_start3A_44 = tpu.memref_squeeze %dma_start3A_43 : memref<1x128xi32, #tpu.memory_space<vmem>> -> memref<128xi32, #tpu.memory_space<vmem>>
    %dma_start3A_45 = arith.constant 0 : i32
    %dma_start3A_46 = arith.constant 0 : i32
    %dma_start3A_47 = tpu.memref_slice %arg2[%dma_start3A_45, %dma_start3A_46] : memref<10000x32xf32, #tpu.memory_space<hbm>> -> memref<10000x32xf32, #tpu.memory_space<hbm>>
    tpu.enqueue_indirect_dma source(%dma_start3A_47 : memref<10000x32xf32, #tpu.memory_space<hbm>>) target(%dma_start3A_41 : memref<128x32xf32, #tpu.memory_space<vmem>>) offsets(%dma_start3A_44 : memref<128xi32, #tpu.memory_space<vmem>>) semaphore(%arg11 : memref<!tpu.dma_semaphore, #tpu.memory_space<semaphore_mem>>)
    %dma_start3A_48 = arith.constant 4 : i32
    %dma_start3A_49 = arith.constant 4 : i32
    %dma_start3A_50 = arith.constant 0 : i32
    %dma_start3A_51 = arith.constant 0 : i32
    %dma_start3A_52 = tpu.memref_slice %arg9[%dma_start3A_49, %dma_start3A_50, %dma_start3A_51] : memref<13x128x32xf32, #tpu.memory_space<vmem>> -> memref<1x128x32xf32, #tpu.memory_space<vmem>>
    %dma_start3A_53 = tpu.memref_squeeze %dma_start3A_52 : memref<1x128x32xf32, #tpu.memory_space<vmem>> -> memref<128x32xf32, #tpu.memory_space<vmem>>
    %dma_start3A_54 = arith.constant 0 : i32
    %dma_start3A_55 = tpu.memref_slice %arg7[%dma_start3A_48, %dma_start3A_54] : memref<13x128xi32, #tpu.memory_space<vmem>> -> memref<1x128xi32, #tpu.memory_space<vmem>>
    %dma_start3A_56 = tpu.memref_squeeze %dma_start3A_55 : memref<1x128xi32, #tpu.memory_space<vmem>> -> memref<128xi32, #tpu.memory_space<vmem>>
    %dma_start3A_57 = arith.constant 0 : i32
    %dma_start3A_58 = arith.constant 0 : i32
    %dma_start3A_59 = tpu.memref_slice %arg2[%dma_start3A_57, %dma_start3A_58] : memref<10000x32xf32, #tpu.memory_space<hbm>> -> memref<10000x32xf32, #tpu.memory_space<hbm>>
    tpu.enqueue_indirect_dma source(%dma_start3A_59 : memref<10000x32xf32, #tpu.memory_space<hbm>>) target(%dma_start3A_53 : memref<128x32xf32, #tpu.memory_space<vmem>>) offsets(%dma_start3A_56 : memref<128xi32, #tpu.memory_space<vmem>>) semaphore(%arg11 : memref<!tpu.dma_semaphore, #tpu.memory_space<semaphore_mem>>)
    %dma_start3A_60 = arith.constant 5 : i32
    %dma_start3A_61 = arith.constant 5 : i32
    %dma_start3A_62 = arith.constant 0 : i32
    %dma_start3A_63 = arith.constant 0 : i32
    %dma_start3A_64 = tpu.memref_slice %arg9[%dma_start3A_61, %dma_start3A_62, %dma_start3A_63] : memref<13x128x32xf32, #tpu.memory_space<vmem>> -> memref<1x128x32xf32, #tpu.memory_space<vmem>>
    %dma_start3A_65 = tpu.memref_squeeze %dma_start3A_64 : memref<1x128x32xf32, #tpu.memory_space<vmem>> -> memref<128x32xf32, #tpu.memory_space<vmem>>
    %dma_start3A_66 = arith.constant 0 : i32
    %dma_start3A_67 = tpu.memref_slice %arg7[%dma_start3A_60, %dma_start3A_66] : memref<13x128xi32, #tpu.memory_space<vmem>> -> memref<1x128xi32, #tpu.memory_space<vmem>>
    %dma_start3A_68 = tpu.memref_squeeze %dma_start3A_67 : memref<1x128xi32, #tpu.memory_space<vmem>> -> memref<128xi32, #tpu.memory_space<vmem>>
    %dma_start3A_69 = arith.constant 0 : i32
    %dma_start3A_70 = arith.constant 0 : i32
    %dma_start3A_71 = tpu.memref_slice %arg2[%dma_start3A_69, %dma_start3A_70] : memref<10000x32xf32, #tpu.memory_space<hbm>> -> memref<10000x32xf32, #tpu.memory_space<hbm>>
    tpu.enqueue_indirect_dma source(%dma_start3A_71 : memref<10000x32xf32, #tpu.memory_space<hbm>>) target(%dma_start3A_65 : memref<128x32xf32, #tpu.memory_space<vmem>>) offsets(%dma_start3A_68 : memref<128xi32, #tpu.memory_space<vmem>>) semaphore(%arg11 : memref<!tpu.dma_semaphore, #tpu.memory_space<semaphore_mem>>)
    %dma_start3A_72 = arith.constant 6 : i32
    %dma_start3A_73 = arith.constant 6 : i32
    %dma_start3A_74 = arith.constant 0 : i32
    %dma_start3A_75 = arith.constant 0 : i32
    %dma_start3A_76 = tpu.memref_slice %arg9[%dma_start3A_73, %dma_start3A_74, %dma_start3A_75] : memref<13x128x32xf32, #tpu.memory_space<vmem>> -> memref<1x128x32xf32, #tpu.memory_space<vmem>>
    %dma_start3A_77 = tpu.memref_squeeze %dma_start3A_76 : memref<1x128x32xf32, #tpu.memory_space<vmem>> -> memref<128x32xf32, #tpu.memory_space<vmem>>
    %dma_start3A_78 = arith.constant 0 : i32
    %dma_start3A_79 = tpu.memref_slice %arg7[%dma_start3A_72, %dma_start3A_78] : memref<13x128xi32, #tpu.memory_space<vmem>> -> memref<1x128xi32, #tpu.memory_space<vmem>>
    %dma_start3A_80 = tpu.memref_squeeze %dma_start3A_79 : memref<1x128xi32, #tpu.memory_space<vmem>> -> memref<128xi32, #tpu.memory_space<vmem>>
    %dma_start3A_81 = arith.constant 0 : i32
    %dma_start3A_82 = arith.constant 0 : i32
    %dma_start3A_83 = tpu.memref_slice %arg2[%dma_start3A_81, %dma_start3A_82] : memref<10000x32xf32, #tpu.memory_space<hbm>> -> memref<10000x32xf32, #tpu.memory_space<hbm>>
    tpu.enqueue_indirect_dma source(%dma_start3A_83 : memref<10000x32xf32, #tpu.memory_space<hbm>>) target(%dma_start3A_77 : memref<128x32xf32, #tpu.memory_space<vmem>>) offsets(%dma_start3A_80 : memref<128xi32, #tpu.memory_space<vmem>>) semaphore(%arg11 : memref<!tpu.dma_semaphore, #tpu.memory_space<semaphore_mem>>)
    %dma_start3A_84 = arith.constant 7 : i32
    %dma_start3A_85 = arith.constant 7 : i32
    %dma_start3A_86 = arith.constant 0 : i32
    %dma_start3A_87 = arith.constant 0 : i32
    %dma_start3A_88 = tpu.memref_slice %arg9[%dma_start3A_85, %dma_start3A_86, %dma_start3A_87] : memref<13x128x32xf32, #tpu.memory_space<vmem>> -> memref<1x128x32xf32, #tpu.memory_space<vmem>>
    %dma_start3A_89 = tpu.memref_squeeze %dma_start3A_88 : memref<1x128x32xf32, #tpu.memory_space<vmem>> -> memref<128x32xf32, #tpu.memory_space<vmem>>
    %dma_start3A_90 = arith.constant 0 : i32
    %dma_start3A_91 = tpu.memref_slice %arg7[%dma_start3A_84, %dma_start3A_90] : memref<13x128xi32, #tpu.memory_space<vmem>> -> memref<1x128xi32, #tpu.memory_space<vmem>>
    %dma_start3A_92 = tpu.memref_squeeze %dma_start3A_91 : memref<1x128xi32, #tpu.memory_space<vmem>> -> memref<128xi32, #tpu.memory_space<vmem>>
    %dma_start3A_93 = arith.constant 0 : i32
    %dma_start3A_94 = arith.constant 0 : i32
    %dma_start3A_95 = tpu.memref_slice %arg2[%dma_start3A_93, %dma_start3A_94] : memref<10000x32xf32, #tpu.memory_space<hbm>> -> memref<10000x32xf32, #tpu.memory_space<hbm>>
    tpu.enqueue_indirect_dma source(%dma_start3A_95 : memref<10000x32xf32, #tpu.memory_space<hbm>>) target(%dma_start3A_89 : memref<128x32xf32, #tpu.memory_space<vmem>>) offsets(%dma_start3A_92 : memref<128xi32, #tpu.memory_space<vmem>>) semaphore(%arg11 : memref<!tpu.dma_semaphore, #tpu.memory_space<semaphore_mem>>)
    %dma_start3A_96 = arith.constant 8 : i32
    %dma_start3A_97 = arith.constant 8 : i32
    %dma_start3A_98 = arith.constant 0 : i32
    %dma_start3A_99 = arith.constant 0 : i32
    %dma_start3A_100 = tpu.memref_slice %arg9[%dma_start3A_97, %dma_start3A_98, %dma_start3A_99] : memref<13x128x32xf32, #tpu.memory_space<vmem>> -> memref<1x128x32xf32, #tpu.memory_space<vmem>>
    %dma_start3A_101 = tpu.memref_squeeze %dma_start3A_100 : memref<1x128x32xf32, #tpu.memory_space<vmem>> -> memref<128x32xf32, #tpu.memory_space<vmem>>
    %dma_start3A_102 = arith.constant 0 : i32
    %dma_start3A_103 = tpu.memref_slice %arg7[%dma_start3A_96, %dma_start3A_102] : memref<13x128xi32, #tpu.memory_space<vmem>> -> memref<1x128xi32, #tpu.memory_space<vmem>>
    %dma_start3A_104 = tpu.memref_squeeze %dma_start3A_103 : memref<1x128xi32, #tpu.memory_space<vmem>> -> memref<128xi32, #tpu.memory_space<vmem>>
    %dma_start3A_105 = arith.constant 0 : i32
    %dma_start3A_106 = arith.constant 0 : i32
    %dma_start3A_107 = tpu.memref_slice %arg2[%dma_start3A_105, %dma_start3A_106] : memref<10000x32xf32, #tpu.memory_space<hbm>> -> memref<10000x32xf32, #tpu.memory_space<hbm>>
    tpu.enqueue_indirect_dma source(%dma_start3A_107 : memref<10000x32xf32, #tpu.memory_space<hbm>>) target(%dma_start3A_101 : memref<128x32xf32, #tpu.memory_space<vmem>>) offsets(%dma_start3A_104 : memref<128xi32, #tpu.memory_space<vmem>>) semaphore(%arg11 : memref<!tpu.dma_semaphore, #tpu.memory_space<semaphore_mem>>)
    %dma_start3A_108 = arith.constant 9 : i32
    %dma_start3A_109 = arith.constant 9 : i32
    %dma_start3A_110 = arith.constant 0 : i32
    %dma_start3A_111 = arith.constant 0 : i32
    %dma_start3A_112 = tpu.memref_slice %arg9[%dma_start3A_109, %dma_start3A_110, %dma_start3A_111] : memref<13x128x32xf32, #tpu.memory_space<vmem>> -> memref<1x128x32xf32, #tpu.memory_space<vmem>>
    %dma_start3A_113 = tpu.memref_squeeze %dma_start3A_112 : memref<1x128x32xf32, #tpu.memory_space<vmem>> -> memref<128x32xf32, #tpu.memory_space<vmem>>
    %dma_start3A_114 = arith.constant 0 : i32
    %dma_start3A_115 = tpu.memref_slice %arg7[%dma_start3A_108, %dma_start3A_114] : memref<13x128xi32, #tpu.memory_space<vmem>> -> memref<1x128xi32, #tpu.memory_space<vmem>>
    %dma_start3A_116 = tpu.memref_squeeze %dma_start3A_115 : memref<1x128xi32, #tpu.memory_space<vmem>> -> memref<128xi32, #tpu.memory_space<vmem>>
    %dma_start3A_117 = arith.constant 0 : i32
    %dma_start3A_118 = arith.constant 0 : i32
    %dma_start3A_119 = tpu.memref_slice %arg2[%dma_start3A_117, %dma_start3A_118] : memref<10000x32xf32, #tpu.memory_space<hbm>> -> memref<10000x32xf32, #tpu.memory_space<hbm>>
    tpu.enqueue_indirect_dma source(%dma_start3A_119 : memref<10000x32xf32, #tpu.memory_space<hbm>>) target(%dma_start3A_113 : memref<128x32xf32, #tpu.memory_space<vmem>>) offsets(%dma_start3A_116 : memref<128xi32, #tpu.memory_space<vmem>>) semaphore(%arg11 : memref<!tpu.dma_semaphore, #tpu.memory_space<semaphore_mem>>)
    %dma_start3A_120 = arith.constant 10 : i32
    %dma_start3A_121 = arith.constant 10 : i32
    %dma_start3A_122 = arith.constant 0 : i32
    %dma_start3A_123 = arith.constant 0 : i32
    %dma_start3A_124 = tpu.memref_slice %arg9[%dma_start3A_121, %dma_start3A_122, %dma_start3A_123] : memref<13x128x32xf32, #tpu.memory_space<vmem>> -> memref<1x128x32xf32, #tpu.memory_space<vmem>>
    %dma_start3A_125 = tpu.memref_squeeze %dma_start3A_124 : memref<1x128x32xf32, #tpu.memory_space<vmem>> -> memref<128x32xf32, #tpu.memory_space<vmem>>
    %dma_start3A_126 = arith.constant 0 : i32
    %dma_start3A_127 = tpu.memref_slice %arg7[%dma_start3A_120, %dma_start3A_126] : memref<13x128xi32, #tpu.memory_space<vmem>> -> memref<1x128xi32, #tpu.memory_space<vmem>>
    %dma_start3A_128 = tpu.memref_squeeze %dma_start3A_127 : memref<1x128xi32, #tpu.memory_space<vmem>> -> memref<128xi32, #tpu.memory_space<vmem>>
    %dma_start3A_129 = arith.constant 0 : i32
    %dma_start3A_130 = arith.constant 0 : i32
    %dma_start3A_131 = tpu.memref_slice %arg2[%dma_start3A_129, %dma_start3A_130] : memref<10000x32xf32, #tpu.memory_space<hbm>> -> memref<10000x32xf32, #tpu.memory_space<hbm>>
    tpu.enqueue_indirect_dma source(%dma_start3A_131 : memref<10000x32xf32, #tpu.memory_space<hbm>>) target(%dma_start3A_125 : memref<128x32xf32, #tpu.memory_space<vmem>>) offsets(%dma_start3A_128 : memref<128xi32, #tpu.memory_space<vmem>>) semaphore(%arg11 : memref<!tpu.dma_semaphore, #tpu.memory_space<semaphore_mem>>)
    %dma_start3A_132 = arith.constant 11 : i32
    %dma_start3A_133 = arith.constant 11 : i32
    %dma_start3A_134 = arith.constant 0 : i32
    %dma_start3A_135 = arith.constant 0 : i32
    %dma_start3A_136 = tpu.memref_slice %arg9[%dma_start3A_133, %dma_start3A_134, %dma_start3A_135] : memref<13x128x32xf32, #tpu.memory_space<vmem>> -> memref<1x128x32xf32, #tpu.memory_space<vmem>>
    %dma_start3A_137 = tpu.memref_squeeze %dma_start3A_136 : memref<1x128x32xf32, #tpu.memory_space<vmem>> -> memref<128x32xf32, #tpu.memory_space<vmem>>
    %dma_start3A_138 = arith.constant 0 : i32
    %dma_start3A_139 = tpu.memref_slice %arg7[%dma_start3A_132, %dma_start3A_138] : memref<13x128xi32, #tpu.memory_space<vmem>> -> memref<1x128xi32, #tpu.memory_space<vmem>>
    %dma_start3A_140 = tpu.memref_squeeze %dma_start3A_139 : memref<1x128xi32, #tpu.memory_space<vmem>> -> memref<128xi32, #tpu.memory_space<vmem>>
    %dma_start3A_141 = arith.constant 0 : i32
    %dma_start3A_142 = arith.constant 0 : i32
    %dma_start3A_143 = tpu.memref_slice %arg2[%dma_start3A_141, %dma_start3A_142] : memref<10000x32xf32, #tpu.memory_space<hbm>> -> memref<10000x32xf32, #tpu.memory_space<hbm>>
    tpu.enqueue_indirect_dma source(%dma_start3A_143 : memref<10000x32xf32, #tpu.memory_space<hbm>>) target(%dma_start3A_137 : memref<128x32xf32, #tpu.memory_space<vmem>>) offsets(%dma_start3A_140 : memref<128xi32, #tpu.memory_space<vmem>>) semaphore(%arg11 : memref<!tpu.dma_semaphore, #tpu.memory_space<semaphore_mem>>)
    %dma_start3A_144 = arith.constant 12 : i32
    %dma_start3A_145 = arith.constant 12 : i32
    %dma_start3A_146 = arith.constant 0 : i32
    %dma_start3A_147 = arith.constant 0 : i32
    %dma_start3A_148 = tpu.memref_slice %arg9[%dma_start3A_145, %dma_start3A_146, %dma_start3A_147] : memref<13x128x32xf32, #tpu.memory_space<vmem>> -> memref<1x128x32xf32, #tpu.memory_space<vmem>>
    %dma_start3A_149 = tpu.memref_squeeze %dma_start3A_148 : memref<1x128x32xf32, #tpu.memory_space<vmem>> -> memref<128x32xf32, #tpu.memory_space<vmem>>
    %dma_start3A_150 = arith.constant 0 : i32
    %dma_start3A_151 = tpu.memref_slice %arg7[%dma_start3A_144, %dma_start3A_150] : memref<13x128xi32, #tpu.memory_space<vmem>> -> memref<1x128xi32, #tpu.memory_space<vmem>>
    %dma_start3A_152 = tpu.memref_squeeze %dma_start3A_151 : memref<1x128xi32, #tpu.memory_space<vmem>> -> memref<128xi32, #tpu.memory_space<vmem>>
    %dma_start3A_153 = arith.constant 0 : i32
    %dma_start3A_154 = arith.constant 0 : i32
    %dma_start3A_155 = tpu.memref_slice %arg2[%dma_start3A_153, %dma_start3A_154] : memref<10000x32xf32, #tpu.memory_space<hbm>> -> memref<10000x32xf32, #tpu.memory_space<hbm>>
    tpu.enqueue_indirect_dma source(%dma_start3A_155 : memref<10000x32xf32, #tpu.memory_space<hbm>>) target(%dma_start3A_149 : memref<128x32xf32, #tpu.memory_space<vmem>>) offsets(%dma_start3A_152 : memref<128xi32, #tpu.memory_space<vmem>>) semaphore(%arg11 : memref<!tpu.dma_semaphore, #tpu.memory_space<semaphore_mem>>)
    %mul3A_156 = arith.constant 632 : i32
    %mul3A_157 = arith.muli %arg1, %mul3A_156 : i32
    "tpu.region"() ({
      %run_scoped3A = tpu.sem_alloc : memref<!tpu.dma_semaphore, #tpu.memory_space<semaphore_mem>>
      %dma_start3A_632 = arith.constant 0 : i32
      %dma_start3A_633 = tpu.memref_slice %arg10[%mul3A_157, %dma_start3A_632] : memref<10112x32xf32, #tpu.memory_space<vmem_shared>> -> memref<632x32xf32, #tpu.memory_space<vmem_shared>>
      tpu.enqueue_dma source(%arg5 : memref<632x32xf32, #tpu.memory_space<hbm>>) target(%dma_start3A_633 : memref<632x32xf32, #tpu.memory_space<vmem_shared>>) target_semaphore(%run_scoped3A : memref<!tpu.dma_semaphore, #tpu.memory_space<semaphore_mem>>)
      %dma_wait3A_634 = arith.constant 0 : i32
      %dma_wait3A_635 = tpu.memref_slice %arg10[%mul3A_157, %dma_wait3A_634] : memref<10112x32xf32, #tpu.memory_space<vmem_shared>> -> memref<632x32xf32, #tpu.memory_space<vmem_shared>>
      tpu.wait_dma2 semaphore(%run_scoped3A : memref<!tpu.dma_semaphore, #tpu.memory_space<semaphore_mem>>) src(%arg5 : memref<632x32xf32, #tpu.memory_space<hbm>>) dst(%dma_wait3A_635 : memref<632x32xf32, #tpu.memory_space<vmem_shared>>)
      tpu.yield
    }) : () -> ()
    %barrier3A = arith.constant 0 : index
    tpu.barrier barrier_id(%barrier3A)
    %dma_wait3A = arith.constant 0 : i32
    %dma_wait3A_158 = arith.constant 0 : i32
    %dma_wait3A_159 = arith.constant 0 : i32
    %dma_wait3A_160 = arith.constant 0 : i32
    %dma_wait3A_161 = tpu.memref_slice %arg9[%dma_wait3A_158, %dma_wait3A_159, %dma_wait3A_160] : memref<13x128x32xf32, #tpu.memory_space<vmem>> -> memref<1x128x32xf32, #tpu.memory_space<vmem>>
    %dma_wait3A_162 = tpu.memref_squeeze %dma_wait3A_161 : memref<1x128x32xf32, #tpu.memory_space<vmem>> -> memref<128x32xf32, #tpu.memory_space<vmem>>
    %dma_wait3A_163 = arith.constant 0 : i32
    %dma_wait3A_164 = tpu.memref_slice %arg7[%dma_wait3A, %dma_wait3A_163] : memref<13x128xi32, #tpu.memory_space<vmem>> -> memref<1x128xi32, #tpu.memory_space<vmem>>
    %dma_wait3A_165 = tpu.memref_squeeze %dma_wait3A_164 : memref<1x128xi32, #tpu.memory_space<vmem>> -> memref<128xi32, #tpu.memory_space<vmem>>
    %dma_wait3A_166 = arith.constant 0 : i32
    %dma_wait3A_167 = arith.constant 0 : i32
    %dma_wait3A_168 = tpu.memref_slice %arg2[%dma_wait3A_166, %dma_wait3A_167] : memref<10000x32xf32, #tpu.memory_space<hbm>> -> memref<10000x32xf32, #tpu.memory_space<hbm>>
    tpu.wait_indirect_dma semaphore(%arg11 : memref<!tpu.dma_semaphore, #tpu.memory_space<semaphore_mem>>) src(%dma_wait3A_168 : memref<10000x32xf32, #tpu.memory_space<hbm>>) dst(%dma_wait3A_162 : memref<128x32xf32, #tpu.memory_space<vmem>>)
    %dma_wait3A_169 = arith.constant 1 : i32
    %dma_wait3A_170 = arith.constant 1 : i32
    %dma_wait3A_171 = arith.constant 0 : i32
    %dma_wait3A_172 = arith.constant 0 : i32
    %dma_wait3A_173 = tpu.memref_slice %arg9[%dma_wait3A_170, %dma_wait3A_171, %dma_wait3A_172] : memref<13x128x32xf32, #tpu.memory_space<vmem>> -> memref<1x128x32xf32, #tpu.memory_space<vmem>>
    %dma_wait3A_174 = tpu.memref_squeeze %dma_wait3A_173 : memref<1x128x32xf32, #tpu.memory_space<vmem>> -> memref<128x32xf32, #tpu.memory_space<vmem>>
    %dma_wait3A_175 = arith.constant 0 : i32
    %dma_wait3A_176 = tpu.memref_slice %arg7[%dma_wait3A_169, %dma_wait3A_175] : memref<13x128xi32, #tpu.memory_space<vmem>> -> memref<1x128xi32, #tpu.memory_space<vmem>>
    %dma_wait3A_177 = tpu.memref_squeeze %dma_wait3A_176 : memref<1x128xi32, #tpu.memory_space<vmem>> -> memref<128xi32, #tpu.memory_space<vmem>>
    %dma_wait3A_178 = arith.constant 0 : i32
    %dma_wait3A_179 = arith.constant 0 : i32
    %dma_wait3A_180 = tpu.memref_slice %arg2[%dma_wait3A_178, %dma_wait3A_179] : memref<10000x32xf32, #tpu.memory_space<hbm>> -> memref<10000x32xf32, #tpu.memory_space<hbm>>
    tpu.wait_indirect_dma semaphore(%arg11 : memref<!tpu.dma_semaphore, #tpu.memory_space<semaphore_mem>>) src(%dma_wait3A_180 : memref<10000x32xf32, #tpu.memory_space<hbm>>) dst(%dma_wait3A_174 : memref<128x32xf32, #tpu.memory_space<vmem>>)
    %dma_wait3A_181 = arith.constant 2 : i32
    %dma_wait3A_182 = arith.constant 2 : i32
    %dma_wait3A_183 = arith.constant 0 : i32
    %dma_wait3A_184 = arith.constant 0 : i32
    %dma_wait3A_185 = tpu.memref_slice %arg9[%dma_wait3A_182, %dma_wait3A_183, %dma_wait3A_184] : memref<13x128x32xf32, #tpu.memory_space<vmem>> -> memref<1x128x32xf32, #tpu.memory_space<vmem>>
    %dma_wait3A_186 = tpu.memref_squeeze %dma_wait3A_185 : memref<1x128x32xf32, #tpu.memory_space<vmem>> -> memref<128x32xf32, #tpu.memory_space<vmem>>
    %dma_wait3A_187 = arith.constant 0 : i32
    %dma_wait3A_188 = tpu.memref_slice %arg7[%dma_wait3A_181, %dma_wait3A_187] : memref<13x128xi32, #tpu.memory_space<vmem>> -> memref<1x128xi32, #tpu.memory_space<vmem>>
    %dma_wait3A_189 = tpu.memref_squeeze %dma_wait3A_188 : memref<1x128xi32, #tpu.memory_space<vmem>> -> memref<128xi32, #tpu.memory_space<vmem>>
    %dma_wait3A_190 = arith.constant 0 : i32
    %dma_wait3A_191 = arith.constant 0 : i32
    %dma_wait3A_192 = tpu.memref_slice %arg2[%dma_wait3A_190, %dma_wait3A_191] : memref<10000x32xf32, #tpu.memory_space<hbm>> -> memref<10000x32xf32, #tpu.memory_space<hbm>>
    tpu.wait_indirect_dma semaphore(%arg11 : memref<!tpu.dma_semaphore, #tpu.memory_space<semaphore_mem>>) src(%dma_wait3A_192 : memref<10000x32xf32, #tpu.memory_space<hbm>>) dst(%dma_wait3A_186 : memref<128x32xf32, #tpu.memory_space<vmem>>)
    %dma_wait3A_193 = arith.constant 3 : i32
    %dma_wait3A_194 = arith.constant 3 : i32
    %dma_wait3A_195 = arith.constant 0 : i32
    %dma_wait3A_196 = arith.constant 0 : i32
    %dma_wait3A_197 = tpu.memref_slice %arg9[%dma_wait3A_194, %dma_wait3A_195, %dma_wait3A_196] : memref<13x128x32xf32, #tpu.memory_space<vmem>> -> memref<1x128x32xf32, #tpu.memory_space<vmem>>
    %dma_wait3A_198 = tpu.memref_squeeze %dma_wait3A_197 : memref<1x128x32xf32, #tpu.memory_space<vmem>> -> memref<128x32xf32, #tpu.memory_space<vmem>>
    %dma_wait3A_199 = arith.constant 0 : i32
    %dma_wait3A_200 = tpu.memref_slice %arg7[%dma_wait3A_193, %dma_wait3A_199] : memref<13x128xi32, #tpu.memory_space<vmem>> -> memref<1x128xi32, #tpu.memory_space<vmem>>
    %dma_wait3A_201 = tpu.memref_squeeze %dma_wait3A_200 : memref<1x128xi32, #tpu.memory_space<vmem>> -> memref<128xi32, #tpu.memory_space<vmem>>
    %dma_wait3A_202 = arith.constant 0 : i32
    %dma_wait3A_203 = arith.constant 0 : i32
    %dma_wait3A_204 = tpu.memref_slice %arg2[%dma_wait3A_202, %dma_wait3A_203] : memref<10000x32xf32, #tpu.memory_space<hbm>> -> memref<10000x32xf32, #tpu.memory_space<hbm>>
    tpu.wait_indirect_dma semaphore(%arg11 : memref<!tpu.dma_semaphore, #tpu.memory_space<semaphore_mem>>) src(%dma_wait3A_204 : memref<10000x32xf32, #tpu.memory_space<hbm>>) dst(%dma_wait3A_198 : memref<128x32xf32, #tpu.memory_space<vmem>>)
    %dma_wait3A_205 = arith.constant 4 : i32
    %dma_wait3A_206 = arith.constant 4 : i32
    %dma_wait3A_207 = arith.constant 0 : i32
    %dma_wait3A_208 = arith.constant 0 : i32
    %dma_wait3A_209 = tpu.memref_slice %arg9[%dma_wait3A_206, %dma_wait3A_207, %dma_wait3A_208] : memref<13x128x32xf32, #tpu.memory_space<vmem>> -> memref<1x128x32xf32, #tpu.memory_space<vmem>>
    %dma_wait3A_210 = tpu.memref_squeeze %dma_wait3A_209 : memref<1x128x32xf32, #tpu.memory_space<vmem>> -> memref<128x32xf32, #tpu.memory_space<vmem>>
    %dma_wait3A_211 = arith.constant 0 : i32
    %dma_wait3A_212 = tpu.memref_slice %arg7[%dma_wait3A_205, %dma_wait3A_211] : memref<13x128xi32, #tpu.memory_space<vmem>> -> memref<1x128xi32, #tpu.memory_space<vmem>>
    %dma_wait3A_213 = tpu.memref_squeeze %dma_wait3A_212 : memref<1x128xi32, #tpu.memory_space<vmem>> -> memref<128xi32, #tpu.memory_space<vmem>>
    %dma_wait3A_214 = arith.constant 0 : i32
    %dma_wait3A_215 = arith.constant 0 : i32
    %dma_wait3A_216 = tpu.memref_slice %arg2[%dma_wait3A_214, %dma_wait3A_215] : memref<10000x32xf32, #tpu.memory_space<hbm>> -> memref<10000x32xf32, #tpu.memory_space<hbm>>
    tpu.wait_indirect_dma semaphore(%arg11 : memref<!tpu.dma_semaphore, #tpu.memory_space<semaphore_mem>>) src(%dma_wait3A_216 : memref<10000x32xf32, #tpu.memory_space<hbm>>) dst(%dma_wait3A_210 : memref<128x32xf32, #tpu.memory_space<vmem>>)
    %dma_wait3A_217 = arith.constant 5 : i32
    %dma_wait3A_218 = arith.constant 5 : i32
    %dma_wait3A_219 = arith.constant 0 : i32
    %dma_wait3A_220 = arith.constant 0 : i32
    %dma_wait3A_221 = tpu.memref_slice %arg9[%dma_wait3A_218, %dma_wait3A_219, %dma_wait3A_220] : memref<13x128x32xf32, #tpu.memory_space<vmem>> -> memref<1x128x32xf32, #tpu.memory_space<vmem>>
    %dma_wait3A_222 = tpu.memref_squeeze %dma_wait3A_221 : memref<1x128x32xf32, #tpu.memory_space<vmem>> -> memref<128x32xf32, #tpu.memory_space<vmem>>
    %dma_wait3A_223 = arith.constant 0 : i32
    %dma_wait3A_224 = tpu.memref_slice %arg7[%dma_wait3A_217, %dma_wait3A_223] : memref<13x128xi32, #tpu.memory_space<vmem>> -> memref<1x128xi32, #tpu.memory_space<vmem>>
    %dma_wait3A_225 = tpu.memref_squeeze %dma_wait3A_224 : memref<1x128xi32, #tpu.memory_space<vmem>> -> memref<128xi32, #tpu.memory_space<vmem>>
    %dma_wait3A_226 = arith.constant 0 : i32
    %dma_wait3A_227 = arith.constant 0 : i32
    %dma_wait3A_228 = tpu.memref_slice %arg2[%dma_wait3A_226, %dma_wait3A_227] : memref<10000x32xf32, #tpu.memory_space<hbm>> -> memref<10000x32xf32, #tpu.memory_space<hbm>>
    tpu.wait_indirect_dma semaphore(%arg11 : memref<!tpu.dma_semaphore, #tpu.memory_space<semaphore_mem>>) src(%dma_wait3A_228 : memref<10000x32xf32, #tpu.memory_space<hbm>>) dst(%dma_wait3A_222 : memref<128x32xf32, #tpu.memory_space<vmem>>)
    %dma_wait3A_229 = arith.constant 6 : i32
    %dma_wait3A_230 = arith.constant 6 : i32
    %dma_wait3A_231 = arith.constant 0 : i32
    %dma_wait3A_232 = arith.constant 0 : i32
    %dma_wait3A_233 = tpu.memref_slice %arg9[%dma_wait3A_230, %dma_wait3A_231, %dma_wait3A_232] : memref<13x128x32xf32, #tpu.memory_space<vmem>> -> memref<1x128x32xf32, #tpu.memory_space<vmem>>
    %dma_wait3A_234 = tpu.memref_squeeze %dma_wait3A_233 : memref<1x128x32xf32, #tpu.memory_space<vmem>> -> memref<128x32xf32, #tpu.memory_space<vmem>>
    %dma_wait3A_235 = arith.constant 0 : i32
    %dma_wait3A_236 = tpu.memref_slice %arg7[%dma_wait3A_229, %dma_wait3A_235] : memref<13x128xi32, #tpu.memory_space<vmem>> -> memref<1x128xi32, #tpu.memory_space<vmem>>
    %dma_wait3A_237 = tpu.memref_squeeze %dma_wait3A_236 : memref<1x128xi32, #tpu.memory_space<vmem>> -> memref<128xi32, #tpu.memory_space<vmem>>
    %dma_wait3A_238 = arith.constant 0 : i32
    %dma_wait3A_239 = arith.constant 0 : i32
    %dma_wait3A_240 = tpu.memref_slice %arg2[%dma_wait3A_238, %dma_wait3A_239] : memref<10000x32xf32, #tpu.memory_space<hbm>> -> memref<10000x32xf32, #tpu.memory_space<hbm>>
    tpu.wait_indirect_dma semaphore(%arg11 : memref<!tpu.dma_semaphore, #tpu.memory_space<semaphore_mem>>) src(%dma_wait3A_240 : memref<10000x32xf32, #tpu.memory_space<hbm>>) dst(%dma_wait3A_234 : memref<128x32xf32, #tpu.memory_space<vmem>>)
    %dma_wait3A_241 = arith.constant 7 : i32
    %dma_wait3A_242 = arith.constant 7 : i32
    %dma_wait3A_243 = arith.constant 0 : i32
    %dma_wait3A_244 = arith.constant 0 : i32
    %dma_wait3A_245 = tpu.memref_slice %arg9[%dma_wait3A_242, %dma_wait3A_243, %dma_wait3A_244] : memref<13x128x32xf32, #tpu.memory_space<vmem>> -> memref<1x128x32xf32, #tpu.memory_space<vmem>>
    %dma_wait3A_246 = tpu.memref_squeeze %dma_wait3A_245 : memref<1x128x32xf32, #tpu.memory_space<vmem>> -> memref<128x32xf32, #tpu.memory_space<vmem>>
    %dma_wait3A_247 = arith.constant 0 : i32
    %dma_wait3A_248 = tpu.memref_slice %arg7[%dma_wait3A_241, %dma_wait3A_247] : memref<13x128xi32, #tpu.memory_space<vmem>> -> memref<1x128xi32, #tpu.memory_space<vmem>>
    %dma_wait3A_249 = tpu.memref_squeeze %dma_wait3A_248 : memref<1x128xi32, #tpu.memory_space<vmem>> -> memref<128xi32, #tpu.memory_space<vmem>>
    %dma_wait3A_250 = arith.constant 0 : i32
    %dma_wait3A_251 = arith.constant 0 : i32
    %dma_wait3A_252 = tpu.memref_slice %arg2[%dma_wait3A_250, %dma_wait3A_251] : memref<10000x32xf32, #tpu.memory_space<hbm>> -> memref<10000x32xf32, #tpu.memory_space<hbm>>
    tpu.wait_indirect_dma semaphore(%arg11 : memref<!tpu.dma_semaphore, #tpu.memory_space<semaphore_mem>>) src(%dma_wait3A_252 : memref<10000x32xf32, #tpu.memory_space<hbm>>) dst(%dma_wait3A_246 : memref<128x32xf32, #tpu.memory_space<vmem>>)
    %dma_wait3A_253 = arith.constant 8 : i32
    %dma_wait3A_254 = arith.constant 8 : i32
    %dma_wait3A_255 = arith.constant 0 : i32
    %dma_wait3A_256 = arith.constant 0 : i32
    %dma_wait3A_257 = tpu.memref_slice %arg9[%dma_wait3A_254, %dma_wait3A_255, %dma_wait3A_256] : memref<13x128x32xf32, #tpu.memory_space<vmem>> -> memref<1x128x32xf32, #tpu.memory_space<vmem>>
    %dma_wait3A_258 = tpu.memref_squeeze %dma_wait3A_257 : memref<1x128x32xf32, #tpu.memory_space<vmem>> -> memref<128x32xf32, #tpu.memory_space<vmem>>
    %dma_wait3A_259 = arith.constant 0 : i32
    %dma_wait3A_260 = tpu.memref_slice %arg7[%dma_wait3A_253, %dma_wait3A_259] : memref<13x128xi32, #tpu.memory_space<vmem>> -> memref<1x128xi32, #tpu.memory_space<vmem>>
    %dma_wait3A_261 = tpu.memref_squeeze %dma_wait3A_260 : memref<1x128xi32, #tpu.memory_space<vmem>> -> memref<128xi32, #tpu.memory_space<vmem>>
    %dma_wait3A_262 = arith.constant 0 : i32
    %dma_wait3A_263 = arith.constant 0 : i32
    %dma_wait3A_264 = tpu.memref_slice %arg2[%dma_wait3A_262, %dma_wait3A_263] : memref<10000x32xf32, #tpu.memory_space<hbm>> -> memref<10000x32xf32, #tpu.memory_space<hbm>>
    tpu.wait_indirect_dma semaphore(%arg11 : memref<!tpu.dma_semaphore, #tpu.memory_space<semaphore_mem>>) src(%dma_wait3A_264 : memref<10000x32xf32, #tpu.memory_space<hbm>>) dst(%dma_wait3A_258 : memref<128x32xf32, #tpu.memory_space<vmem>>)
    %dma_wait3A_265 = arith.constant 9 : i32
    %dma_wait3A_266 = arith.constant 9 : i32
    %dma_wait3A_267 = arith.constant 0 : i32
    %dma_wait3A_268 = arith.constant 0 : i32
    %dma_wait3A_269 = tpu.memref_slice %arg9[%dma_wait3A_266, %dma_wait3A_267, %dma_wait3A_268] : memref<13x128x32xf32, #tpu.memory_space<vmem>> -> memref<1x128x32xf32, #tpu.memory_space<vmem>>
    %dma_wait3A_270 = tpu.memref_squeeze %dma_wait3A_269 : memref<1x128x32xf32, #tpu.memory_space<vmem>> -> memref<128x32xf32, #tpu.memory_space<vmem>>
    %dma_wait3A_271 = arith.constant 0 : i32
    %dma_wait3A_272 = tpu.memref_slice %arg7[%dma_wait3A_265, %dma_wait3A_271] : memref<13x128xi32, #tpu.memory_space<vmem>> -> memref<1x128xi32, #tpu.memory_space<vmem>>
    %dma_wait3A_273 = tpu.memref_squeeze %dma_wait3A_272 : memref<1x128xi32, #tpu.memory_space<vmem>> -> memref<128xi32, #tpu.memory_space<vmem>>
    %dma_wait3A_274 = arith.constant 0 : i32
    %dma_wait3A_275 = arith.constant 0 : i32
    %dma_wait3A_276 = tpu.memref_slice %arg2[%dma_wait3A_274, %dma_wait3A_275] : memref<10000x32xf32, #tpu.memory_space<hbm>> -> memref<10000x32xf32, #tpu.memory_space<hbm>>
    tpu.wait_indirect_dma semaphore(%arg11 : memref<!tpu.dma_semaphore, #tpu.memory_space<semaphore_mem>>) src(%dma_wait3A_276 : memref<10000x32xf32, #tpu.memory_space<hbm>>) dst(%dma_wait3A_270 : memref<128x32xf32, #tpu.memory_space<vmem>>)
    %dma_wait3A_277 = arith.constant 10 : i32
    %dma_wait3A_278 = arith.constant 10 : i32
    %dma_wait3A_279 = arith.constant 0 : i32
    %dma_wait3A_280 = arith.constant 0 : i32
    %dma_wait3A_281 = tpu.memref_slice %arg9[%dma_wait3A_278, %dma_wait3A_279, %dma_wait3A_280] : memref<13x128x32xf32, #tpu.memory_space<vmem>> -> memref<1x128x32xf32, #tpu.memory_space<vmem>>
    %dma_wait3A_282 = tpu.memref_squeeze %dma_wait3A_281 : memref<1x128x32xf32, #tpu.memory_space<vmem>> -> memref<128x32xf32, #tpu.memory_space<vmem>>
    %dma_wait3A_283 = arith.constant 0 : i32
    %dma_wait3A_284 = tpu.memref_slice %arg7[%dma_wait3A_277, %dma_wait3A_283] : memref<13x128xi32, #tpu.memory_space<vmem>> -> memref<1x128xi32, #tpu.memory_space<vmem>>
    %dma_wait3A_285 = tpu.memref_squeeze %dma_wait3A_284 : memref<1x128xi32, #tpu.memory_space<vmem>> -> memref<128xi32, #tpu.memory_space<vmem>>
    %dma_wait3A_286 = arith.constant 0 : i32
    %dma_wait3A_287 = arith.constant 0 : i32
    %dma_wait3A_288 = tpu.memref_slice %arg2[%dma_wait3A_286, %dma_wait3A_287] : memref<10000x32xf32, #tpu.memory_space<hbm>> -> memref<10000x32xf32, #tpu.memory_space<hbm>>
    tpu.wait_indirect_dma semaphore(%arg11 : memref<!tpu.dma_semaphore, #tpu.memory_space<semaphore_mem>>) src(%dma_wait3A_288 : memref<10000x32xf32, #tpu.memory_space<hbm>>) dst(%dma_wait3A_282 : memref<128x32xf32, #tpu.memory_space<vmem>>)
    %dma_wait3A_289 = arith.constant 11 : i32
    %dma_wait3A_290 = arith.constant 11 : i32
    %dma_wait3A_291 = arith.constant 0 : i32
    %dma_wait3A_292 = arith.constant 0 : i32
    %dma_wait3A_293 = tpu.memref_slice %arg9[%dma_wait3A_290, %dma_wait3A_291, %dma_wait3A_292] : memref<13x128x32xf32, #tpu.memory_space<vmem>> -> memref<1x128x32xf32, #tpu.memory_space<vmem>>
    %dma_wait3A_294 = tpu.memref_squeeze %dma_wait3A_293 : memref<1x128x32xf32, #tpu.memory_space<vmem>> -> memref<128x32xf32, #tpu.memory_space<vmem>>
    %dma_wait3A_295 = arith.constant 0 : i32
    %dma_wait3A_296 = tpu.memref_slice %arg7[%dma_wait3A_289, %dma_wait3A_295] : memref<13x128xi32, #tpu.memory_space<vmem>> -> memref<1x128xi32, #tpu.memory_space<vmem>>
    %dma_wait3A_297 = tpu.memref_squeeze %dma_wait3A_296 : memref<1x128xi32, #tpu.memory_space<vmem>> -> memref<128xi32, #tpu.memory_space<vmem>>
    %dma_wait3A_298 = arith.constant 0 : i32
    %dma_wait3A_299 = arith.constant 0 : i32
    %dma_wait3A_300 = tpu.memref_slice %arg2[%dma_wait3A_298, %dma_wait3A_299] : memref<10000x32xf32, #tpu.memory_space<hbm>> -> memref<10000x32xf32, #tpu.memory_space<hbm>>
    tpu.wait_indirect_dma semaphore(%arg11 : memref<!tpu.dma_semaphore, #tpu.memory_space<semaphore_mem>>) src(%dma_wait3A_300 : memref<10000x32xf32, #tpu.memory_space<hbm>>) dst(%dma_wait3A_294 : memref<128x32xf32, #tpu.memory_space<vmem>>)
    %dma_wait3A_301 = arith.constant 12 : i32
    %dma_wait3A_302 = arith.constant 12 : i32
    %dma_wait3A_303 = arith.constant 0 : i32
    %dma_wait3A_304 = arith.constant 0 : i32
    %dma_wait3A_305 = tpu.memref_slice %arg9[%dma_wait3A_302, %dma_wait3A_303, %dma_wait3A_304] : memref<13x128x32xf32, #tpu.memory_space<vmem>> -> memref<1x128x32xf32, #tpu.memory_space<vmem>>
    %dma_wait3A_306 = tpu.memref_squeeze %dma_wait3A_305 : memref<1x128x32xf32, #tpu.memory_space<vmem>> -> memref<128x32xf32, #tpu.memory_space<vmem>>
    %dma_wait3A_307 = arith.constant 0 : i32
    %dma_wait3A_308 = tpu.memref_slice %arg7[%dma_wait3A_301, %dma_wait3A_307] : memref<13x128xi32, #tpu.memory_space<vmem>> -> memref<1x128xi32, #tpu.memory_space<vmem>>
    %dma_wait3A_309 = tpu.memref_squeeze %dma_wait3A_308 : memref<1x128xi32, #tpu.memory_space<vmem>> -> memref<128xi32, #tpu.memory_space<vmem>>
    %dma_wait3A_310 = arith.constant 0 : i32
    %dma_wait3A_311 = arith.constant 0 : i32
    %dma_wait3A_312 = tpu.memref_slice %arg2[%dma_wait3A_310, %dma_wait3A_311] : memref<10000x32xf32, #tpu.memory_space<hbm>> -> memref<10000x32xf32, #tpu.memory_space<hbm>>
    tpu.wait_indirect_dma semaphore(%arg11 : memref<!tpu.dma_semaphore, #tpu.memory_space<semaphore_mem>>) src(%dma_wait3A_312 : memref<10000x32xf32, #tpu.memory_space<hbm>>) dst(%dma_wait3A_306 : memref<128x32xf32, #tpu.memory_space<vmem>>)
    %dma_start3A_313 = arith.constant 0 : i32
    %dma_start3A_314 = arith.constant 0 : i32
    %dma_start3A_315 = arith.constant 0 : i32
    %dma_start3A_316 = arith.constant 0 : i32
    %dma_start3A_317 = tpu.memref_slice %arg9[%dma_start3A_313, %dma_start3A_315, %dma_start3A_316] : memref<13x128x32xf32, #tpu.memory_space<vmem>> -> memref<1x128x32xf32, #tpu.memory_space<vmem>>
    %dma_start3A_318 = tpu.memref_squeeze %dma_start3A_317 : memref<1x128x32xf32, #tpu.memory_space<vmem>> -> memref<128x32xf32, #tpu.memory_space<vmem>>
    %dma_start3A_319 = arith.constant 0 : i32
    %dma_start3A_320 = tpu.memref_slice %arg8[%dma_start3A_314, %dma_start3A_319] : memref<13x128xi32, #tpu.memory_space<vmem>> -> memref<1x128xi32, #tpu.memory_space<vmem>>
    %dma_start3A_321 = tpu.memref_squeeze %dma_start3A_320 : memref<1x128xi32, #tpu.memory_space<vmem>> -> memref<128xi32, #tpu.memory_space<vmem>>
    %dma_start3A_322 = arith.constant 0 : i32
    %dma_start3A_323 = arith.constant 0 : i32
    %dma_start3A_324 = tpu.memref_slice %arg10[%dma_start3A_322, %dma_start3A_323] : memref<10112x32xf32, #tpu.memory_space<vmem_shared>> -> memref<10112x32xf32, #tpu.memory_space<vmem_shared>>
    tpu.enqueue_indirect_dma source(%dma_start3A_318 : memref<128x32xf32, #tpu.memory_space<vmem>>) target(%dma_start3A_324 : memref<10112x32xf32, #tpu.memory_space<vmem_shared>>) offsets(%dma_start3A_321 : memref<128xi32, #tpu.memory_space<vmem>>) semaphore(%arg12 : memref<!tpu.dma_semaphore, #tpu.memory_space<semaphore_mem>>) {add = true}
    %dma_start3A_325 = arith.constant 1 : i32
    %dma_start3A_326 = arith.constant 1 : i32
    %dma_start3A_327 = arith.constant 0 : i32
    %dma_start3A_328 = arith.constant 0 : i32
    %dma_start3A_329 = tpu.memref_slice %arg9[%dma_start3A_325, %dma_start3A_327, %dma_start3A_328] : memref<13x128x32xf32, #tpu.memory_space<vmem>> -> memref<1x128x32xf32, #tpu.memory_space<vmem>>
    %dma_start3A_330 = tpu.memref_squeeze %dma_start3A_329 : memref<1x128x32xf32, #tpu.memory_space<vmem>> -> memref<128x32xf32, #tpu.memory_space<vmem>>
    %dma_start3A_331 = arith.constant 0 : i32
    %dma_start3A_332 = tpu.memref_slice %arg8[%dma_start3A_326, %dma_start3A_331] : memref<13x128xi32, #tpu.memory_space<vmem>> -> memref<1x128xi32, #tpu.memory_space<vmem>>
    %dma_start3A_333 = tpu.memref_squeeze %dma_start3A_332 : memref<1x128xi32, #tpu.memory_space<vmem>> -> memref<128xi32, #tpu.memory_space<vmem>>
    %dma_start3A_334 = arith.constant 0 : i32
    %dma_start3A_335 = arith.constant 0 : i32
    %dma_start3A_336 = tpu.memref_slice %arg10[%dma_start3A_334, %dma_start3A_335] : memref<10112x32xf32, #tpu.memory_space<vmem_shared>> -> memref<10112x32xf32, #tpu.memory_space<vmem_shared>>
    tpu.enqueue_indirect_dma source(%dma_start3A_330 : memref<128x32xf32, #tpu.memory_space<vmem>>) target(%dma_start3A_336 : memref<10112x32xf32, #tpu.memory_space<vmem_shared>>) offsets(%dma_start3A_333 : memref<128xi32, #tpu.memory_space<vmem>>) semaphore(%arg12 : memref<!tpu.dma_semaphore, #tpu.memory_space<semaphore_mem>>) {add = true}
    %dma_start3A_337 = arith.constant 2 : i32
    %dma_start3A_338 = arith.constant 2 : i32
    %dma_start3A_339 = arith.constant 0 : i32
    %dma_start3A_340 = arith.constant 0 : i32
    %dma_start3A_341 = tpu.memref_slice %arg9[%dma_start3A_337, %dma_start3A_339, %dma_start3A_340] : memref<13x128x32xf32, #tpu.memory_space<vmem>> -> memref<1x128x32xf32, #tpu.memory_space<vmem>>
    %dma_start3A_342 = tpu.memref_squeeze %dma_start3A_341 : memref<1x128x32xf32, #tpu.memory_space<vmem>> -> memref<128x32xf32, #tpu.memory_space<vmem>>
    %dma_start3A_343 = arith.constant 0 : i32
    %dma_start3A_344 = tpu.memref_slice %arg8[%dma_start3A_338, %dma_start3A_343] : memref<13x128xi32, #tpu.memory_space<vmem>> -> memref<1x128xi32, #tpu.memory_space<vmem>>
    %dma_start3A_345 = tpu.memref_squeeze %dma_start3A_344 : memref<1x128xi32, #tpu.memory_space<vmem>> -> memref<128xi32, #tpu.memory_space<vmem>>
    %dma_start3A_346 = arith.constant 0 : i32
    %dma_start3A_347 = arith.constant 0 : i32
    %dma_start3A_348 = tpu.memref_slice %arg10[%dma_start3A_346, %dma_start3A_347] : memref<10112x32xf32, #tpu.memory_space<vmem_shared>> -> memref<10112x32xf32, #tpu.memory_space<vmem_shared>>
    tpu.enqueue_indirect_dma source(%dma_start3A_342 : memref<128x32xf32, #tpu.memory_space<vmem>>) target(%dma_start3A_348 : memref<10112x32xf32, #tpu.memory_space<vmem_shared>>) offsets(%dma_start3A_345 : memref<128xi32, #tpu.memory_space<vmem>>) semaphore(%arg12 : memref<!tpu.dma_semaphore, #tpu.memory_space<semaphore_mem>>) {add = true}
    %dma_start3A_349 = arith.constant 3 : i32
    %dma_start3A_350 = arith.constant 3 : i32
    %dma_start3A_351 = arith.constant 0 : i32
    %dma_start3A_352 = arith.constant 0 : i32
    %dma_start3A_353 = tpu.memref_slice %arg9[%dma_start3A_349, %dma_start3A_351, %dma_start3A_352] : memref<13x128x32xf32, #tpu.memory_space<vmem>> -> memref<1x128x32xf32, #tpu.memory_space<vmem>>
    %dma_start3A_354 = tpu.memref_squeeze %dma_start3A_353 : memref<1x128x32xf32, #tpu.memory_space<vmem>> -> memref<128x32xf32, #tpu.memory_space<vmem>>
    %dma_start3A_355 = arith.constant 0 : i32
    %dma_start3A_356 = tpu.memref_slice %arg8[%dma_start3A_350, %dma_start3A_355] : memref<13x128xi32, #tpu.memory_space<vmem>> -> memref<1x128xi32, #tpu.memory_space<vmem>>
    %dma_start3A_357 = tpu.memref_squeeze %dma_start3A_356 : memref<1x128xi32, #tpu.memory_space<vmem>> -> memref<128xi32, #tpu.memory_space<vmem>>
    %dma_start3A_358 = arith.constant 0 : i32
    %dma_start3A_359 = arith.constant 0 : i32
    %dma_start3A_360 = tpu.memref_slice %arg10[%dma_start3A_358, %dma_start3A_359] : memref<10112x32xf32, #tpu.memory_space<vmem_shared>> -> memref<10112x32xf32, #tpu.memory_space<vmem_shared>>
    tpu.enqueue_indirect_dma source(%dma_start3A_354 : memref<128x32xf32, #tpu.memory_space<vmem>>) target(%dma_start3A_360 : memref<10112x32xf32, #tpu.memory_space<vmem_shared>>) offsets(%dma_start3A_357 : memref<128xi32, #tpu.memory_space<vmem>>) semaphore(%arg12 : memref<!tpu.dma_semaphore, #tpu.memory_space<semaphore_mem>>) {add = true}
    %dma_start3A_361 = arith.constant 4 : i32
    %dma_start3A_362 = arith.constant 4 : i32
    %dma_start3A_363 = arith.constant 0 : i32
    %dma_start3A_364 = arith.constant 0 : i32
    %dma_start3A_365 = tpu.memref_slice %arg9[%dma_start3A_361, %dma_start3A_363, %dma_start3A_364] : memref<13x128x32xf32, #tpu.memory_space<vmem>> -> memref<1x128x32xf32, #tpu.memory_space<vmem>>
    %dma_start3A_366 = tpu.memref_squeeze %dma_start3A_365 : memref<1x128x32xf32, #tpu.memory_space<vmem>> -> memref<128x32xf32, #tpu.memory_space<vmem>>
    %dma_start3A_367 = arith.constant 0 : i32
    %dma_start3A_368 = tpu.memref_slice %arg8[%dma_start3A_362, %dma_start3A_367] : memref<13x128xi32, #tpu.memory_space<vmem>> -> memref<1x128xi32, #tpu.memory_space<vmem>>
    %dma_start3A_369 = tpu.memref_squeeze %dma_start3A_368 : memref<1x128xi32, #tpu.memory_space<vmem>> -> memref<128xi32, #tpu.memory_space<vmem>>
    %dma_start3A_370 = arith.constant 0 : i32
    %dma_start3A_371 = arith.constant 0 : i32
    %dma_start3A_372 = tpu.memref_slice %arg10[%dma_start3A_370, %dma_start3A_371] : memref<10112x32xf32, #tpu.memory_space<vmem_shared>> -> memref<10112x32xf32, #tpu.memory_space<vmem_shared>>
    tpu.enqueue_indirect_dma source(%dma_start3A_366 : memref<128x32xf32, #tpu.memory_space<vmem>>) target(%dma_start3A_372 : memref<10112x32xf32, #tpu.memory_space<vmem_shared>>) offsets(%dma_start3A_369 : memref<128xi32, #tpu.memory_space<vmem>>) semaphore(%arg12 : memref<!tpu.dma_semaphore, #tpu.memory_space<semaphore_mem>>) {add = true}
    %dma_start3A_373 = arith.constant 5 : i32
    %dma_start3A_374 = arith.constant 5 : i32
    %dma_start3A_375 = arith.constant 0 : i32
    %dma_start3A_376 = arith.constant 0 : i32
    %dma_start3A_377 = tpu.memref_slice %arg9[%dma_start3A_373, %dma_start3A_375, %dma_start3A_376] : memref<13x128x32xf32, #tpu.memory_space<vmem>> -> memref<1x128x32xf32, #tpu.memory_space<vmem>>
    %dma_start3A_378 = tpu.memref_squeeze %dma_start3A_377 : memref<1x128x32xf32, #tpu.memory_space<vmem>> -> memref<128x32xf32, #tpu.memory_space<vmem>>
    %dma_start3A_379 = arith.constant 0 : i32
    %dma_start3A_380 = tpu.memref_slice %arg8[%dma_start3A_374, %dma_start3A_379] : memref<13x128xi32, #tpu.memory_space<vmem>> -> memref<1x128xi32, #tpu.memory_space<vmem>>
    %dma_start3A_381 = tpu.memref_squeeze %dma_start3A_380 : memref<1x128xi32, #tpu.memory_space<vmem>> -> memref<128xi32, #tpu.memory_space<vmem>>
    %dma_start3A_382 = arith.constant 0 : i32
    %dma_start3A_383 = arith.constant 0 : i32
    %dma_start3A_384 = tpu.memref_slice %arg10[%dma_start3A_382, %dma_start3A_383] : memref<10112x32xf32, #tpu.memory_space<vmem_shared>> -> memref<10112x32xf32, #tpu.memory_space<vmem_shared>>
    tpu.enqueue_indirect_dma source(%dma_start3A_378 : memref<128x32xf32, #tpu.memory_space<vmem>>) target(%dma_start3A_384 : memref<10112x32xf32, #tpu.memory_space<vmem_shared>>) offsets(%dma_start3A_381 : memref<128xi32, #tpu.memory_space<vmem>>) semaphore(%arg12 : memref<!tpu.dma_semaphore, #tpu.memory_space<semaphore_mem>>) {add = true}
    %dma_start3A_385 = arith.constant 6 : i32
    %dma_start3A_386 = arith.constant 6 : i32
    %dma_start3A_387 = arith.constant 0 : i32
    %dma_start3A_388 = arith.constant 0 : i32
    %dma_start3A_389 = tpu.memref_slice %arg9[%dma_start3A_385, %dma_start3A_387, %dma_start3A_388] : memref<13x128x32xf32, #tpu.memory_space<vmem>> -> memref<1x128x32xf32, #tpu.memory_space<vmem>>
    %dma_start3A_390 = tpu.memref_squeeze %dma_start3A_389 : memref<1x128x32xf32, #tpu.memory_space<vmem>> -> memref<128x32xf32, #tpu.memory_space<vmem>>
    %dma_start3A_391 = arith.constant 0 : i32
    %dma_start3A_392 = tpu.memref_slice %arg8[%dma_start3A_386, %dma_start3A_391] : memref<13x128xi32, #tpu.memory_space<vmem>> -> memref<1x128xi32, #tpu.memory_space<vmem>>
    %dma_start3A_393 = tpu.memref_squeeze %dma_start3A_392 : memref<1x128xi32, #tpu.memory_space<vmem>> -> memref<128xi32, #tpu.memory_space<vmem>>
    %dma_start3A_394 = arith.constant 0 : i32
    %dma_start3A_395 = arith.constant 0 : i32
    %dma_start3A_396 = tpu.memref_slice %arg10[%dma_start3A_394, %dma_start3A_395] : memref<10112x32xf32, #tpu.memory_space<vmem_shared>> -> memref<10112x32xf32, #tpu.memory_space<vmem_shared>>
    tpu.enqueue_indirect_dma source(%dma_start3A_390 : memref<128x32xf32, #tpu.memory_space<vmem>>) target(%dma_start3A_396 : memref<10112x32xf32, #tpu.memory_space<vmem_shared>>) offsets(%dma_start3A_393 : memref<128xi32, #tpu.memory_space<vmem>>) semaphore(%arg12 : memref<!tpu.dma_semaphore, #tpu.memory_space<semaphore_mem>>) {add = true}
    %dma_start3A_397 = arith.constant 7 : i32
    %dma_start3A_398 = arith.constant 7 : i32
    %dma_start3A_399 = arith.constant 0 : i32
    %dma_start3A_400 = arith.constant 0 : i32
    %dma_start3A_401 = tpu.memref_slice %arg9[%dma_start3A_397, %dma_start3A_399, %dma_start3A_400] : memref<13x128x32xf32, #tpu.memory_space<vmem>> -> memref<1x128x32xf32, #tpu.memory_space<vmem>>
    %dma_start3A_402 = tpu.memref_squeeze %dma_start3A_401 : memref<1x128x32xf32, #tpu.memory_space<vmem>> -> memref<128x32xf32, #tpu.memory_space<vmem>>
    %dma_start3A_403 = arith.constant 0 : i32
    %dma_start3A_404 = tpu.memref_slice %arg8[%dma_start3A_398, %dma_start3A_403] : memref<13x128xi32, #tpu.memory_space<vmem>> -> memref<1x128xi32, #tpu.memory_space<vmem>>
    %dma_start3A_405 = tpu.memref_squeeze %dma_start3A_404 : memref<1x128xi32, #tpu.memory_space<vmem>> -> memref<128xi32, #tpu.memory_space<vmem>>
    %dma_start3A_406 = arith.constant 0 : i32
    %dma_start3A_407 = arith.constant 0 : i32
    %dma_start3A_408 = tpu.memref_slice %arg10[%dma_start3A_406, %dma_start3A_407] : memref<10112x32xf32, #tpu.memory_space<vmem_shared>> -> memref<10112x32xf32, #tpu.memory_space<vmem_shared>>
    tpu.enqueue_indirect_dma source(%dma_start3A_402 : memref<128x32xf32, #tpu.memory_space<vmem>>) target(%dma_start3A_408 : memref<10112x32xf32, #tpu.memory_space<vmem_shared>>) offsets(%dma_start3A_405 : memref<128xi32, #tpu.memory_space<vmem>>) semaphore(%arg12 : memref<!tpu.dma_semaphore, #tpu.memory_space<semaphore_mem>>) {add = true}
    %dma_start3A_409 = arith.constant 8 : i32
    %dma_start3A_410 = arith.constant 8 : i32
    %dma_start3A_411 = arith.constant 0 : i32
    %dma_start3A_412 = arith.constant 0 : i32
    %dma_start3A_413 = tpu.memref_slice %arg9[%dma_start3A_409, %dma_start3A_411, %dma_start3A_412] : memref<13x128x32xf32, #tpu.memory_space<vmem>> -> memref<1x128x32xf32, #tpu.memory_space<vmem>>
    %dma_start3A_414 = tpu.memref_squeeze %dma_start3A_413 : memref<1x128x32xf32, #tpu.memory_space<vmem>> -> memref<128x32xf32, #tpu.memory_space<vmem>>
    %dma_start3A_415 = arith.constant 0 : i32
    %dma_start3A_416 = tpu.memref_slice %arg8[%dma_start3A_410, %dma_start3A_415] : memref<13x128xi32, #tpu.memory_space<vmem>> -> memref<1x128xi32, #tpu.memory_space<vmem>>
    %dma_start3A_417 = tpu.memref_squeeze %dma_start3A_416 : memref<1x128xi32, #tpu.memory_space<vmem>> -> memref<128xi32, #tpu.memory_space<vmem>>
    %dma_start3A_418 = arith.constant 0 : i32
    %dma_start3A_419 = arith.constant 0 : i32
    %dma_start3A_420 = tpu.memref_slice %arg10[%dma_start3A_418, %dma_start3A_419] : memref<10112x32xf32, #tpu.memory_space<vmem_shared>> -> memref<10112x32xf32, #tpu.memory_space<vmem_shared>>
    tpu.enqueue_indirect_dma source(%dma_start3A_414 : memref<128x32xf32, #tpu.memory_space<vmem>>) target(%dma_start3A_420 : memref<10112x32xf32, #tpu.memory_space<vmem_shared>>) offsets(%dma_start3A_417 : memref<128xi32, #tpu.memory_space<vmem>>) semaphore(%arg12 : memref<!tpu.dma_semaphore, #tpu.memory_space<semaphore_mem>>) {add = true}
    %dma_start3A_421 = arith.constant 9 : i32
    %dma_start3A_422 = arith.constant 9 : i32
    %dma_start3A_423 = arith.constant 0 : i32
    %dma_start3A_424 = arith.constant 0 : i32
    %dma_start3A_425 = tpu.memref_slice %arg9[%dma_start3A_421, %dma_start3A_423, %dma_start3A_424] : memref<13x128x32xf32, #tpu.memory_space<vmem>> -> memref<1x128x32xf32, #tpu.memory_space<vmem>>
    %dma_start3A_426 = tpu.memref_squeeze %dma_start3A_425 : memref<1x128x32xf32, #tpu.memory_space<vmem>> -> memref<128x32xf32, #tpu.memory_space<vmem>>
    %dma_start3A_427 = arith.constant 0 : i32
    %dma_start3A_428 = tpu.memref_slice %arg8[%dma_start3A_422, %dma_start3A_427] : memref<13x128xi32, #tpu.memory_space<vmem>> -> memref<1x128xi32, #tpu.memory_space<vmem>>
    %dma_start3A_429 = tpu.memref_squeeze %dma_start3A_428 : memref<1x128xi32, #tpu.memory_space<vmem>> -> memref<128xi32, #tpu.memory_space<vmem>>
    %dma_start3A_430 = arith.constant 0 : i32
    %dma_start3A_431 = arith.constant 0 : i32
    %dma_start3A_432 = tpu.memref_slice %arg10[%dma_start3A_430, %dma_start3A_431] : memref<10112x32xf32, #tpu.memory_space<vmem_shared>> -> memref<10112x32xf32, #tpu.memory_space<vmem_shared>>
    tpu.enqueue_indirect_dma source(%dma_start3A_426 : memref<128x32xf32, #tpu.memory_space<vmem>>) target(%dma_start3A_432 : memref<10112x32xf32, #tpu.memory_space<vmem_shared>>) offsets(%dma_start3A_429 : memref<128xi32, #tpu.memory_space<vmem>>) semaphore(%arg12 : memref<!tpu.dma_semaphore, #tpu.memory_space<semaphore_mem>>) {add = true}
    %dma_start3A_433 = arith.constant 10 : i32
    %dma_start3A_434 = arith.constant 10 : i32
    %dma_start3A_435 = arith.constant 0 : i32
    %dma_start3A_436 = arith.constant 0 : i32
    %dma_start3A_437 = tpu.memref_slice %arg9[%dma_start3A_433, %dma_start3A_435, %dma_start3A_436] : memref<13x128x32xf32, #tpu.memory_space<vmem>> -> memref<1x128x32xf32, #tpu.memory_space<vmem>>
    %dma_start3A_438 = tpu.memref_squeeze %dma_start3A_437 : memref<1x128x32xf32, #tpu.memory_space<vmem>> -> memref<128x32xf32, #tpu.memory_space<vmem>>
    %dma_start3A_439 = arith.constant 0 : i32
    %dma_start3A_440 = tpu.memref_slice %arg8[%dma_start3A_434, %dma_start3A_439] : memref<13x128xi32, #tpu.memory_space<vmem>> -> memref<1x128xi32, #tpu.memory_space<vmem>>
    %dma_start3A_441 = tpu.memref_squeeze %dma_start3A_440 : memref<1x128xi32, #tpu.memory_space<vmem>> -> memref<128xi32, #tpu.memory_space<vmem>>
    %dma_start3A_442 = arith.constant 0 : i32
    %dma_start3A_443 = arith.constant 0 : i32
    %dma_start3A_444 = tpu.memref_slice %arg10[%dma_start3A_442, %dma_start3A_443] : memref<10112x32xf32, #tpu.memory_space<vmem_shared>> -> memref<10112x32xf32, #tpu.memory_space<vmem_shared>>
    tpu.enqueue_indirect_dma source(%dma_start3A_438 : memref<128x32xf32, #tpu.memory_space<vmem>>) target(%dma_start3A_444 : memref<10112x32xf32, #tpu.memory_space<vmem_shared>>) offsets(%dma_start3A_441 : memref<128xi32, #tpu.memory_space<vmem>>) semaphore(%arg12 : memref<!tpu.dma_semaphore, #tpu.memory_space<semaphore_mem>>) {add = true}
    %dma_start3A_445 = arith.constant 11 : i32
    %dma_start3A_446 = arith.constant 11 : i32
    %dma_start3A_447 = arith.constant 0 : i32
    %dma_start3A_448 = arith.constant 0 : i32
    %dma_start3A_449 = tpu.memref_slice %arg9[%dma_start3A_445, %dma_start3A_447, %dma_start3A_448] : memref<13x128x32xf32, #tpu.memory_space<vmem>> -> memref<1x128x32xf32, #tpu.memory_space<vmem>>
    %dma_start3A_450 = tpu.memref_squeeze %dma_start3A_449 : memref<1x128x32xf32, #tpu.memory_space<vmem>> -> memref<128x32xf32, #tpu.memory_space<vmem>>
    %dma_start3A_451 = arith.constant 0 : i32
    %dma_start3A_452 = tpu.memref_slice %arg8[%dma_start3A_446, %dma_start3A_451] : memref<13x128xi32, #tpu.memory_space<vmem>> -> memref<1x128xi32, #tpu.memory_space<vmem>>
    %dma_start3A_453 = tpu.memref_squeeze %dma_start3A_452 : memref<1x128xi32, #tpu.memory_space<vmem>> -> memref<128xi32, #tpu.memory_space<vmem>>
    %dma_start3A_454 = arith.constant 0 : i32
    %dma_start3A_455 = arith.constant 0 : i32
    %dma_start3A_456 = tpu.memref_slice %arg10[%dma_start3A_454, %dma_start3A_455] : memref<10112x32xf32, #tpu.memory_space<vmem_shared>> -> memref<10112x32xf32, #tpu.memory_space<vmem_shared>>
    tpu.enqueue_indirect_dma source(%dma_start3A_450 : memref<128x32xf32, #tpu.memory_space<vmem>>) target(%dma_start3A_456 : memref<10112x32xf32, #tpu.memory_space<vmem_shared>>) offsets(%dma_start3A_453 : memref<128xi32, #tpu.memory_space<vmem>>) semaphore(%arg12 : memref<!tpu.dma_semaphore, #tpu.memory_space<semaphore_mem>>) {add = true}
    %dma_start3A_457 = arith.constant 12 : i32
    %dma_start3A_458 = arith.constant 12 : i32
    %dma_start3A_459 = arith.constant 0 : i32
    %dma_start3A_460 = arith.constant 0 : i32
    %dma_start3A_461 = tpu.memref_slice %arg9[%dma_start3A_457, %dma_start3A_459, %dma_start3A_460] : memref<13x128x32xf32, #tpu.memory_space<vmem>> -> memref<1x128x32xf32, #tpu.memory_space<vmem>>
    %dma_start3A_462 = tpu.memref_squeeze %dma_start3A_461 : memref<1x128x32xf32, #tpu.memory_space<vmem>> -> memref<128x32xf32, #tpu.memory_space<vmem>>
    %dma_start3A_463 = arith.constant 0 : i32
    %dma_start3A_464 = tpu.memref_slice %arg8[%dma_start3A_458, %dma_start3A_463] : memref<13x128xi32, #tpu.memory_space<vmem>> -> memref<1x128xi32, #tpu.memory_space<vmem>>
    %dma_start3A_465 = tpu.memref_squeeze %dma_start3A_464 : memref<1x128xi32, #tpu.memory_space<vmem>> -> memref<128xi32, #tpu.memory_space<vmem>>
    %dma_start3A_466 = arith.constant 0 : i32
    %dma_start3A_467 = arith.constant 0 : i32
    %dma_start3A_468 = tpu.memref_slice %arg10[%dma_start3A_466, %dma_start3A_467] : memref<10112x32xf32, #tpu.memory_space<vmem_shared>> -> memref<10112x32xf32, #tpu.memory_space<vmem_shared>>
    tpu.enqueue_indirect_dma source(%dma_start3A_462 : memref<128x32xf32, #tpu.memory_space<vmem>>) target(%dma_start3A_468 : memref<10112x32xf32, #tpu.memory_space<vmem_shared>>) offsets(%dma_start3A_465 : memref<128xi32, #tpu.memory_space<vmem>>) semaphore(%arg12 : memref<!tpu.dma_semaphore, #tpu.memory_space<semaphore_mem>>) {add = true}
    %dma_wait3A_469 = arith.constant 0 : i32
    %dma_wait3A_470 = arith.constant 0 : i32
    %dma_wait3A_471 = arith.constant 0 : i32
    %dma_wait3A_472 = arith.constant 0 : i32
    %dma_wait3A_473 = tpu.memref_slice %arg9[%dma_wait3A_469, %dma_wait3A_471, %dma_wait3A_472] : memref<13x128x32xf32, #tpu.memory_space<vmem>> -> memref<1x128x32xf32, #tpu.memory_space<vmem>>
    %dma_wait3A_474 = tpu.memref_squeeze %dma_wait3A_473 : memref<1x128x32xf32, #tpu.memory_space<vmem>> -> memref<128x32xf32, #tpu.memory_space<vmem>>
    %dma_wait3A_475 = arith.constant 0 : i32
    %dma_wait3A_476 = tpu.memref_slice %arg8[%dma_wait3A_470, %dma_wait3A_475] : memref<13x128xi32, #tpu.memory_space<vmem>> -> memref<1x128xi32, #tpu.memory_space<vmem>>
    %dma_wait3A_477 = tpu.memref_squeeze %dma_wait3A_476 : memref<1x128xi32, #tpu.memory_space<vmem>> -> memref<128xi32, #tpu.memory_space<vmem>>
    %dma_wait3A_478 = arith.constant 0 : i32
    %dma_wait3A_479 = arith.constant 0 : i32
    %dma_wait3A_480 = tpu.memref_slice %arg10[%dma_wait3A_478, %dma_wait3A_479] : memref<10112x32xf32, #tpu.memory_space<vmem_shared>> -> memref<10112x32xf32, #tpu.memory_space<vmem_shared>>
    tpu.wait_indirect_dma semaphore(%arg12 : memref<!tpu.dma_semaphore, #tpu.memory_space<semaphore_mem>>) src(%dma_wait3A_474 : memref<128x32xf32, #tpu.memory_space<vmem>>) dst(%dma_wait3A_480 : memref<10112x32xf32, #tpu.memory_space<vmem_shared>>)
    %dma_wait3A_481 = arith.constant 1 : i32
    %dma_wait3A_482 = arith.constant 1 : i32
    %dma_wait3A_483 = arith.constant 0 : i32
    %dma_wait3A_484 = arith.constant 0 : i32
    %dma_wait3A_485 = tpu.memref_slice %arg9[%dma_wait3A_481, %dma_wait3A_483, %dma_wait3A_484] : memref<13x128x32xf32, #tpu.memory_space<vmem>> -> memref<1x128x32xf32, #tpu.memory_space<vmem>>
    %dma_wait3A_486 = tpu.memref_squeeze %dma_wait3A_485 : memref<1x128x32xf32, #tpu.memory_space<vmem>> -> memref<128x32xf32, #tpu.memory_space<vmem>>
    %dma_wait3A_487 = arith.constant 0 : i32
    %dma_wait3A_488 = tpu.memref_slice %arg8[%dma_wait3A_482, %dma_wait3A_487] : memref<13x128xi32, #tpu.memory_space<vmem>> -> memref<1x128xi32, #tpu.memory_space<vmem>>
    %dma_wait3A_489 = tpu.memref_squeeze %dma_wait3A_488 : memref<1x128xi32, #tpu.memory_space<vmem>> -> memref<128xi32, #tpu.memory_space<vmem>>
    %dma_wait3A_490 = arith.constant 0 : i32
    %dma_wait3A_491 = arith.constant 0 : i32
    %dma_wait3A_492 = tpu.memref_slice %arg10[%dma_wait3A_490, %dma_wait3A_491] : memref<10112x32xf32, #tpu.memory_space<vmem_shared>> -> memref<10112x32xf32, #tpu.memory_space<vmem_shared>>
    tpu.wait_indirect_dma semaphore(%arg12 : memref<!tpu.dma_semaphore, #tpu.memory_space<semaphore_mem>>) src(%dma_wait3A_486 : memref<128x32xf32, #tpu.memory_space<vmem>>) dst(%dma_wait3A_492 : memref<10112x32xf32, #tpu.memory_space<vmem_shared>>)
    %dma_wait3A_493 = arith.constant 2 : i32
    %dma_wait3A_494 = arith.constant 2 : i32
    %dma_wait3A_495 = arith.constant 0 : i32
    %dma_wait3A_496 = arith.constant 0 : i32
    %dma_wait3A_497 = tpu.memref_slice %arg9[%dma_wait3A_493, %dma_wait3A_495, %dma_wait3A_496] : memref<13x128x32xf32, #tpu.memory_space<vmem>> -> memref<1x128x32xf32, #tpu.memory_space<vmem>>
    %dma_wait3A_498 = tpu.memref_squeeze %dma_wait3A_497 : memref<1x128x32xf32, #tpu.memory_space<vmem>> -> memref<128x32xf32, #tpu.memory_space<vmem>>
    %dma_wait3A_499 = arith.constant 0 : i32
    %dma_wait3A_500 = tpu.memref_slice %arg8[%dma_wait3A_494, %dma_wait3A_499] : memref<13x128xi32, #tpu.memory_space<vmem>> -> memref<1x128xi32, #tpu.memory_space<vmem>>
    %dma_wait3A_501 = tpu.memref_squeeze %dma_wait3A_500 : memref<1x128xi32, #tpu.memory_space<vmem>> -> memref<128xi32, #tpu.memory_space<vmem>>
    %dma_wait3A_502 = arith.constant 0 : i32
    %dma_wait3A_503 = arith.constant 0 : i32
    %dma_wait3A_504 = tpu.memref_slice %arg10[%dma_wait3A_502, %dma_wait3A_503] : memref<10112x32xf32, #tpu.memory_space<vmem_shared>> -> memref<10112x32xf32, #tpu.memory_space<vmem_shared>>
    tpu.wait_indirect_dma semaphore(%arg12 : memref<!tpu.dma_semaphore, #tpu.memory_space<semaphore_mem>>) src(%dma_wait3A_498 : memref<128x32xf32, #tpu.memory_space<vmem>>) dst(%dma_wait3A_504 : memref<10112x32xf32, #tpu.memory_space<vmem_shared>>)
    %dma_wait3A_505 = arith.constant 3 : i32
    %dma_wait3A_506 = arith.constant 3 : i32
    %dma_wait3A_507 = arith.constant 0 : i32
    %dma_wait3A_508 = arith.constant 0 : i32
    %dma_wait3A_509 = tpu.memref_slice %arg9[%dma_wait3A_505, %dma_wait3A_507, %dma_wait3A_508] : memref<13x128x32xf32, #tpu.memory_space<vmem>> -> memref<1x128x32xf32, #tpu.memory_space<vmem>>
    %dma_wait3A_510 = tpu.memref_squeeze %dma_wait3A_509 : memref<1x128x32xf32, #tpu.memory_space<vmem>> -> memref<128x32xf32, #tpu.memory_space<vmem>>
    %dma_wait3A_511 = arith.constant 0 : i32
    %dma_wait3A_512 = tpu.memref_slice %arg8[%dma_wait3A_506, %dma_wait3A_511] : memref<13x128xi32, #tpu.memory_space<vmem>> -> memref<1x128xi32, #tpu.memory_space<vmem>>
    %dma_wait3A_513 = tpu.memref_squeeze %dma_wait3A_512 : memref<1x128xi32, #tpu.memory_space<vmem>> -> memref<128xi32, #tpu.memory_space<vmem>>
    %dma_wait3A_514 = arith.constant 0 : i32
    %dma_wait3A_515 = arith.constant 0 : i32
    %dma_wait3A_516 = tpu.memref_slice %arg10[%dma_wait3A_514, %dma_wait3A_515] : memref<10112x32xf32, #tpu.memory_space<vmem_shared>> -> memref<10112x32xf32, #tpu.memory_space<vmem_shared>>
    tpu.wait_indirect_dma semaphore(%arg12 : memref<!tpu.dma_semaphore, #tpu.memory_space<semaphore_mem>>) src(%dma_wait3A_510 : memref<128x32xf32, #tpu.memory_space<vmem>>) dst(%dma_wait3A_516 : memref<10112x32xf32, #tpu.memory_space<vmem_shared>>)
    %dma_wait3A_517 = arith.constant 4 : i32
    %dma_wait3A_518 = arith.constant 4 : i32
    %dma_wait3A_519 = arith.constant 0 : i32
    %dma_wait3A_520 = arith.constant 0 : i32
    %dma_wait3A_521 = tpu.memref_slice %arg9[%dma_wait3A_517, %dma_wait3A_519, %dma_wait3A_520] : memref<13x128x32xf32, #tpu.memory_space<vmem>> -> memref<1x128x32xf32, #tpu.memory_space<vmem>>
    %dma_wait3A_522 = tpu.memref_squeeze %dma_wait3A_521 : memref<1x128x32xf32, #tpu.memory_space<vmem>> -> memref<128x32xf32, #tpu.memory_space<vmem>>
    %dma_wait3A_523 = arith.constant 0 : i32
    %dma_wait3A_524 = tpu.memref_slice %arg8[%dma_wait3A_518, %dma_wait3A_523] : memref<13x128xi32, #tpu.memory_space<vmem>> -> memref<1x128xi32, #tpu.memory_space<vmem>>
    %dma_wait3A_525 = tpu.memref_squeeze %dma_wait3A_524 : memref<1x128xi32, #tpu.memory_space<vmem>> -> memref<128xi32, #tpu.memory_space<vmem>>
    %dma_wait3A_526 = arith.constant 0 : i32
    %dma_wait3A_527 = arith.constant 0 : i32
    %dma_wait3A_528 = tpu.memref_slice %arg10[%dma_wait3A_526, %dma_wait3A_527] : memref<10112x32xf32, #tpu.memory_space<vmem_shared>> -> memref<10112x32xf32, #tpu.memory_space<vmem_shared>>
    tpu.wait_indirect_dma semaphore(%arg12 : memref<!tpu.dma_semaphore, #tpu.memory_space<semaphore_mem>>) src(%dma_wait3A_522 : memref<128x32xf32, #tpu.memory_space<vmem>>) dst(%dma_wait3A_528 : memref<10112x32xf32, #tpu.memory_space<vmem_shared>>)
    %dma_wait3A_529 = arith.constant 5 : i32
    %dma_wait3A_530 = arith.constant 5 : i32
    %dma_wait3A_531 = arith.constant 0 : i32
    %dma_wait3A_532 = arith.constant 0 : i32
    %dma_wait3A_533 = tpu.memref_slice %arg9[%dma_wait3A_529, %dma_wait3A_531, %dma_wait3A_532] : memref<13x128x32xf32, #tpu.memory_space<vmem>> -> memref<1x128x32xf32, #tpu.memory_space<vmem>>
    %dma_wait3A_534 = tpu.memref_squeeze %dma_wait3A_533 : memref<1x128x32xf32, #tpu.memory_space<vmem>> -> memref<128x32xf32, #tpu.memory_space<vmem>>
    %dma_wait3A_535 = arith.constant 0 : i32
    %dma_wait3A_536 = tpu.memref_slice %arg8[%dma_wait3A_530, %dma_wait3A_535] : memref<13x128xi32, #tpu.memory_space<vmem>> -> memref<1x128xi32, #tpu.memory_space<vmem>>
    %dma_wait3A_537 = tpu.memref_squeeze %dma_wait3A_536 : memref<1x128xi32, #tpu.memory_space<vmem>> -> memref<128xi32, #tpu.memory_space<vmem>>
    %dma_wait3A_538 = arith.constant 0 : i32
    %dma_wait3A_539 = arith.constant 0 : i32
    %dma_wait3A_540 = tpu.memref_slice %arg10[%dma_wait3A_538, %dma_wait3A_539] : memref<10112x32xf32, #tpu.memory_space<vmem_shared>> -> memref<10112x32xf32, #tpu.memory_space<vmem_shared>>
    tpu.wait_indirect_dma semaphore(%arg12 : memref<!tpu.dma_semaphore, #tpu.memory_space<semaphore_mem>>) src(%dma_wait3A_534 : memref<128x32xf32, #tpu.memory_space<vmem>>) dst(%dma_wait3A_540 : memref<10112x32xf32, #tpu.memory_space<vmem_shared>>)
    %dma_wait3A_541 = arith.constant 6 : i32
    %dma_wait3A_542 = arith.constant 6 : i32
    %dma_wait3A_543 = arith.constant 0 : i32
    %dma_wait3A_544 = arith.constant 0 : i32
    %dma_wait3A_545 = tpu.memref_slice %arg9[%dma_wait3A_541, %dma_wait3A_543, %dma_wait3A_544] : memref<13x128x32xf32, #tpu.memory_space<vmem>> -> memref<1x128x32xf32, #tpu.memory_space<vmem>>
    %dma_wait3A_546 = tpu.memref_squeeze %dma_wait3A_545 : memref<1x128x32xf32, #tpu.memory_space<vmem>> -> memref<128x32xf32, #tpu.memory_space<vmem>>
    %dma_wait3A_547 = arith.constant 0 : i32
    %dma_wait3A_548 = tpu.memref_slice %arg8[%dma_wait3A_542, %dma_wait3A_547] : memref<13x128xi32, #tpu.memory_space<vmem>> -> memref<1x128xi32, #tpu.memory_space<vmem>>
    %dma_wait3A_549 = tpu.memref_squeeze %dma_wait3A_548 : memref<1x128xi32, #tpu.memory_space<vmem>> -> memref<128xi32, #tpu.memory_space<vmem>>
    %dma_wait3A_550 = arith.constant 0 : i32
    %dma_wait3A_551 = arith.constant 0 : i32
    %dma_wait3A_552 = tpu.memref_slice %arg10[%dma_wait3A_550, %dma_wait3A_551] : memref<10112x32xf32, #tpu.memory_space<vmem_shared>> -> memref<10112x32xf32, #tpu.memory_space<vmem_shared>>
    tpu.wait_indirect_dma semaphore(%arg12 : memref<!tpu.dma_semaphore, #tpu.memory_space<semaphore_mem>>) src(%dma_wait3A_546 : memref<128x32xf32, #tpu.memory_space<vmem>>) dst(%dma_wait3A_552 : memref<10112x32xf32, #tpu.memory_space<vmem_shared>>)
    %dma_wait3A_553 = arith.constant 7 : i32
    %dma_wait3A_554 = arith.constant 7 : i32
    %dma_wait3A_555 = arith.constant 0 : i32
    %dma_wait3A_556 = arith.constant 0 : i32
    %dma_wait3A_557 = tpu.memref_slice %arg9[%dma_wait3A_553, %dma_wait3A_555, %dma_wait3A_556] : memref<13x128x32xf32, #tpu.memory_space<vmem>> -> memref<1x128x32xf32, #tpu.memory_space<vmem>>
    %dma_wait3A_558 = tpu.memref_squeeze %dma_wait3A_557 : memref<1x128x32xf32, #tpu.memory_space<vmem>> -> memref<128x32xf32, #tpu.memory_space<vmem>>
    %dma_wait3A_559 = arith.constant 0 : i32
    %dma_wait3A_560 = tpu.memref_slice %arg8[%dma_wait3A_554, %dma_wait3A_559] : memref<13x128xi32, #tpu.memory_space<vmem>> -> memref<1x128xi32, #tpu.memory_space<vmem>>
    %dma_wait3A_561 = tpu.memref_squeeze %dma_wait3A_560 : memref<1x128xi32, #tpu.memory_space<vmem>> -> memref<128xi32, #tpu.memory_space<vmem>>
    %dma_wait3A_562 = arith.constant 0 : i32
    %dma_wait3A_563 = arith.constant 0 : i32
    %dma_wait3A_564 = tpu.memref_slice %arg10[%dma_wait3A_562, %dma_wait3A_563] : memref<10112x32xf32, #tpu.memory_space<vmem_shared>> -> memref<10112x32xf32, #tpu.memory_space<vmem_shared>>
    tpu.wait_indirect_dma semaphore(%arg12 : memref<!tpu.dma_semaphore, #tpu.memory_space<semaphore_mem>>) src(%dma_wait3A_558 : memref<128x32xf32, #tpu.memory_space<vmem>>) dst(%dma_wait3A_564 : memref<10112x32xf32, #tpu.memory_space<vmem_shared>>)
    %dma_wait3A_565 = arith.constant 8 : i32
    %dma_wait3A_566 = arith.constant 8 : i32
    %dma_wait3A_567 = arith.constant 0 : i32
    %dma_wait3A_568 = arith.constant 0 : i32
    %dma_wait3A_569 = tpu.memref_slice %arg9[%dma_wait3A_565, %dma_wait3A_567, %dma_wait3A_568] : memref<13x128x32xf32, #tpu.memory_space<vmem>> -> memref<1x128x32xf32, #tpu.memory_space<vmem>>
    %dma_wait3A_570 = tpu.memref_squeeze %dma_wait3A_569 : memref<1x128x32xf32, #tpu.memory_space<vmem>> -> memref<128x32xf32, #tpu.memory_space<vmem>>
    %dma_wait3A_571 = arith.constant 0 : i32
    %dma_wait3A_572 = tpu.memref_slice %arg8[%dma_wait3A_566, %dma_wait3A_571] : memref<13x128xi32, #tpu.memory_space<vmem>> -> memref<1x128xi32, #tpu.memory_space<vmem>>
    %dma_wait3A_573 = tpu.memref_squeeze %dma_wait3A_572 : memref<1x128xi32, #tpu.memory_space<vmem>> -> memref<128xi32, #tpu.memory_space<vmem>>
    %dma_wait3A_574 = arith.constant 0 : i32
    %dma_wait3A_575 = arith.constant 0 : i32
    %dma_wait3A_576 = tpu.memref_slice %arg10[%dma_wait3A_574, %dma_wait3A_575] : memref<10112x32xf32, #tpu.memory_space<vmem_shared>> -> memref<10112x32xf32, #tpu.memory_space<vmem_shared>>
    tpu.wait_indirect_dma semaphore(%arg12 : memref<!tpu.dma_semaphore, #tpu.memory_space<semaphore_mem>>) src(%dma_wait3A_570 : memref<128x32xf32, #tpu.memory_space<vmem>>) dst(%dma_wait3A_576 : memref<10112x32xf32, #tpu.memory_space<vmem_shared>>)
    %dma_wait3A_577 = arith.constant 9 : i32
    %dma_wait3A_578 = arith.constant 9 : i32
    %dma_wait3A_579 = arith.constant 0 : i32
    %dma_wait3A_580 = arith.constant 0 : i32
    %dma_wait3A_581 = tpu.memref_slice %arg9[%dma_wait3A_577, %dma_wait3A_579, %dma_wait3A_580] : memref<13x128x32xf32, #tpu.memory_space<vmem>> -> memref<1x128x32xf32, #tpu.memory_space<vmem>>
    %dma_wait3A_582 = tpu.memref_squeeze %dma_wait3A_581 : memref<1x128x32xf32, #tpu.memory_space<vmem>> -> memref<128x32xf32, #tpu.memory_space<vmem>>
    %dma_wait3A_583 = arith.constant 0 : i32
    %dma_wait3A_584 = tpu.memref_slice %arg8[%dma_wait3A_578, %dma_wait3A_583] : memref<13x128xi32, #tpu.memory_space<vmem>> -> memref<1x128xi32, #tpu.memory_space<vmem>>
    %dma_wait3A_585 = tpu.memref_squeeze %dma_wait3A_584 : memref<1x128xi32, #tpu.memory_space<vmem>> -> memref<128xi32, #tpu.memory_space<vmem>>
    %dma_wait3A_586 = arith.constant 0 : i32
    %dma_wait3A_587 = arith.constant 0 : i32
    %dma_wait3A_588 = tpu.memref_slice %arg10[%dma_wait3A_586, %dma_wait3A_587] : memref<10112x32xf32, #tpu.memory_space<vmem_shared>> -> memref<10112x32xf32, #tpu.memory_space<vmem_shared>>
    tpu.wait_indirect_dma semaphore(%arg12 : memref<!tpu.dma_semaphore, #tpu.memory_space<semaphore_mem>>) src(%dma_wait3A_582 : memref<128x32xf32, #tpu.memory_space<vmem>>) dst(%dma_wait3A_588 : memref<10112x32xf32, #tpu.memory_space<vmem_shared>>)
    %dma_wait3A_589 = arith.constant 10 : i32
    %dma_wait3A_590 = arith.constant 10 : i32
    %dma_wait3A_591 = arith.constant 0 : i32
    %dma_wait3A_592 = arith.constant 0 : i32
    %dma_wait3A_593 = tpu.memref_slice %arg9[%dma_wait3A_589, %dma_wait3A_591, %dma_wait3A_592] : memref<13x128x32xf32, #tpu.memory_space<vmem>> -> memref<1x128x32xf32, #tpu.memory_space<vmem>>
    %dma_wait3A_594 = tpu.memref_squeeze %dma_wait3A_593 : memref<1x128x32xf32, #tpu.memory_space<vmem>> -> memref<128x32xf32, #tpu.memory_space<vmem>>
    %dma_wait3A_595 = arith.constant 0 : i32
    %dma_wait3A_596 = tpu.memref_slice %arg8[%dma_wait3A_590, %dma_wait3A_595] : memref<13x128xi32, #tpu.memory_space<vmem>> -> memref<1x128xi32, #tpu.memory_space<vmem>>
    %dma_wait3A_597 = tpu.memref_squeeze %dma_wait3A_596 : memref<1x128xi32, #tpu.memory_space<vmem>> -> memref<128xi32, #tpu.memory_space<vmem>>
    %dma_wait3A_598 = arith.constant 0 : i32
    %dma_wait3A_599 = arith.constant 0 : i32
    %dma_wait3A_600 = tpu.memref_slice %arg10[%dma_wait3A_598, %dma_wait3A_599] : memref<10112x32xf32, #tpu.memory_space<vmem_shared>> -> memref<10112x32xf32, #tpu.memory_space<vmem_shared>>
    tpu.wait_indirect_dma semaphore(%arg12 : memref<!tpu.dma_semaphore, #tpu.memory_space<semaphore_mem>>) src(%dma_wait3A_594 : memref<128x32xf32, #tpu.memory_space<vmem>>) dst(%dma_wait3A_600 : memref<10112x32xf32, #tpu.memory_space<vmem_shared>>)
    %dma_wait3A_601 = arith.constant 11 : i32
    %dma_wait3A_602 = arith.constant 11 : i32
    %dma_wait3A_603 = arith.constant 0 : i32
    %dma_wait3A_604 = arith.constant 0 : i32
    %dma_wait3A_605 = tpu.memref_slice %arg9[%dma_wait3A_601, %dma_wait3A_603, %dma_wait3A_604] : memref<13x128x32xf32, #tpu.memory_space<vmem>> -> memref<1x128x32xf32, #tpu.memory_space<vmem>>
    %dma_wait3A_606 = tpu.memref_squeeze %dma_wait3A_605 : memref<1x128x32xf32, #tpu.memory_space<vmem>> -> memref<128x32xf32, #tpu.memory_space<vmem>>
    %dma_wait3A_607 = arith.constant 0 : i32
    %dma_wait3A_608 = tpu.memref_slice %arg8[%dma_wait3A_602, %dma_wait3A_607] : memref<13x128xi32, #tpu.memory_space<vmem>> -> memref<1x128xi32, #tpu.memory_space<vmem>>
    %dma_wait3A_609 = tpu.memref_squeeze %dma_wait3A_608 : memref<1x128xi32, #tpu.memory_space<vmem>> -> memref<128xi32, #tpu.memory_space<vmem>>
    %dma_wait3A_610 = arith.constant 0 : i32
    %dma_wait3A_611 = arith.constant 0 : i32
    %dma_wait3A_612 = tpu.memref_slice %arg10[%dma_wait3A_610, %dma_wait3A_611] : memref<10112x32xf32, #tpu.memory_space<vmem_shared>> -> memref<10112x32xf32, #tpu.memory_space<vmem_shared>>
    tpu.wait_indirect_dma semaphore(%arg12 : memref<!tpu.dma_semaphore, #tpu.memory_space<semaphore_mem>>) src(%dma_wait3A_606 : memref<128x32xf32, #tpu.memory_space<vmem>>) dst(%dma_wait3A_612 : memref<10112x32xf32, #tpu.memory_space<vmem_shared>>)
    %dma_wait3A_613 = arith.constant 12 : i32
    %dma_wait3A_614 = arith.constant 12 : i32
    %dma_wait3A_615 = arith.constant 0 : i32
    %dma_wait3A_616 = arith.constant 0 : i32
    %dma_wait3A_617 = tpu.memref_slice %arg9[%dma_wait3A_613, %dma_wait3A_615, %dma_wait3A_616] : memref<13x128x32xf32, #tpu.memory_space<vmem>> -> memref<1x128x32xf32, #tpu.memory_space<vmem>>
    %dma_wait3A_618 = tpu.memref_squeeze %dma_wait3A_617 : memref<1x128x32xf32, #tpu.memory_space<vmem>> -> memref<128x32xf32, #tpu.memory_space<vmem>>
    %dma_wait3A_619 = arith.constant 0 : i32
    %dma_wait3A_620 = tpu.memref_slice %arg8[%dma_wait3A_614, %dma_wait3A_619] : memref<13x128xi32, #tpu.memory_space<vmem>> -> memref<1x128xi32, #tpu.memory_space<vmem>>
    %dma_wait3A_621 = tpu.memref_squeeze %dma_wait3A_620 : memref<1x128xi32, #tpu.memory_space<vmem>> -> memref<128xi32, #tpu.memory_space<vmem>>
    %dma_wait3A_622 = arith.constant 0 : i32
    %dma_wait3A_623 = arith.constant 0 : i32
    %dma_wait3A_624 = tpu.memref_slice %arg10[%dma_wait3A_622, %dma_wait3A_623] : memref<10112x32xf32, #tpu.memory_space<vmem_shared>> -> memref<10112x32xf32, #tpu.memory_space<vmem_shared>>
    tpu.wait_indirect_dma semaphore(%arg12 : memref<!tpu.dma_semaphore, #tpu.memory_space<semaphore_mem>>) src(%dma_wait3A_618 : memref<128x32xf32, #tpu.memory_space<vmem>>) dst(%dma_wait3A_624 : memref<10112x32xf32, #tpu.memory_space<vmem_shared>>)
    %barrier3A_625 = arith.constant 0 : index
    tpu.barrier barrier_id(%barrier3A_625)
    %lt3A = arith.constant 15 : i32
    %lt3A_626 = arith.cmpi slt, %arg1, %lt3A : i32
    %convert_element_type3A = arith.extui %lt3A_626 : i1 to i32
    %cond3A = arith.constant 0 : i32
    %cond3A_627 = arith.cmpi ne, %convert_element_type3A, %cond3A : i32
    scf.if %cond3A_627 {
      %mul3A_632 = arith.constant 632 : i32
      %mul3A_633 = arith.muli %arg1, %mul3A_632 : i32
      %mul3A_634 = arith.constant 632 : i32
      %mul3A_635 = arith.muli %arg1, %mul3A_634 : i32
      "tpu.region"() ({
        %run_scoped3A = tpu.sem_alloc : memref<!tpu.dma_semaphore, #tpu.memory_space<semaphore_mem>>
        %dma_start3A_636 = arith.constant 0 : i32
        %dma_start3A_637 = tpu.memref_slice %arg6[%arg0, %mul3A_635, %dma_start3A_636] : memref<2x10000x32xf32, #tpu.memory_space<hbm>> -> memref<1x632x32xf32, #tpu.memory_space<hbm>>
        %dma_start3A_638 = tpu.memref_squeeze %dma_start3A_637 : memref<1x632x32xf32, #tpu.memory_space<hbm>> -> memref<632x32xf32, #tpu.memory_space<hbm>>
        %dma_start3A_639 = arith.constant 0 : i32
        %dma_start3A_640 = tpu.memref_slice %arg10[%mul3A_633, %dma_start3A_639] : memref<10112x32xf32, #tpu.memory_space<vmem_shared>> -> memref<632x32xf32, #tpu.memory_space<vmem_shared>>
        tpu.enqueue_dma source(%dma_start3A_640 : memref<632x32xf32, #tpu.memory_space<vmem_shared>>) target(%dma_start3A_638 : memref<632x32xf32, #tpu.memory_space<hbm>>) target_semaphore(%run_scoped3A : memref<!tpu.dma_semaphore, #tpu.memory_space<semaphore_mem>>)
        %dma_wait3A_641 = arith.constant 0 : i32
        %dma_wait3A_642 = tpu.memref_slice %arg6[%arg0, %mul3A_635, %dma_wait3A_641] : memref<2x10000x32xf32, #tpu.memory_space<hbm>> -> memref<1x632x32xf32, #tpu.memory_space<hbm>>
        %dma_wait3A_643 = tpu.memref_squeeze %dma_wait3A_642 : memref<1x632x32xf32, #tpu.memory_space<hbm>> -> memref<632x32xf32, #tpu.memory_space<hbm>>
        %dma_wait3A_644 = arith.constant 0 : i32
        %dma_wait3A_645 = tpu.memref_slice %arg10[%mul3A_633, %dma_wait3A_644] : memref<10112x32xf32, #tpu.memory_space<vmem_shared>> -> memref<632x32xf32, #tpu.memory_space<vmem_shared>>
        tpu.wait_dma2 semaphore(%run_scoped3A : memref<!tpu.dma_semaphore, #tpu.memory_space<semaphore_mem>>) src(%dma_wait3A_645 : memref<632x32xf32, #tpu.memory_space<vmem_shared>>) dst(%dma_wait3A_643 : memref<632x32xf32, #tpu.memory_space<hbm>>)
        tpu.yield
      }) : () -> ()
    } else {
    }
    %eq3A = arith.constant 15 : i32
    %eq3A_628 = arith.cmpi eq, %arg1, %eq3A : i32
    %convert_element_type3A_629 = arith.extui %eq3A_628 : i1 to i32
    %cond3A_630 = arith.constant 0 : i32
    %cond3A_631 = arith.cmpi ne, %convert_element_type3A_629, %cond3A_630 : i32
    scf.if %cond3A_631 {
      "tpu.region"() ({
        %run_scoped3A = tpu.sem_alloc : memref<!tpu.dma_semaphore, #tpu.memory_space<semaphore_mem>>
        %dma_start3A_632 = arith.constant 9480 : i32
        %dma_start3A_633 = arith.constant 0 : i32
        %dma_start3A_634 = tpu.memref_slice %arg6[%arg0, %dma_start3A_632, %dma_start3A_633] : memref<2x10000x32xf32, #tpu.memory_space<hbm>> -> memref<1x520x32xf32, #tpu.memory_space<hbm>>
        %dma_start3A_635 = tpu.memref_squeeze %dma_start3A_634 : memref<1x520x32xf32, #tpu.memory_space<hbm>> -> memref<520x32xf32, #tpu.memory_space<hbm>>
        %dma_start3A_636 = arith.constant 9480 : i32
        %dma_start3A_637 = arith.constant 0 : i32
        %dma_start3A_638 = tpu.memref_slice %arg10[%dma_start3A_636, %dma_start3A_637] : memref<10112x32xf32, #tpu.memory_space<vmem_shared>> -> memref<520x32xf32, #tpu.memory_space<vmem_shared>>
        tpu.enqueue_dma source(%dma_start3A_638 : memref<520x32xf32, #tpu.memory_space<vmem_shared>>) target(%dma_start3A_635 : memref<520x32xf32, #tpu.memory_space<hbm>>) target_semaphore(%run_scoped3A : memref<!tpu.dma_semaphore, #tpu.memory_space<semaphore_mem>>)
        %dma_wait3A_639 = arith.constant 9480 : i32
        %dma_wait3A_640 = arith.constant 0 : i32
        %dma_wait3A_641 = tpu.memref_slice %arg6[%arg0, %dma_wait3A_639, %dma_wait3A_640] : memref<2x10000x32xf32, #tpu.memory_space<hbm>> -> memref<1x520x32xf32, #tpu.memory_space<hbm>>
        %dma_wait3A_642 = tpu.memref_squeeze %dma_wait3A_641 : memref<1x520x32xf32, #tpu.memory_space<hbm>> -> memref<520x32xf32, #tpu.memory_space<hbm>>
        %dma_wait3A_643 = arith.constant 9480 : i32
        %dma_wait3A_644 = arith.constant 0 : i32
        %dma_wait3A_645 = tpu.memref_slice %arg10[%dma_wait3A_643, %dma_wait3A_644] : memref<10112x32xf32, #tpu.memory_space<vmem_shared>> -> memref<520x32xf32, #tpu.memory_space<vmem_shared>>
        tpu.wait_dma2 semaphore(%run_scoped3A : memref<!tpu.dma_semaphore, #tpu.memory_space<semaphore_mem>>) src(%dma_wait3A_645 : memref<520x32xf32, #tpu.memory_space<vmem_shared>>) dst(%dma_wait3A_642 : memref<520x32xf32, #tpu.memory_space<hbm>>)
        tpu.yield
      }) : () -> ()
    } else {
    }
    return
  }
}

#map = affine_map<(d0, d1) -> (0, 0)>
#map1 = affine_map<(d0, d1) -> (0, 0, 0)>
module attributes {stable_mosaic.version = 14 : i64} {
  func.func @k(%arg0: i32, %arg1: i32, %arg2: memref<10000x48xf32, #tpu.memory_space<hbm>>, %arg3: memref<32x13x128xi32, #tpu.memory_space<hbm>>, %arg4: memref<32x13x128xi32, #tpu.memory_space<hbm>>, %arg5: memref<632x48xf32, #tpu.memory_space<hbm>>, %arg6: memref<2x10000x48xf32, #tpu.memory_space<hbm>>, %arg7: memref<13x128xi32, #tpu.memory_space<vmem>>, %arg8: memref<13x128xi32, #tpu.memory_space<vmem>>, %arg9: memref<13x128x48xf32, #tpu.memory_space<vmem>>, %arg10: memref<10112x48xf32, #tpu.memory_space<vmem_shared>>, %arg11: memref<!tpu.dma_semaphore, #tpu.memory_space<semaphore_mem>>, %arg12: memref<!tpu.dma_semaphore, #tpu.memory_space<semaphore_mem>>) attributes {dimension_semantics = [#tpu.dimension_semantics<core_parallel>, #tpu.dimension_semantics<subcore_parallel>], iteration_bounds = array<i64: 2, 16>, scalar_prefetch = 0 : i64, scratch_operands = 6 : i64, tpu.core_type = #tpu.core_type<sc_vector_subcore>, window_params = [{transform_indices = #map}, {transform_indices = #map1}, {transform_indices = #map1}, {transform_indices = #map}, {transform_indices = #map1}]} {
    %mul3A = arith.constant 16 : i32
    %mul3A_0 = arith.muli %arg0, %mul3A : i32
    %add3A = arith.addi %mul3A_0, %arg1 : i32
    "tpu.region"() ({
      %run_scoped3A = tpu.sem_alloc : memref<!tpu.dma_semaphore, #tpu.memory_space<semaphore_mem>>
      %dma_start3A_632 = arith.constant 0 : i32
      %dma_start3A_633 = arith.constant 0 : i32
      %dma_start3A_634 = tpu.memref_slice %arg3[%add3A, %dma_start3A_632, %dma_start3A_633] : memref<32x13x128xi32, #tpu.memory_space<hbm>> -> memref<1x13x128xi32, #tpu.memory_space<hbm>>
      %dma_start3A_635 = tpu.memref_squeeze %dma_start3A_634 : memref<1x13x128xi32, #tpu.memory_space<hbm>> -> memref<13x128xi32, #tpu.memory_space<hbm>>
      %dma_start3A_636 = arith.constant 0 : i32
      %dma_start3A_637 = arith.constant 0 : i32
      %dma_start3A_638 = tpu.memref_slice %arg3[%add3A, %dma_start3A_636, %dma_start3A_637] : memref<32x13x128xi32, #tpu.memory_space<hbm>> -> memref<1x13x128xi32, #tpu.memory_space<hbm>>
      %dma_start3A_639 = tpu.memref_squeeze %dma_start3A_638 : memref<1x13x128xi32, #tpu.memory_space<hbm>> -> memref<13x128xi32, #tpu.memory_space<hbm>>
      tpu.enqueue_dma source(%dma_start3A_639 : memref<13x128xi32, #tpu.memory_space<hbm>>) target(%arg7 : memref<13x128xi32, #tpu.memory_space<vmem>>) target_semaphore(%run_scoped3A : memref<!tpu.dma_semaphore, #tpu.memory_space<semaphore_mem>>)
      %dma_wait3A_640 = arith.constant 0 : i32
      %dma_wait3A_641 = arith.constant 0 : i32
      %dma_wait3A_642 = tpu.memref_slice %arg3[%add3A, %dma_wait3A_640, %dma_wait3A_641] : memref<32x13x128xi32, #tpu.memory_space<hbm>> -> memref<1x13x128xi32, #tpu.memory_space<hbm>>
      %dma_wait3A_643 = tpu.memref_squeeze %dma_wait3A_642 : memref<1x13x128xi32, #tpu.memory_space<hbm>> -> memref<13x128xi32, #tpu.memory_space<hbm>>
      %dma_wait3A_644 = arith.constant 0 : i32
      %dma_wait3A_645 = arith.constant 0 : i32
      %dma_wait3A_646 = tpu.memref_slice %arg3[%add3A, %dma_wait3A_644, %dma_wait3A_645] : memref<32x13x128xi32, #tpu.memory_space<hbm>> -> memref<1x13x128xi32, #tpu.memory_space<hbm>>
      %dma_wait3A_647 = tpu.memref_squeeze %dma_wait3A_646 : memref<1x13x128xi32, #tpu.memory_space<hbm>> -> memref<13x128xi32, #tpu.memory_space<hbm>>
      tpu.wait_dma2 semaphore(%run_scoped3A : memref<!tpu.dma_semaphore, #tpu.memory_space<semaphore_mem>>) src(%dma_wait3A_647 : memref<13x128xi32, #tpu.memory_space<hbm>>) dst(%arg7 : memref<13x128xi32, #tpu.memory_space<vmem>>)
      tpu.yield
    }) : () -> ()
    "tpu.region"() ({
      %run_scoped3A = tpu.sem_alloc : memref<!tpu.dma_semaphore, #tpu.memory_space<semaphore_mem>>
      %dma_start3A_632 = arith.constant 0 : i32
      %dma_start3A_633 = arith.constant 0 : i32
      %dma_start3A_634 = tpu.memref_slice %arg4[%add3A, %dma_start3A_632, %dma_start3A_633] : memref<32x13x128xi32, #tpu.memory_space<hbm>> -> memref<1x13x128xi32, #tpu.memory_space<hbm>>
      %dma_start3A_635 = tpu.memref_squeeze %dma_start3A_634 : memref<1x13x128xi32, #tpu.memory_space<hbm>> -> memref<13x128xi32, #tpu.memory_space<hbm>>
      %dma_start3A_636 = arith.constant 0 : i32
      %dma_start3A_637 = arith.constant 0 : i32
      %dma_start3A_638 = tpu.memref_slice %arg4[%add3A, %dma_start3A_636, %dma_start3A_637] : memref<32x13x128xi32, #tpu.memory_space<hbm>> -> memref<1x13x128xi32, #tpu.memory_space<hbm>>
      %dma_start3A_639 = tpu.memref_squeeze %dma_start3A_638 : memref<1x13x128xi32, #tpu.memory_space<hbm>> -> memref<13x128xi32, #tpu.memory_space<hbm>>
      tpu.enqueue_dma source(%dma_start3A_639 : memref<13x128xi32, #tpu.memory_space<hbm>>) target(%arg8 : memref<13x128xi32, #tpu.memory_space<vmem>>) target_semaphore(%run_scoped3A : memref<!tpu.dma_semaphore, #tpu.memory_space<semaphore_mem>>)
      %dma_wait3A_640 = arith.constant 0 : i32
      %dma_wait3A_641 = arith.constant 0 : i32
      %dma_wait3A_642 = tpu.memref_slice %arg4[%add3A, %dma_wait3A_640, %dma_wait3A_641] : memref<32x13x128xi32, #tpu.memory_space<hbm>> -> memref<1x13x128xi32, #tpu.memory_space<hbm>>
      %dma_wait3A_643 = tpu.memref_squeeze %dma_wait3A_642 : memref<1x13x128xi32, #tpu.memory_space<hbm>> -> memref<13x128xi32, #tpu.memory_space<hbm>>
      %dma_wait3A_644 = arith.constant 0 : i32
      %dma_wait3A_645 = arith.constant 0 : i32
      %dma_wait3A_646 = tpu.memref_slice %arg4[%add3A, %dma_wait3A_644, %dma_wait3A_645] : memref<32x13x128xi32, #tpu.memory_space<hbm>> -> memref<1x13x128xi32, #tpu.memory_space<hbm>>
      %dma_wait3A_647 = tpu.memref_squeeze %dma_wait3A_646 : memref<1x13x128xi32, #tpu.memory_space<hbm>> -> memref<13x128xi32, #tpu.memory_space<hbm>>
      tpu.wait_dma2 semaphore(%run_scoped3A : memref<!tpu.dma_semaphore, #tpu.memory_space<semaphore_mem>>) src(%dma_wait3A_647 : memref<13x128xi32, #tpu.memory_space<hbm>>) dst(%arg8 : memref<13x128xi32, #tpu.memory_space<vmem>>)
      tpu.yield
    }) : () -> ()
    %dma_start3A = arith.constant 0 : i32
    %dma_start3A_1 = arith.constant 0 : i32
    %dma_start3A_2 = arith.constant 0 : i32
    %dma_start3A_3 = arith.constant 0 : i32
    %dma_start3A_4 = tpu.memref_slice %arg9[%dma_start3A_1, %dma_start3A_2, %dma_start3A_3] : memref<13x128x48xf32, #tpu.memory_space<vmem>> -> memref<1x128x48xf32, #tpu.memory_space<vmem>>
    %dma_start3A_5 = tpu.memref_squeeze %dma_start3A_4 : memref<1x128x48xf32, #tpu.memory_space<vmem>> -> memref<128x48xf32, #tpu.memory_space<vmem>>
    %dma_start3A_6 = arith.constant 0 : i32
    %dma_start3A_7 = tpu.memref_slice %arg7[%dma_start3A, %dma_start3A_6] : memref<13x128xi32, #tpu.memory_space<vmem>> -> memref<1x128xi32, #tpu.memory_space<vmem>>
    %dma_start3A_8 = tpu.memref_squeeze %dma_start3A_7 : memref<1x128xi32, #tpu.memory_space<vmem>> -> memref<128xi32, #tpu.memory_space<vmem>>
    %dma_start3A_9 = arith.constant 0 : i32
    %dma_start3A_10 = arith.constant 0 : i32
    %dma_start3A_11 = tpu.memref_slice %arg2[%dma_start3A_9, %dma_start3A_10] : memref<10000x48xf32, #tpu.memory_space<hbm>> -> memref<10000x48xf32, #tpu.memory_space<hbm>>
    tpu.enqueue_indirect_dma source(%dma_start3A_11 : memref<10000x48xf32, #tpu.memory_space<hbm>>) target(%dma_start3A_5 : memref<128x48xf32, #tpu.memory_space<vmem>>) offsets(%dma_start3A_8 : memref<128xi32, #tpu.memory_space<vmem>>) semaphore(%arg11 : memref<!tpu.dma_semaphore, #tpu.memory_space<semaphore_mem>>)
    %dma_start3A_12 = arith.constant 1 : i32
    %dma_start3A_13 = arith.constant 1 : i32
    %dma_start3A_14 = arith.constant 0 : i32
    %dma_start3A_15 = arith.constant 0 : i32
    %dma_start3A_16 = tpu.memref_slice %arg9[%dma_start3A_13, %dma_start3A_14, %dma_start3A_15] : memref<13x128x48xf32, #tpu.memory_space<vmem>> -> memref<1x128x48xf32, #tpu.memory_space<vmem>>
    %dma_start3A_17 = tpu.memref_squeeze %dma_start3A_16 : memref<1x128x48xf32, #tpu.memory_space<vmem>> -> memref<128x48xf32, #tpu.memory_space<vmem>>
    %dma_start3A_18 = arith.constant 0 : i32
    %dma_start3A_19 = tpu.memref_slice %arg7[%dma_start3A_12, %dma_start3A_18] : memref<13x128xi32, #tpu.memory_space<vmem>> -> memref<1x128xi32, #tpu.memory_space<vmem>>
    %dma_start3A_20 = tpu.memref_squeeze %dma_start3A_19 : memref<1x128xi32, #tpu.memory_space<vmem>> -> memref<128xi32, #tpu.memory_space<vmem>>
    %dma_start3A_21 = arith.constant 0 : i32
    %dma_start3A_22 = arith.constant 0 : i32
    %dma_start3A_23 = tpu.memref_slice %arg2[%dma_start3A_21, %dma_start3A_22] : memref<10000x48xf32, #tpu.memory_space<hbm>> -> memref<10000x48xf32, #tpu.memory_space<hbm>>
    tpu.enqueue_indirect_dma source(%dma_start3A_23 : memref<10000x48xf32, #tpu.memory_space<hbm>>) target(%dma_start3A_17 : memref<128x48xf32, #tpu.memory_space<vmem>>) offsets(%dma_start3A_20 : memref<128xi32, #tpu.memory_space<vmem>>) semaphore(%arg11 : memref<!tpu.dma_semaphore, #tpu.memory_space<semaphore_mem>>)
    %dma_start3A_24 = arith.constant 2 : i32
    %dma_start3A_25 = arith.constant 2 : i32
    %dma_start3A_26 = arith.constant 0 : i32
    %dma_start3A_27 = arith.constant 0 : i32
    %dma_start3A_28 = tpu.memref_slice %arg9[%dma_start3A_25, %dma_start3A_26, %dma_start3A_27] : memref<13x128x48xf32, #tpu.memory_space<vmem>> -> memref<1x128x48xf32, #tpu.memory_space<vmem>>
    %dma_start3A_29 = tpu.memref_squeeze %dma_start3A_28 : memref<1x128x48xf32, #tpu.memory_space<vmem>> -> memref<128x48xf32, #tpu.memory_space<vmem>>
    %dma_start3A_30 = arith.constant 0 : i32
    %dma_start3A_31 = tpu.memref_slice %arg7[%dma_start3A_24, %dma_start3A_30] : memref<13x128xi32, #tpu.memory_space<vmem>> -> memref<1x128xi32, #tpu.memory_space<vmem>>
    %dma_start3A_32 = tpu.memref_squeeze %dma_start3A_31 : memref<1x128xi32, #tpu.memory_space<vmem>> -> memref<128xi32, #tpu.memory_space<vmem>>
    %dma_start3A_33 = arith.constant 0 : i32
    %dma_start3A_34 = arith.constant 0 : i32
    %dma_start3A_35 = tpu.memref_slice %arg2[%dma_start3A_33, %dma_start3A_34] : memref<10000x48xf32, #tpu.memory_space<hbm>> -> memref<10000x48xf32, #tpu.memory_space<hbm>>
    tpu.enqueue_indirect_dma source(%dma_start3A_35 : memref<10000x48xf32, #tpu.memory_space<hbm>>) target(%dma_start3A_29 : memref<128x48xf32, #tpu.memory_space<vmem>>) offsets(%dma_start3A_32 : memref<128xi32, #tpu.memory_space<vmem>>) semaphore(%arg11 : memref<!tpu.dma_semaphore, #tpu.memory_space<semaphore_mem>>)
    %dma_start3A_36 = arith.constant 3 : i32
    %dma_start3A_37 = arith.constant 3 : i32
    %dma_start3A_38 = arith.constant 0 : i32
    %dma_start3A_39 = arith.constant 0 : i32
    %dma_start3A_40 = tpu.memref_slice %arg9[%dma_start3A_37, %dma_start3A_38, %dma_start3A_39] : memref<13x128x48xf32, #tpu.memory_space<vmem>> -> memref<1x128x48xf32, #tpu.memory_space<vmem>>
    %dma_start3A_41 = tpu.memref_squeeze %dma_start3A_40 : memref<1x128x48xf32, #tpu.memory_space<vmem>> -> memref<128x48xf32, #tpu.memory_space<vmem>>
    %dma_start3A_42 = arith.constant 0 : i32
    %dma_start3A_43 = tpu.memref_slice %arg7[%dma_start3A_36, %dma_start3A_42] : memref<13x128xi32, #tpu.memory_space<vmem>> -> memref<1x128xi32, #tpu.memory_space<vmem>>
    %dma_start3A_44 = tpu.memref_squeeze %dma_start3A_43 : memref<1x128xi32, #tpu.memory_space<vmem>> -> memref<128xi32, #tpu.memory_space<vmem>>
    %dma_start3A_45 = arith.constant 0 : i32
    %dma_start3A_46 = arith.constant 0 : i32
    %dma_start3A_47 = tpu.memref_slice %arg2[%dma_start3A_45, %dma_start3A_46] : memref<10000x48xf32, #tpu.memory_space<hbm>> -> memref<10000x48xf32, #tpu.memory_space<hbm>>
    tpu.enqueue_indirect_dma source(%dma_start3A_47 : memref<10000x48xf32, #tpu.memory_space<hbm>>) target(%dma_start3A_41 : memref<128x48xf32, #tpu.memory_space<vmem>>) offsets(%dma_start3A_44 : memref<128xi32, #tpu.memory_space<vmem>>) semaphore(%arg11 : memref<!tpu.dma_semaphore, #tpu.memory_space<semaphore_mem>>)
    %dma_start3A_48 = arith.constant 4 : i32
    %dma_start3A_49 = arith.constant 4 : i32
    %dma_start3A_50 = arith.constant 0 : i32
    %dma_start3A_51 = arith.constant 0 : i32
    %dma_start3A_52 = tpu.memref_slice %arg9[%dma_start3A_49, %dma_start3A_50, %dma_start3A_51] : memref<13x128x48xf32, #tpu.memory_space<vmem>> -> memref<1x128x48xf32, #tpu.memory_space<vmem>>
    %dma_start3A_53 = tpu.memref_squeeze %dma_start3A_52 : memref<1x128x48xf32, #tpu.memory_space<vmem>> -> memref<128x48xf32, #tpu.memory_space<vmem>>
    %dma_start3A_54 = arith.constant 0 : i32
    %dma_start3A_55 = tpu.memref_slice %arg7[%dma_start3A_48, %dma_start3A_54] : memref<13x128xi32, #tpu.memory_space<vmem>> -> memref<1x128xi32, #tpu.memory_space<vmem>>
    %dma_start3A_56 = tpu.memref_squeeze %dma_start3A_55 : memref<1x128xi32, #tpu.memory_space<vmem>> -> memref<128xi32, #tpu.memory_space<vmem>>
    %dma_start3A_57 = arith.constant 0 : i32
    %dma_start3A_58 = arith.constant 0 : i32
    %dma_start3A_59 = tpu.memref_slice %arg2[%dma_start3A_57, %dma_start3A_58] : memref<10000x48xf32, #tpu.memory_space<hbm>> -> memref<10000x48xf32, #tpu.memory_space<hbm>>
    tpu.enqueue_indirect_dma source(%dma_start3A_59 : memref<10000x48xf32, #tpu.memory_space<hbm>>) target(%dma_start3A_53 : memref<128x48xf32, #tpu.memory_space<vmem>>) offsets(%dma_start3A_56 : memref<128xi32, #tpu.memory_space<vmem>>) semaphore(%arg11 : memref<!tpu.dma_semaphore, #tpu.memory_space<semaphore_mem>>)
    %dma_start3A_60 = arith.constant 5 : i32
    %dma_start3A_61 = arith.constant 5 : i32
    %dma_start3A_62 = arith.constant 0 : i32
    %dma_start3A_63 = arith.constant 0 : i32
    %dma_start3A_64 = tpu.memref_slice %arg9[%dma_start3A_61, %dma_start3A_62, %dma_start3A_63] : memref<13x128x48xf32, #tpu.memory_space<vmem>> -> memref<1x128x48xf32, #tpu.memory_space<vmem>>
    %dma_start3A_65 = tpu.memref_squeeze %dma_start3A_64 : memref<1x128x48xf32, #tpu.memory_space<vmem>> -> memref<128x48xf32, #tpu.memory_space<vmem>>
    %dma_start3A_66 = arith.constant 0 : i32
    %dma_start3A_67 = tpu.memref_slice %arg7[%dma_start3A_60, %dma_start3A_66] : memref<13x128xi32, #tpu.memory_space<vmem>> -> memref<1x128xi32, #tpu.memory_space<vmem>>
    %dma_start3A_68 = tpu.memref_squeeze %dma_start3A_67 : memref<1x128xi32, #tpu.memory_space<vmem>> -> memref<128xi32, #tpu.memory_space<vmem>>
    %dma_start3A_69 = arith.constant 0 : i32
    %dma_start3A_70 = arith.constant 0 : i32
    %dma_start3A_71 = tpu.memref_slice %arg2[%dma_start3A_69, %dma_start3A_70] : memref<10000x48xf32, #tpu.memory_space<hbm>> -> memref<10000x48xf32, #tpu.memory_space<hbm>>
    tpu.enqueue_indirect_dma source(%dma_start3A_71 : memref<10000x48xf32, #tpu.memory_space<hbm>>) target(%dma_start3A_65 : memref<128x48xf32, #tpu.memory_space<vmem>>) offsets(%dma_start3A_68 : memref<128xi32, #tpu.memory_space<vmem>>) semaphore(%arg11 : memref<!tpu.dma_semaphore, #tpu.memory_space<semaphore_mem>>)
    %dma_start3A_72 = arith.constant 6 : i32
    %dma_start3A_73 = arith.constant 6 : i32
    %dma_start3A_74 = arith.constant 0 : i32
    %dma_start3A_75 = arith.constant 0 : i32
    %dma_start3A_76 = tpu.memref_slice %arg9[%dma_start3A_73, %dma_start3A_74, %dma_start3A_75] : memref<13x128x48xf32, #tpu.memory_space<vmem>> -> memref<1x128x48xf32, #tpu.memory_space<vmem>>
    %dma_start3A_77 = tpu.memref_squeeze %dma_start3A_76 : memref<1x128x48xf32, #tpu.memory_space<vmem>> -> memref<128x48xf32, #tpu.memory_space<vmem>>
    %dma_start3A_78 = arith.constant 0 : i32
    %dma_start3A_79 = tpu.memref_slice %arg7[%dma_start3A_72, %dma_start3A_78] : memref<13x128xi32, #tpu.memory_space<vmem>> -> memref<1x128xi32, #tpu.memory_space<vmem>>
    %dma_start3A_80 = tpu.memref_squeeze %dma_start3A_79 : memref<1x128xi32, #tpu.memory_space<vmem>> -> memref<128xi32, #tpu.memory_space<vmem>>
    %dma_start3A_81 = arith.constant 0 : i32
    %dma_start3A_82 = arith.constant 0 : i32
    %dma_start3A_83 = tpu.memref_slice %arg2[%dma_start3A_81, %dma_start3A_82] : memref<10000x48xf32, #tpu.memory_space<hbm>> -> memref<10000x48xf32, #tpu.memory_space<hbm>>
    tpu.enqueue_indirect_dma source(%dma_start3A_83 : memref<10000x48xf32, #tpu.memory_space<hbm>>) target(%dma_start3A_77 : memref<128x48xf32, #tpu.memory_space<vmem>>) offsets(%dma_start3A_80 : memref<128xi32, #tpu.memory_space<vmem>>) semaphore(%arg11 : memref<!tpu.dma_semaphore, #tpu.memory_space<semaphore_mem>>)
    %dma_start3A_84 = arith.constant 7 : i32
    %dma_start3A_85 = arith.constant 7 : i32
    %dma_start3A_86 = arith.constant 0 : i32
    %dma_start3A_87 = arith.constant 0 : i32
    %dma_start3A_88 = tpu.memref_slice %arg9[%dma_start3A_85, %dma_start3A_86, %dma_start3A_87] : memref<13x128x48xf32, #tpu.memory_space<vmem>> -> memref<1x128x48xf32, #tpu.memory_space<vmem>>
    %dma_start3A_89 = tpu.memref_squeeze %dma_start3A_88 : memref<1x128x48xf32, #tpu.memory_space<vmem>> -> memref<128x48xf32, #tpu.memory_space<vmem>>
    %dma_start3A_90 = arith.constant 0 : i32
    %dma_start3A_91 = tpu.memref_slice %arg7[%dma_start3A_84, %dma_start3A_90] : memref<13x128xi32, #tpu.memory_space<vmem>> -> memref<1x128xi32, #tpu.memory_space<vmem>>
    %dma_start3A_92 = tpu.memref_squeeze %dma_start3A_91 : memref<1x128xi32, #tpu.memory_space<vmem>> -> memref<128xi32, #tpu.memory_space<vmem>>
    %dma_start3A_93 = arith.constant 0 : i32
    %dma_start3A_94 = arith.constant 0 : i32
    %dma_start3A_95 = tpu.memref_slice %arg2[%dma_start3A_93, %dma_start3A_94] : memref<10000x48xf32, #tpu.memory_space<hbm>> -> memref<10000x48xf32, #tpu.memory_space<hbm>>
    tpu.enqueue_indirect_dma source(%dma_start3A_95 : memref<10000x48xf32, #tpu.memory_space<hbm>>) target(%dma_start3A_89 : memref<128x48xf32, #tpu.memory_space<vmem>>) offsets(%dma_start3A_92 : memref<128xi32, #tpu.memory_space<vmem>>) semaphore(%arg11 : memref<!tpu.dma_semaphore, #tpu.memory_space<semaphore_mem>>)
    %dma_start3A_96 = arith.constant 8 : i32
    %dma_start3A_97 = arith.constant 8 : i32
    %dma_start3A_98 = arith.constant 0 : i32
    %dma_start3A_99 = arith.constant 0 : i32
    %dma_start3A_100 = tpu.memref_slice %arg9[%dma_start3A_97, %dma_start3A_98, %dma_start3A_99] : memref<13x128x48xf32, #tpu.memory_space<vmem>> -> memref<1x128x48xf32, #tpu.memory_space<vmem>>
    %dma_start3A_101 = tpu.memref_squeeze %dma_start3A_100 : memref<1x128x48xf32, #tpu.memory_space<vmem>> -> memref<128x48xf32, #tpu.memory_space<vmem>>
    %dma_start3A_102 = arith.constant 0 : i32
    %dma_start3A_103 = tpu.memref_slice %arg7[%dma_start3A_96, %dma_start3A_102] : memref<13x128xi32, #tpu.memory_space<vmem>> -> memref<1x128xi32, #tpu.memory_space<vmem>>
    %dma_start3A_104 = tpu.memref_squeeze %dma_start3A_103 : memref<1x128xi32, #tpu.memory_space<vmem>> -> memref<128xi32, #tpu.memory_space<vmem>>
    %dma_start3A_105 = arith.constant 0 : i32
    %dma_start3A_106 = arith.constant 0 : i32
    %dma_start3A_107 = tpu.memref_slice %arg2[%dma_start3A_105, %dma_start3A_106] : memref<10000x48xf32, #tpu.memory_space<hbm>> -> memref<10000x48xf32, #tpu.memory_space<hbm>>
    tpu.enqueue_indirect_dma source(%dma_start3A_107 : memref<10000x48xf32, #tpu.memory_space<hbm>>) target(%dma_start3A_101 : memref<128x48xf32, #tpu.memory_space<vmem>>) offsets(%dma_start3A_104 : memref<128xi32, #tpu.memory_space<vmem>>) semaphore(%arg11 : memref<!tpu.dma_semaphore, #tpu.memory_space<semaphore_mem>>)
    %dma_start3A_108 = arith.constant 9 : i32
    %dma_start3A_109 = arith.constant 9 : i32
    %dma_start3A_110 = arith.constant 0 : i32
    %dma_start3A_111 = arith.constant 0 : i32
    %dma_start3A_112 = tpu.memref_slice %arg9[%dma_start3A_109, %dma_start3A_110, %dma_start3A_111] : memref<13x128x48xf32, #tpu.memory_space<vmem>> -> memref<1x128x48xf32, #tpu.memory_space<vmem>>
    %dma_start3A_113 = tpu.memref_squeeze %dma_start3A_112 : memref<1x128x48xf32, #tpu.memory_space<vmem>> -> memref<128x48xf32, #tpu.memory_space<vmem>>
    %dma_start3A_114 = arith.constant 0 : i32
    %dma_start3A_115 = tpu.memref_slice %arg7[%dma_start3A_108, %dma_start3A_114] : memref<13x128xi32, #tpu.memory_space<vmem>> -> memref<1x128xi32, #tpu.memory_space<vmem>>
    %dma_start3A_116 = tpu.memref_squeeze %dma_start3A_115 : memref<1x128xi32, #tpu.memory_space<vmem>> -> memref<128xi32, #tpu.memory_space<vmem>>
    %dma_start3A_117 = arith.constant 0 : i32
    %dma_start3A_118 = arith.constant 0 : i32
    %dma_start3A_119 = tpu.memref_slice %arg2[%dma_start3A_117, %dma_start3A_118] : memref<10000x48xf32, #tpu.memory_space<hbm>> -> memref<10000x48xf32, #tpu.memory_space<hbm>>
    tpu.enqueue_indirect_dma source(%dma_start3A_119 : memref<10000x48xf32, #tpu.memory_space<hbm>>) target(%dma_start3A_113 : memref<128x48xf32, #tpu.memory_space<vmem>>) offsets(%dma_start3A_116 : memref<128xi32, #tpu.memory_space<vmem>>) semaphore(%arg11 : memref<!tpu.dma_semaphore, #tpu.memory_space<semaphore_mem>>)
    %dma_start3A_120 = arith.constant 10 : i32
    %dma_start3A_121 = arith.constant 10 : i32
    %dma_start3A_122 = arith.constant 0 : i32
    %dma_start3A_123 = arith.constant 0 : i32
    %dma_start3A_124 = tpu.memref_slice %arg9[%dma_start3A_121, %dma_start3A_122, %dma_start3A_123] : memref<13x128x48xf32, #tpu.memory_space<vmem>> -> memref<1x128x48xf32, #tpu.memory_space<vmem>>
    %dma_start3A_125 = tpu.memref_squeeze %dma_start3A_124 : memref<1x128x48xf32, #tpu.memory_space<vmem>> -> memref<128x48xf32, #tpu.memory_space<vmem>>
    %dma_start3A_126 = arith.constant 0 : i32
    %dma_start3A_127 = tpu.memref_slice %arg7[%dma_start3A_120, %dma_start3A_126] : memref<13x128xi32, #tpu.memory_space<vmem>> -> memref<1x128xi32, #tpu.memory_space<vmem>>
    %dma_start3A_128 = tpu.memref_squeeze %dma_start3A_127 : memref<1x128xi32, #tpu.memory_space<vmem>> -> memref<128xi32, #tpu.memory_space<vmem>>
    %dma_start3A_129 = arith.constant 0 : i32
    %dma_start3A_130 = arith.constant 0 : i32
    %dma_start3A_131 = tpu.memref_slice %arg2[%dma_start3A_129, %dma_start3A_130] : memref<10000x48xf32, #tpu.memory_space<hbm>> -> memref<10000x48xf32, #tpu.memory_space<hbm>>
    tpu.enqueue_indirect_dma source(%dma_start3A_131 : memref<10000x48xf32, #tpu.memory_space<hbm>>) target(%dma_start3A_125 : memref<128x48xf32, #tpu.memory_space<vmem>>) offsets(%dma_start3A_128 : memref<128xi32, #tpu.memory_space<vmem>>) semaphore(%arg11 : memref<!tpu.dma_semaphore, #tpu.memory_space<semaphore_mem>>)
    %dma_start3A_132 = arith.constant 11 : i32
    %dma_start3A_133 = arith.constant 11 : i32
    %dma_start3A_134 = arith.constant 0 : i32
    %dma_start3A_135 = arith.constant 0 : i32
    %dma_start3A_136 = tpu.memref_slice %arg9[%dma_start3A_133, %dma_start3A_134, %dma_start3A_135] : memref<13x128x48xf32, #tpu.memory_space<vmem>> -> memref<1x128x48xf32, #tpu.memory_space<vmem>>
    %dma_start3A_137 = tpu.memref_squeeze %dma_start3A_136 : memref<1x128x48xf32, #tpu.memory_space<vmem>> -> memref<128x48xf32, #tpu.memory_space<vmem>>
    %dma_start3A_138 = arith.constant 0 : i32
    %dma_start3A_139 = tpu.memref_slice %arg7[%dma_start3A_132, %dma_start3A_138] : memref<13x128xi32, #tpu.memory_space<vmem>> -> memref<1x128xi32, #tpu.memory_space<vmem>>
    %dma_start3A_140 = tpu.memref_squeeze %dma_start3A_139 : memref<1x128xi32, #tpu.memory_space<vmem>> -> memref<128xi32, #tpu.memory_space<vmem>>
    %dma_start3A_141 = arith.constant 0 : i32
    %dma_start3A_142 = arith.constant 0 : i32
    %dma_start3A_143 = tpu.memref_slice %arg2[%dma_start3A_141, %dma_start3A_142] : memref<10000x48xf32, #tpu.memory_space<hbm>> -> memref<10000x48xf32, #tpu.memory_space<hbm>>
    tpu.enqueue_indirect_dma source(%dma_start3A_143 : memref<10000x48xf32, #tpu.memory_space<hbm>>) target(%dma_start3A_137 : memref<128x48xf32, #tpu.memory_space<vmem>>) offsets(%dma_start3A_140 : memref<128xi32, #tpu.memory_space<vmem>>) semaphore(%arg11 : memref<!tpu.dma_semaphore, #tpu.memory_space<semaphore_mem>>)
    %dma_start3A_144 = arith.constant 12 : i32
    %dma_start3A_145 = arith.constant 12 : i32
    %dma_start3A_146 = arith.constant 0 : i32
    %dma_start3A_147 = arith.constant 0 : i32
    %dma_start3A_148 = tpu.memref_slice %arg9[%dma_start3A_145, %dma_start3A_146, %dma_start3A_147] : memref<13x128x48xf32, #tpu.memory_space<vmem>> -> memref<1x128x48xf32, #tpu.memory_space<vmem>>
    %dma_start3A_149 = tpu.memref_squeeze %dma_start3A_148 : memref<1x128x48xf32, #tpu.memory_space<vmem>> -> memref<128x48xf32, #tpu.memory_space<vmem>>
    %dma_start3A_150 = arith.constant 0 : i32
    %dma_start3A_151 = tpu.memref_slice %arg7[%dma_start3A_144, %dma_start3A_150] : memref<13x128xi32, #tpu.memory_space<vmem>> -> memref<1x128xi32, #tpu.memory_space<vmem>>
    %dma_start3A_152 = tpu.memref_squeeze %dma_start3A_151 : memref<1x128xi32, #tpu.memory_space<vmem>> -> memref<128xi32, #tpu.memory_space<vmem>>
    %dma_start3A_153 = arith.constant 0 : i32
    %dma_start3A_154 = arith.constant 0 : i32
    %dma_start3A_155 = tpu.memref_slice %arg2[%dma_start3A_153, %dma_start3A_154] : memref<10000x48xf32, #tpu.memory_space<hbm>> -> memref<10000x48xf32, #tpu.memory_space<hbm>>
    tpu.enqueue_indirect_dma source(%dma_start3A_155 : memref<10000x48xf32, #tpu.memory_space<hbm>>) target(%dma_start3A_149 : memref<128x48xf32, #tpu.memory_space<vmem>>) offsets(%dma_start3A_152 : memref<128xi32, #tpu.memory_space<vmem>>) semaphore(%arg11 : memref<!tpu.dma_semaphore, #tpu.memory_space<semaphore_mem>>)
    %mul3A_156 = arith.constant 632 : i32
    %mul3A_157 = arith.muli %arg1, %mul3A_156 : i32
    "tpu.region"() ({
      %run_scoped3A = tpu.sem_alloc : memref<!tpu.dma_semaphore, #tpu.memory_space<semaphore_mem>>
      %dma_start3A_632 = arith.constant 0 : i32
      %dma_start3A_633 = tpu.memref_slice %arg10[%mul3A_157, %dma_start3A_632] : memref<10112x48xf32, #tpu.memory_space<vmem_shared>> -> memref<632x48xf32, #tpu.memory_space<vmem_shared>>
      tpu.enqueue_dma source(%arg5 : memref<632x48xf32, #tpu.memory_space<hbm>>) target(%dma_start3A_633 : memref<632x48xf32, #tpu.memory_space<vmem_shared>>) target_semaphore(%run_scoped3A : memref<!tpu.dma_semaphore, #tpu.memory_space<semaphore_mem>>)
      %dma_wait3A_634 = arith.constant 0 : i32
      %dma_wait3A_635 = tpu.memref_slice %arg10[%mul3A_157, %dma_wait3A_634] : memref<10112x48xf32, #tpu.memory_space<vmem_shared>> -> memref<632x48xf32, #tpu.memory_space<vmem_shared>>
      tpu.wait_dma2 semaphore(%run_scoped3A : memref<!tpu.dma_semaphore, #tpu.memory_space<semaphore_mem>>) src(%arg5 : memref<632x48xf32, #tpu.memory_space<hbm>>) dst(%dma_wait3A_635 : memref<632x48xf32, #tpu.memory_space<vmem_shared>>)
      tpu.yield
    }) : () -> ()
    %barrier3A = arith.constant 0 : index
    tpu.barrier barrier_id(%barrier3A)
    %dma_wait3A = arith.constant 0 : i32
    %dma_wait3A_158 = arith.constant 0 : i32
    %dma_wait3A_159 = arith.constant 0 : i32
    %dma_wait3A_160 = arith.constant 0 : i32
    %dma_wait3A_161 = tpu.memref_slice %arg9[%dma_wait3A_158, %dma_wait3A_159, %dma_wait3A_160] : memref<13x128x48xf32, #tpu.memory_space<vmem>> -> memref<1x128x48xf32, #tpu.memory_space<vmem>>
    %dma_wait3A_162 = tpu.memref_squeeze %dma_wait3A_161 : memref<1x128x48xf32, #tpu.memory_space<vmem>> -> memref<128x48xf32, #tpu.memory_space<vmem>>
    %dma_wait3A_163 = arith.constant 0 : i32
    %dma_wait3A_164 = tpu.memref_slice %arg7[%dma_wait3A, %dma_wait3A_163] : memref<13x128xi32, #tpu.memory_space<vmem>> -> memref<1x128xi32, #tpu.memory_space<vmem>>
    %dma_wait3A_165 = tpu.memref_squeeze %dma_wait3A_164 : memref<1x128xi32, #tpu.memory_space<vmem>> -> memref<128xi32, #tpu.memory_space<vmem>>
    %dma_wait3A_166 = arith.constant 0 : i32
    %dma_wait3A_167 = arith.constant 0 : i32
    %dma_wait3A_168 = tpu.memref_slice %arg2[%dma_wait3A_166, %dma_wait3A_167] : memref<10000x48xf32, #tpu.memory_space<hbm>> -> memref<10000x48xf32, #tpu.memory_space<hbm>>
    tpu.wait_indirect_dma semaphore(%arg11 : memref<!tpu.dma_semaphore, #tpu.memory_space<semaphore_mem>>) src(%dma_wait3A_168 : memref<10000x48xf32, #tpu.memory_space<hbm>>) dst(%dma_wait3A_162 : memref<128x48xf32, #tpu.memory_space<vmem>>)
    %dma_wait3A_169 = arith.constant 1 : i32
    %dma_wait3A_170 = arith.constant 1 : i32
    %dma_wait3A_171 = arith.constant 0 : i32
    %dma_wait3A_172 = arith.constant 0 : i32
    %dma_wait3A_173 = tpu.memref_slice %arg9[%dma_wait3A_170, %dma_wait3A_171, %dma_wait3A_172] : memref<13x128x48xf32, #tpu.memory_space<vmem>> -> memref<1x128x48xf32, #tpu.memory_space<vmem>>
    %dma_wait3A_174 = tpu.memref_squeeze %dma_wait3A_173 : memref<1x128x48xf32, #tpu.memory_space<vmem>> -> memref<128x48xf32, #tpu.memory_space<vmem>>
    %dma_wait3A_175 = arith.constant 0 : i32
    %dma_wait3A_176 = tpu.memref_slice %arg7[%dma_wait3A_169, %dma_wait3A_175] : memref<13x128xi32, #tpu.memory_space<vmem>> -> memref<1x128xi32, #tpu.memory_space<vmem>>
    %dma_wait3A_177 = tpu.memref_squeeze %dma_wait3A_176 : memref<1x128xi32, #tpu.memory_space<vmem>> -> memref<128xi32, #tpu.memory_space<vmem>>
    %dma_wait3A_178 = arith.constant 0 : i32
    %dma_wait3A_179 = arith.constant 0 : i32
    %dma_wait3A_180 = tpu.memref_slice %arg2[%dma_wait3A_178, %dma_wait3A_179] : memref<10000x48xf32, #tpu.memory_space<hbm>> -> memref<10000x48xf32, #tpu.memory_space<hbm>>
    tpu.wait_indirect_dma semaphore(%arg11 : memref<!tpu.dma_semaphore, #tpu.memory_space<semaphore_mem>>) src(%dma_wait3A_180 : memref<10000x48xf32, #tpu.memory_space<hbm>>) dst(%dma_wait3A_174 : memref<128x48xf32, #tpu.memory_space<vmem>>)
    %dma_wait3A_181 = arith.constant 2 : i32
    %dma_wait3A_182 = arith.constant 2 : i32
    %dma_wait3A_183 = arith.constant 0 : i32
    %dma_wait3A_184 = arith.constant 0 : i32
    %dma_wait3A_185 = tpu.memref_slice %arg9[%dma_wait3A_182, %dma_wait3A_183, %dma_wait3A_184] : memref<13x128x48xf32, #tpu.memory_space<vmem>> -> memref<1x128x48xf32, #tpu.memory_space<vmem>>
    %dma_wait3A_186 = tpu.memref_squeeze %dma_wait3A_185 : memref<1x128x48xf32, #tpu.memory_space<vmem>> -> memref<128x48xf32, #tpu.memory_space<vmem>>
    %dma_wait3A_187 = arith.constant 0 : i32
    %dma_wait3A_188 = tpu.memref_slice %arg7[%dma_wait3A_181, %dma_wait3A_187] : memref<13x128xi32, #tpu.memory_space<vmem>> -> memref<1x128xi32, #tpu.memory_space<vmem>>
    %dma_wait3A_189 = tpu.memref_squeeze %dma_wait3A_188 : memref<1x128xi32, #tpu.memory_space<vmem>> -> memref<128xi32, #tpu.memory_space<vmem>>
    %dma_wait3A_190 = arith.constant 0 : i32
    %dma_wait3A_191 = arith.constant 0 : i32
    %dma_wait3A_192 = tpu.memref_slice %arg2[%dma_wait3A_190, %dma_wait3A_191] : memref<10000x48xf32, #tpu.memory_space<hbm>> -> memref<10000x48xf32, #tpu.memory_space<hbm>>
    tpu.wait_indirect_dma semaphore(%arg11 : memref<!tpu.dma_semaphore, #tpu.memory_space<semaphore_mem>>) src(%dma_wait3A_192 : memref<10000x48xf32, #tpu.memory_space<hbm>>) dst(%dma_wait3A_186 : memref<128x48xf32, #tpu.memory_space<vmem>>)
    %dma_wait3A_193 = arith.constant 3 : i32
    %dma_wait3A_194 = arith.constant 3 : i32
    %dma_wait3A_195 = arith.constant 0 : i32
    %dma_wait3A_196 = arith.constant 0 : i32
    %dma_wait3A_197 = tpu.memref_slice %arg9[%dma_wait3A_194, %dma_wait3A_195, %dma_wait3A_196] : memref<13x128x48xf32, #tpu.memory_space<vmem>> -> memref<1x128x48xf32, #tpu.memory_space<vmem>>
    %dma_wait3A_198 = tpu.memref_squeeze %dma_wait3A_197 : memref<1x128x48xf32, #tpu.memory_space<vmem>> -> memref<128x48xf32, #tpu.memory_space<vmem>>
    %dma_wait3A_199 = arith.constant 0 : i32
    %dma_wait3A_200 = tpu.memref_slice %arg7[%dma_wait3A_193, %dma_wait3A_199] : memref<13x128xi32, #tpu.memory_space<vmem>> -> memref<1x128xi32, #tpu.memory_space<vmem>>
    %dma_wait3A_201 = tpu.memref_squeeze %dma_wait3A_200 : memref<1x128xi32, #tpu.memory_space<vmem>> -> memref<128xi32, #tpu.memory_space<vmem>>
    %dma_wait3A_202 = arith.constant 0 : i32
    %dma_wait3A_203 = arith.constant 0 : i32
    %dma_wait3A_204 = tpu.memref_slice %arg2[%dma_wait3A_202, %dma_wait3A_203] : memref<10000x48xf32, #tpu.memory_space<hbm>> -> memref<10000x48xf32, #tpu.memory_space<hbm>>
    tpu.wait_indirect_dma semaphore(%arg11 : memref<!tpu.dma_semaphore, #tpu.memory_space<semaphore_mem>>) src(%dma_wait3A_204 : memref<10000x48xf32, #tpu.memory_space<hbm>>) dst(%dma_wait3A_198 : memref<128x48xf32, #tpu.memory_space<vmem>>)
    %dma_wait3A_205 = arith.constant 4 : i32
    %dma_wait3A_206 = arith.constant 4 : i32
    %dma_wait3A_207 = arith.constant 0 : i32
    %dma_wait3A_208 = arith.constant 0 : i32
    %dma_wait3A_209 = tpu.memref_slice %arg9[%dma_wait3A_206, %dma_wait3A_207, %dma_wait3A_208] : memref<13x128x48xf32, #tpu.memory_space<vmem>> -> memref<1x128x48xf32, #tpu.memory_space<vmem>>
    %dma_wait3A_210 = tpu.memref_squeeze %dma_wait3A_209 : memref<1x128x48xf32, #tpu.memory_space<vmem>> -> memref<128x48xf32, #tpu.memory_space<vmem>>
    %dma_wait3A_211 = arith.constant 0 : i32
    %dma_wait3A_212 = tpu.memref_slice %arg7[%dma_wait3A_205, %dma_wait3A_211] : memref<13x128xi32, #tpu.memory_space<vmem>> -> memref<1x128xi32, #tpu.memory_space<vmem>>
    %dma_wait3A_213 = tpu.memref_squeeze %dma_wait3A_212 : memref<1x128xi32, #tpu.memory_space<vmem>> -> memref<128xi32, #tpu.memory_space<vmem>>
    %dma_wait3A_214 = arith.constant 0 : i32
    %dma_wait3A_215 = arith.constant 0 : i32
    %dma_wait3A_216 = tpu.memref_slice %arg2[%dma_wait3A_214, %dma_wait3A_215] : memref<10000x48xf32, #tpu.memory_space<hbm>> -> memref<10000x48xf32, #tpu.memory_space<hbm>>
    tpu.wait_indirect_dma semaphore(%arg11 : memref<!tpu.dma_semaphore, #tpu.memory_space<semaphore_mem>>) src(%dma_wait3A_216 : memref<10000x48xf32, #tpu.memory_space<hbm>>) dst(%dma_wait3A_210 : memref<128x48xf32, #tpu.memory_space<vmem>>)
    %dma_wait3A_217 = arith.constant 5 : i32
    %dma_wait3A_218 = arith.constant 5 : i32
    %dma_wait3A_219 = arith.constant 0 : i32
    %dma_wait3A_220 = arith.constant 0 : i32
    %dma_wait3A_221 = tpu.memref_slice %arg9[%dma_wait3A_218, %dma_wait3A_219, %dma_wait3A_220] : memref<13x128x48xf32, #tpu.memory_space<vmem>> -> memref<1x128x48xf32, #tpu.memory_space<vmem>>
    %dma_wait3A_222 = tpu.memref_squeeze %dma_wait3A_221 : memref<1x128x48xf32, #tpu.memory_space<vmem>> -> memref<128x48xf32, #tpu.memory_space<vmem>>
    %dma_wait3A_223 = arith.constant 0 : i32
    %dma_wait3A_224 = tpu.memref_slice %arg7[%dma_wait3A_217, %dma_wait3A_223] : memref<13x128xi32, #tpu.memory_space<vmem>> -> memref<1x128xi32, #tpu.memory_space<vmem>>
    %dma_wait3A_225 = tpu.memref_squeeze %dma_wait3A_224 : memref<1x128xi32, #tpu.memory_space<vmem>> -> memref<128xi32, #tpu.memory_space<vmem>>
    %dma_wait3A_226 = arith.constant 0 : i32
    %dma_wait3A_227 = arith.constant 0 : i32
    %dma_wait3A_228 = tpu.memref_slice %arg2[%dma_wait3A_226, %dma_wait3A_227] : memref<10000x48xf32, #tpu.memory_space<hbm>> -> memref<10000x48xf32, #tpu.memory_space<hbm>>
    tpu.wait_indirect_dma semaphore(%arg11 : memref<!tpu.dma_semaphore, #tpu.memory_space<semaphore_mem>>) src(%dma_wait3A_228 : memref<10000x48xf32, #tpu.memory_space<hbm>>) dst(%dma_wait3A_222 : memref<128x48xf32, #tpu.memory_space<vmem>>)
    %dma_wait3A_229 = arith.constant 6 : i32
    %dma_wait3A_230 = arith.constant 6 : i32
    %dma_wait3A_231 = arith.constant 0 : i32
    %dma_wait3A_232 = arith.constant 0 : i32
    %dma_wait3A_233 = tpu.memref_slice %arg9[%dma_wait3A_230, %dma_wait3A_231, %dma_wait3A_232] : memref<13x128x48xf32, #tpu.memory_space<vmem>> -> memref<1x128x48xf32, #tpu.memory_space<vmem>>
    %dma_wait3A_234 = tpu.memref_squeeze %dma_wait3A_233 : memref<1x128x48xf32, #tpu.memory_space<vmem>> -> memref<128x48xf32, #tpu.memory_space<vmem>>
    %dma_wait3A_235 = arith.constant 0 : i32
    %dma_wait3A_236 = tpu.memref_slice %arg7[%dma_wait3A_229, %dma_wait3A_235] : memref<13x128xi32, #tpu.memory_space<vmem>> -> memref<1x128xi32, #tpu.memory_space<vmem>>
    %dma_wait3A_237 = tpu.memref_squeeze %dma_wait3A_236 : memref<1x128xi32, #tpu.memory_space<vmem>> -> memref<128xi32, #tpu.memory_space<vmem>>
    %dma_wait3A_238 = arith.constant 0 : i32
    %dma_wait3A_239 = arith.constant 0 : i32
    %dma_wait3A_240 = tpu.memref_slice %arg2[%dma_wait3A_238, %dma_wait3A_239] : memref<10000x48xf32, #tpu.memory_space<hbm>> -> memref<10000x48xf32, #tpu.memory_space<hbm>>
    tpu.wait_indirect_dma semaphore(%arg11 : memref<!tpu.dma_semaphore, #tpu.memory_space<semaphore_mem>>) src(%dma_wait3A_240 : memref<10000x48xf32, #tpu.memory_space<hbm>>) dst(%dma_wait3A_234 : memref<128x48xf32, #tpu.memory_space<vmem>>)
    %dma_wait3A_241 = arith.constant 7 : i32
    %dma_wait3A_242 = arith.constant 7 : i32
    %dma_wait3A_243 = arith.constant 0 : i32
    %dma_wait3A_244 = arith.constant 0 : i32
    %dma_wait3A_245 = tpu.memref_slice %arg9[%dma_wait3A_242, %dma_wait3A_243, %dma_wait3A_244] : memref<13x128x48xf32, #tpu.memory_space<vmem>> -> memref<1x128x48xf32, #tpu.memory_space<vmem>>
    %dma_wait3A_246 = tpu.memref_squeeze %dma_wait3A_245 : memref<1x128x48xf32, #tpu.memory_space<vmem>> -> memref<128x48xf32, #tpu.memory_space<vmem>>
    %dma_wait3A_247 = arith.constant 0 : i32
    %dma_wait3A_248 = tpu.memref_slice %arg7[%dma_wait3A_241, %dma_wait3A_247] : memref<13x128xi32, #tpu.memory_space<vmem>> -> memref<1x128xi32, #tpu.memory_space<vmem>>
    %dma_wait3A_249 = tpu.memref_squeeze %dma_wait3A_248 : memref<1x128xi32, #tpu.memory_space<vmem>> -> memref<128xi32, #tpu.memory_space<vmem>>
    %dma_wait3A_250 = arith.constant 0 : i32
    %dma_wait3A_251 = arith.constant 0 : i32
    %dma_wait3A_252 = tpu.memref_slice %arg2[%dma_wait3A_250, %dma_wait3A_251] : memref<10000x48xf32, #tpu.memory_space<hbm>> -> memref<10000x48xf32, #tpu.memory_space<hbm>>
    tpu.wait_indirect_dma semaphore(%arg11 : memref<!tpu.dma_semaphore, #tpu.memory_space<semaphore_mem>>) src(%dma_wait3A_252 : memref<10000x48xf32, #tpu.memory_space<hbm>>) dst(%dma_wait3A_246 : memref<128x48xf32, #tpu.memory_space<vmem>>)
    %dma_wait3A_253 = arith.constant 8 : i32
    %dma_wait3A_254 = arith.constant 8 : i32
    %dma_wait3A_255 = arith.constant 0 : i32
    %dma_wait3A_256 = arith.constant 0 : i32
    %dma_wait3A_257 = tpu.memref_slice %arg9[%dma_wait3A_254, %dma_wait3A_255, %dma_wait3A_256] : memref<13x128x48xf32, #tpu.memory_space<vmem>> -> memref<1x128x48xf32, #tpu.memory_space<vmem>>
    %dma_wait3A_258 = tpu.memref_squeeze %dma_wait3A_257 : memref<1x128x48xf32, #tpu.memory_space<vmem>> -> memref<128x48xf32, #tpu.memory_space<vmem>>
    %dma_wait3A_259 = arith.constant 0 : i32
    %dma_wait3A_260 = tpu.memref_slice %arg7[%dma_wait3A_253, %dma_wait3A_259] : memref<13x128xi32, #tpu.memory_space<vmem>> -> memref<1x128xi32, #tpu.memory_space<vmem>>
    %dma_wait3A_261 = tpu.memref_squeeze %dma_wait3A_260 : memref<1x128xi32, #tpu.memory_space<vmem>> -> memref<128xi32, #tpu.memory_space<vmem>>
    %dma_wait3A_262 = arith.constant 0 : i32
    %dma_wait3A_263 = arith.constant 0 : i32
    %dma_wait3A_264 = tpu.memref_slice %arg2[%dma_wait3A_262, %dma_wait3A_263] : memref<10000x48xf32, #tpu.memory_space<hbm>> -> memref<10000x48xf32, #tpu.memory_space<hbm>>
    tpu.wait_indirect_dma semaphore(%arg11 : memref<!tpu.dma_semaphore, #tpu.memory_space<semaphore_mem>>) src(%dma_wait3A_264 : memref<10000x48xf32, #tpu.memory_space<hbm>>) dst(%dma_wait3A_258 : memref<128x48xf32, #tpu.memory_space<vmem>>)
    %dma_wait3A_265 = arith.constant 9 : i32
    %dma_wait3A_266 = arith.constant 9 : i32
    %dma_wait3A_267 = arith.constant 0 : i32
    %dma_wait3A_268 = arith.constant 0 : i32
    %dma_wait3A_269 = tpu.memref_slice %arg9[%dma_wait3A_266, %dma_wait3A_267, %dma_wait3A_268] : memref<13x128x48xf32, #tpu.memory_space<vmem>> -> memref<1x128x48xf32, #tpu.memory_space<vmem>>
    %dma_wait3A_270 = tpu.memref_squeeze %dma_wait3A_269 : memref<1x128x48xf32, #tpu.memory_space<vmem>> -> memref<128x48xf32, #tpu.memory_space<vmem>>
    %dma_wait3A_271 = arith.constant 0 : i32
    %dma_wait3A_272 = tpu.memref_slice %arg7[%dma_wait3A_265, %dma_wait3A_271] : memref<13x128xi32, #tpu.memory_space<vmem>> -> memref<1x128xi32, #tpu.memory_space<vmem>>
    %dma_wait3A_273 = tpu.memref_squeeze %dma_wait3A_272 : memref<1x128xi32, #tpu.memory_space<vmem>> -> memref<128xi32, #tpu.memory_space<vmem>>
    %dma_wait3A_274 = arith.constant 0 : i32
    %dma_wait3A_275 = arith.constant 0 : i32
    %dma_wait3A_276 = tpu.memref_slice %arg2[%dma_wait3A_274, %dma_wait3A_275] : memref<10000x48xf32, #tpu.memory_space<hbm>> -> memref<10000x48xf32, #tpu.memory_space<hbm>>
    tpu.wait_indirect_dma semaphore(%arg11 : memref<!tpu.dma_semaphore, #tpu.memory_space<semaphore_mem>>) src(%dma_wait3A_276 : memref<10000x48xf32, #tpu.memory_space<hbm>>) dst(%dma_wait3A_270 : memref<128x48xf32, #tpu.memory_space<vmem>>)
    %dma_wait3A_277 = arith.constant 10 : i32
    %dma_wait3A_278 = arith.constant 10 : i32
    %dma_wait3A_279 = arith.constant 0 : i32
    %dma_wait3A_280 = arith.constant 0 : i32
    %dma_wait3A_281 = tpu.memref_slice %arg9[%dma_wait3A_278, %dma_wait3A_279, %dma_wait3A_280] : memref<13x128x48xf32, #tpu.memory_space<vmem>> -> memref<1x128x48xf32, #tpu.memory_space<vmem>>
    %dma_wait3A_282 = tpu.memref_squeeze %dma_wait3A_281 : memref<1x128x48xf32, #tpu.memory_space<vmem>> -> memref<128x48xf32, #tpu.memory_space<vmem>>
    %dma_wait3A_283 = arith.constant 0 : i32
    %dma_wait3A_284 = tpu.memref_slice %arg7[%dma_wait3A_277, %dma_wait3A_283] : memref<13x128xi32, #tpu.memory_space<vmem>> -> memref<1x128xi32, #tpu.memory_space<vmem>>
    %dma_wait3A_285 = tpu.memref_squeeze %dma_wait3A_284 : memref<1x128xi32, #tpu.memory_space<vmem>> -> memref<128xi32, #tpu.memory_space<vmem>>
    %dma_wait3A_286 = arith.constant 0 : i32
    %dma_wait3A_287 = arith.constant 0 : i32
    %dma_wait3A_288 = tpu.memref_slice %arg2[%dma_wait3A_286, %dma_wait3A_287] : memref<10000x48xf32, #tpu.memory_space<hbm>> -> memref<10000x48xf32, #tpu.memory_space<hbm>>
    tpu.wait_indirect_dma semaphore(%arg11 : memref<!tpu.dma_semaphore, #tpu.memory_space<semaphore_mem>>) src(%dma_wait3A_288 : memref<10000x48xf32, #tpu.memory_space<hbm>>) dst(%dma_wait3A_282 : memref<128x48xf32, #tpu.memory_space<vmem>>)
    %dma_wait3A_289 = arith.constant 11 : i32
    %dma_wait3A_290 = arith.constant 11 : i32
    %dma_wait3A_291 = arith.constant 0 : i32
    %dma_wait3A_292 = arith.constant 0 : i32
    %dma_wait3A_293 = tpu.memref_slice %arg9[%dma_wait3A_290, %dma_wait3A_291, %dma_wait3A_292] : memref<13x128x48xf32, #tpu.memory_space<vmem>> -> memref<1x128x48xf32, #tpu.memory_space<vmem>>
    %dma_wait3A_294 = tpu.memref_squeeze %dma_wait3A_293 : memref<1x128x48xf32, #tpu.memory_space<vmem>> -> memref<128x48xf32, #tpu.memory_space<vmem>>
    %dma_wait3A_295 = arith.constant 0 : i32
    %dma_wait3A_296 = tpu.memref_slice %arg7[%dma_wait3A_289, %dma_wait3A_295] : memref<13x128xi32, #tpu.memory_space<vmem>> -> memref<1x128xi32, #tpu.memory_space<vmem>>
    %dma_wait3A_297 = tpu.memref_squeeze %dma_wait3A_296 : memref<1x128xi32, #tpu.memory_space<vmem>> -> memref<128xi32, #tpu.memory_space<vmem>>
    %dma_wait3A_298 = arith.constant 0 : i32
    %dma_wait3A_299 = arith.constant 0 : i32
    %dma_wait3A_300 = tpu.memref_slice %arg2[%dma_wait3A_298, %dma_wait3A_299] : memref<10000x48xf32, #tpu.memory_space<hbm>> -> memref<10000x48xf32, #tpu.memory_space<hbm>>
    tpu.wait_indirect_dma semaphore(%arg11 : memref<!tpu.dma_semaphore, #tpu.memory_space<semaphore_mem>>) src(%dma_wait3A_300 : memref<10000x48xf32, #tpu.memory_space<hbm>>) dst(%dma_wait3A_294 : memref<128x48xf32, #tpu.memory_space<vmem>>)
    %dma_wait3A_301 = arith.constant 12 : i32
    %dma_wait3A_302 = arith.constant 12 : i32
    %dma_wait3A_303 = arith.constant 0 : i32
    %dma_wait3A_304 = arith.constant 0 : i32
    %dma_wait3A_305 = tpu.memref_slice %arg9[%dma_wait3A_302, %dma_wait3A_303, %dma_wait3A_304] : memref<13x128x48xf32, #tpu.memory_space<vmem>> -> memref<1x128x48xf32, #tpu.memory_space<vmem>>
    %dma_wait3A_306 = tpu.memref_squeeze %dma_wait3A_305 : memref<1x128x48xf32, #tpu.memory_space<vmem>> -> memref<128x48xf32, #tpu.memory_space<vmem>>
    %dma_wait3A_307 = arith.constant 0 : i32
    %dma_wait3A_308 = tpu.memref_slice %arg7[%dma_wait3A_301, %dma_wait3A_307] : memref<13x128xi32, #tpu.memory_space<vmem>> -> memref<1x128xi32, #tpu.memory_space<vmem>>
    %dma_wait3A_309 = tpu.memref_squeeze %dma_wait3A_308 : memref<1x128xi32, #tpu.memory_space<vmem>> -> memref<128xi32, #tpu.memory_space<vmem>>
    %dma_wait3A_310 = arith.constant 0 : i32
    %dma_wait3A_311 = arith.constant 0 : i32
    %dma_wait3A_312 = tpu.memref_slice %arg2[%dma_wait3A_310, %dma_wait3A_311] : memref<10000x48xf32, #tpu.memory_space<hbm>> -> memref<10000x48xf32, #tpu.memory_space<hbm>>
    tpu.wait_indirect_dma semaphore(%arg11 : memref<!tpu.dma_semaphore, #tpu.memory_space<semaphore_mem>>) src(%dma_wait3A_312 : memref<10000x48xf32, #tpu.memory_space<hbm>>) dst(%dma_wait3A_306 : memref<128x48xf32, #tpu.memory_space<vmem>>)
    %dma_start3A_313 = arith.constant 0 : i32
    %dma_start3A_314 = arith.constant 0 : i32
    %dma_start3A_315 = arith.constant 0 : i32
    %dma_start3A_316 = arith.constant 0 : i32
    %dma_start3A_317 = tpu.memref_slice %arg9[%dma_start3A_313, %dma_start3A_315, %dma_start3A_316] : memref<13x128x48xf32, #tpu.memory_space<vmem>> -> memref<1x128x48xf32, #tpu.memory_space<vmem>>
    %dma_start3A_318 = tpu.memref_squeeze %dma_start3A_317 : memref<1x128x48xf32, #tpu.memory_space<vmem>> -> memref<128x48xf32, #tpu.memory_space<vmem>>
    %dma_start3A_319 = arith.constant 0 : i32
    %dma_start3A_320 = tpu.memref_slice %arg8[%dma_start3A_314, %dma_start3A_319] : memref<13x128xi32, #tpu.memory_space<vmem>> -> memref<1x128xi32, #tpu.memory_space<vmem>>
    %dma_start3A_321 = tpu.memref_squeeze %dma_start3A_320 : memref<1x128xi32, #tpu.memory_space<vmem>> -> memref<128xi32, #tpu.memory_space<vmem>>
    %dma_start3A_322 = arith.constant 0 : i32
    %dma_start3A_323 = arith.constant 0 : i32
    %dma_start3A_324 = tpu.memref_slice %arg10[%dma_start3A_322, %dma_start3A_323] : memref<10112x48xf32, #tpu.memory_space<vmem_shared>> -> memref<10112x48xf32, #tpu.memory_space<vmem_shared>>
    tpu.enqueue_indirect_dma source(%dma_start3A_318 : memref<128x48xf32, #tpu.memory_space<vmem>>) target(%dma_start3A_324 : memref<10112x48xf32, #tpu.memory_space<vmem_shared>>) offsets(%dma_start3A_321 : memref<128xi32, #tpu.memory_space<vmem>>) semaphore(%arg12 : memref<!tpu.dma_semaphore, #tpu.memory_space<semaphore_mem>>) {add = true}
    %dma_start3A_325 = arith.constant 1 : i32
    %dma_start3A_326 = arith.constant 1 : i32
    %dma_start3A_327 = arith.constant 0 : i32
    %dma_start3A_328 = arith.constant 0 : i32
    %dma_start3A_329 = tpu.memref_slice %arg9[%dma_start3A_325, %dma_start3A_327, %dma_start3A_328] : memref<13x128x48xf32, #tpu.memory_space<vmem>> -> memref<1x128x48xf32, #tpu.memory_space<vmem>>
    %dma_start3A_330 = tpu.memref_squeeze %dma_start3A_329 : memref<1x128x48xf32, #tpu.memory_space<vmem>> -> memref<128x48xf32, #tpu.memory_space<vmem>>
    %dma_start3A_331 = arith.constant 0 : i32
    %dma_start3A_332 = tpu.memref_slice %arg8[%dma_start3A_326, %dma_start3A_331] : memref<13x128xi32, #tpu.memory_space<vmem>> -> memref<1x128xi32, #tpu.memory_space<vmem>>
    %dma_start3A_333 = tpu.memref_squeeze %dma_start3A_332 : memref<1x128xi32, #tpu.memory_space<vmem>> -> memref<128xi32, #tpu.memory_space<vmem>>
    %dma_start3A_334 = arith.constant 0 : i32
    %dma_start3A_335 = arith.constant 0 : i32
    %dma_start3A_336 = tpu.memref_slice %arg10[%dma_start3A_334, %dma_start3A_335] : memref<10112x48xf32, #tpu.memory_space<vmem_shared>> -> memref<10112x48xf32, #tpu.memory_space<vmem_shared>>
    tpu.enqueue_indirect_dma source(%dma_start3A_330 : memref<128x48xf32, #tpu.memory_space<vmem>>) target(%dma_start3A_336 : memref<10112x48xf32, #tpu.memory_space<vmem_shared>>) offsets(%dma_start3A_333 : memref<128xi32, #tpu.memory_space<vmem>>) semaphore(%arg12 : memref<!tpu.dma_semaphore, #tpu.memory_space<semaphore_mem>>) {add = true}
    %dma_start3A_337 = arith.constant 2 : i32
    %dma_start3A_338 = arith.constant 2 : i32
    %dma_start3A_339 = arith.constant 0 : i32
    %dma_start3A_340 = arith.constant 0 : i32
    %dma_start3A_341 = tpu.memref_slice %arg9[%dma_start3A_337, %dma_start3A_339, %dma_start3A_340] : memref<13x128x48xf32, #tpu.memory_space<vmem>> -> memref<1x128x48xf32, #tpu.memory_space<vmem>>
    %dma_start3A_342 = tpu.memref_squeeze %dma_start3A_341 : memref<1x128x48xf32, #tpu.memory_space<vmem>> -> memref<128x48xf32, #tpu.memory_space<vmem>>
    %dma_start3A_343 = arith.constant 0 : i32
    %dma_start3A_344 = tpu.memref_slice %arg8[%dma_start3A_338, %dma_start3A_343] : memref<13x128xi32, #tpu.memory_space<vmem>> -> memref<1x128xi32, #tpu.memory_space<vmem>>
    %dma_start3A_345 = tpu.memref_squeeze %dma_start3A_344 : memref<1x128xi32, #tpu.memory_space<vmem>> -> memref<128xi32, #tpu.memory_space<vmem>>
    %dma_start3A_346 = arith.constant 0 : i32
    %dma_start3A_347 = arith.constant 0 : i32
    %dma_start3A_348 = tpu.memref_slice %arg10[%dma_start3A_346, %dma_start3A_347] : memref<10112x48xf32, #tpu.memory_space<vmem_shared>> -> memref<10112x48xf32, #tpu.memory_space<vmem_shared>>
    tpu.enqueue_indirect_dma source(%dma_start3A_342 : memref<128x48xf32, #tpu.memory_space<vmem>>) target(%dma_start3A_348 : memref<10112x48xf32, #tpu.memory_space<vmem_shared>>) offsets(%dma_start3A_345 : memref<128xi32, #tpu.memory_space<vmem>>) semaphore(%arg12 : memref<!tpu.dma_semaphore, #tpu.memory_space<semaphore_mem>>) {add = true}
    %dma_start3A_349 = arith.constant 3 : i32
    %dma_start3A_350 = arith.constant 3 : i32
    %dma_start3A_351 = arith.constant 0 : i32
    %dma_start3A_352 = arith.constant 0 : i32
    %dma_start3A_353 = tpu.memref_slice %arg9[%dma_start3A_349, %dma_start3A_351, %dma_start3A_352] : memref<13x128x48xf32, #tpu.memory_space<vmem>> -> memref<1x128x48xf32, #tpu.memory_space<vmem>>
    %dma_start3A_354 = tpu.memref_squeeze %dma_start3A_353 : memref<1x128x48xf32, #tpu.memory_space<vmem>> -> memref<128x48xf32, #tpu.memory_space<vmem>>
    %dma_start3A_355 = arith.constant 0 : i32
    %dma_start3A_356 = tpu.memref_slice %arg8[%dma_start3A_350, %dma_start3A_355] : memref<13x128xi32, #tpu.memory_space<vmem>> -> memref<1x128xi32, #tpu.memory_space<vmem>>
    %dma_start3A_357 = tpu.memref_squeeze %dma_start3A_356 : memref<1x128xi32, #tpu.memory_space<vmem>> -> memref<128xi32, #tpu.memory_space<vmem>>
    %dma_start3A_358 = arith.constant 0 : i32
    %dma_start3A_359 = arith.constant 0 : i32
    %dma_start3A_360 = tpu.memref_slice %arg10[%dma_start3A_358, %dma_start3A_359] : memref<10112x48xf32, #tpu.memory_space<vmem_shared>> -> memref<10112x48xf32, #tpu.memory_space<vmem_shared>>
    tpu.enqueue_indirect_dma source(%dma_start3A_354 : memref<128x48xf32, #tpu.memory_space<vmem>>) target(%dma_start3A_360 : memref<10112x48xf32, #tpu.memory_space<vmem_shared>>) offsets(%dma_start3A_357 : memref<128xi32, #tpu.memory_space<vmem>>) semaphore(%arg12 : memref<!tpu.dma_semaphore, #tpu.memory_space<semaphore_mem>>) {add = true}
    %dma_start3A_361 = arith.constant 4 : i32
    %dma_start3A_362 = arith.constant 4 : i32
    %dma_start3A_363 = arith.constant 0 : i32
    %dma_start3A_364 = arith.constant 0 : i32
    %dma_start3A_365 = tpu.memref_slice %arg9[%dma_start3A_361, %dma_start3A_363, %dma_start3A_364] : memref<13x128x48xf32, #tpu.memory_space<vmem>> -> memref<1x128x48xf32, #tpu.memory_space<vmem>>
    %dma_start3A_366 = tpu.memref_squeeze %dma_start3A_365 : memref<1x128x48xf32, #tpu.memory_space<vmem>> -> memref<128x48xf32, #tpu.memory_space<vmem>>
    %dma_start3A_367 = arith.constant 0 : i32
    %dma_start3A_368 = tpu.memref_slice %arg8[%dma_start3A_362, %dma_start3A_367] : memref<13x128xi32, #tpu.memory_space<vmem>> -> memref<1x128xi32, #tpu.memory_space<vmem>>
    %dma_start3A_369 = tpu.memref_squeeze %dma_start3A_368 : memref<1x128xi32, #tpu.memory_space<vmem>> -> memref<128xi32, #tpu.memory_space<vmem>>
    %dma_start3A_370 = arith.constant 0 : i32
    %dma_start3A_371 = arith.constant 0 : i32
    %dma_start3A_372 = tpu.memref_slice %arg10[%dma_start3A_370, %dma_start3A_371] : memref<10112x48xf32, #tpu.memory_space<vmem_shared>> -> memref<10112x48xf32, #tpu.memory_space<vmem_shared>>
    tpu.enqueue_indirect_dma source(%dma_start3A_366 : memref<128x48xf32, #tpu.memory_space<vmem>>) target(%dma_start3A_372 : memref<10112x48xf32, #tpu.memory_space<vmem_shared>>) offsets(%dma_start3A_369 : memref<128xi32, #tpu.memory_space<vmem>>) semaphore(%arg12 : memref<!tpu.dma_semaphore, #tpu.memory_space<semaphore_mem>>) {add = true}
    %dma_start3A_373 = arith.constant 5 : i32
    %dma_start3A_374 = arith.constant 5 : i32
    %dma_start3A_375 = arith.constant 0 : i32
    %dma_start3A_376 = arith.constant 0 : i32
    %dma_start3A_377 = tpu.memref_slice %arg9[%dma_start3A_373, %dma_start3A_375, %dma_start3A_376] : memref<13x128x48xf32, #tpu.memory_space<vmem>> -> memref<1x128x48xf32, #tpu.memory_space<vmem>>
    %dma_start3A_378 = tpu.memref_squeeze %dma_start3A_377 : memref<1x128x48xf32, #tpu.memory_space<vmem>> -> memref<128x48xf32, #tpu.memory_space<vmem>>
    %dma_start3A_379 = arith.constant 0 : i32
    %dma_start3A_380 = tpu.memref_slice %arg8[%dma_start3A_374, %dma_start3A_379] : memref<13x128xi32, #tpu.memory_space<vmem>> -> memref<1x128xi32, #tpu.memory_space<vmem>>
    %dma_start3A_381 = tpu.memref_squeeze %dma_start3A_380 : memref<1x128xi32, #tpu.memory_space<vmem>> -> memref<128xi32, #tpu.memory_space<vmem>>
    %dma_start3A_382 = arith.constant 0 : i32
    %dma_start3A_383 = arith.constant 0 : i32
    %dma_start3A_384 = tpu.memref_slice %arg10[%dma_start3A_382, %dma_start3A_383] : memref<10112x48xf32, #tpu.memory_space<vmem_shared>> -> memref<10112x48xf32, #tpu.memory_space<vmem_shared>>
    tpu.enqueue_indirect_dma source(%dma_start3A_378 : memref<128x48xf32, #tpu.memory_space<vmem>>) target(%dma_start3A_384 : memref<10112x48xf32, #tpu.memory_space<vmem_shared>>) offsets(%dma_start3A_381 : memref<128xi32, #tpu.memory_space<vmem>>) semaphore(%arg12 : memref<!tpu.dma_semaphore, #tpu.memory_space<semaphore_mem>>) {add = true}
    %dma_start3A_385 = arith.constant 6 : i32
    %dma_start3A_386 = arith.constant 6 : i32
    %dma_start3A_387 = arith.constant 0 : i32
    %dma_start3A_388 = arith.constant 0 : i32
    %dma_start3A_389 = tpu.memref_slice %arg9[%dma_start3A_385, %dma_start3A_387, %dma_start3A_388] : memref<13x128x48xf32, #tpu.memory_space<vmem>> -> memref<1x128x48xf32, #tpu.memory_space<vmem>>
    %dma_start3A_390 = tpu.memref_squeeze %dma_start3A_389 : memref<1x128x48xf32, #tpu.memory_space<vmem>> -> memref<128x48xf32, #tpu.memory_space<vmem>>
    %dma_start3A_391 = arith.constant 0 : i32
    %dma_start3A_392 = tpu.memref_slice %arg8[%dma_start3A_386, %dma_start3A_391] : memref<13x128xi32, #tpu.memory_space<vmem>> -> memref<1x128xi32, #tpu.memory_space<vmem>>
    %dma_start3A_393 = tpu.memref_squeeze %dma_start3A_392 : memref<1x128xi32, #tpu.memory_space<vmem>> -> memref<128xi32, #tpu.memory_space<vmem>>
    %dma_start3A_394 = arith.constant 0 : i32
    %dma_start3A_395 = arith.constant 0 : i32
    %dma_start3A_396 = tpu.memref_slice %arg10[%dma_start3A_394, %dma_start3A_395] : memref<10112x48xf32, #tpu.memory_space<vmem_shared>> -> memref<10112x48xf32, #tpu.memory_space<vmem_shared>>
    tpu.enqueue_indirect_dma source(%dma_start3A_390 : memref<128x48xf32, #tpu.memory_space<vmem>>) target(%dma_start3A_396 : memref<10112x48xf32, #tpu.memory_space<vmem_shared>>) offsets(%dma_start3A_393 : memref<128xi32, #tpu.memory_space<vmem>>) semaphore(%arg12 : memref<!tpu.dma_semaphore, #tpu.memory_space<semaphore_mem>>) {add = true}
    %dma_start3A_397 = arith.constant 7 : i32
    %dma_start3A_398 = arith.constant 7 : i32
    %dma_start3A_399 = arith.constant 0 : i32
    %dma_start3A_400 = arith.constant 0 : i32
    %dma_start3A_401 = tpu.memref_slice %arg9[%dma_start3A_397, %dma_start3A_399, %dma_start3A_400] : memref<13x128x48xf32, #tpu.memory_space<vmem>> -> memref<1x128x48xf32, #tpu.memory_space<vmem>>
    %dma_start3A_402 = tpu.memref_squeeze %dma_start3A_401 : memref<1x128x48xf32, #tpu.memory_space<vmem>> -> memref<128x48xf32, #tpu.memory_space<vmem>>
    %dma_start3A_403 = arith.constant 0 : i32
    %dma_start3A_404 = tpu.memref_slice %arg8[%dma_start3A_398, %dma_start3A_403] : memref<13x128xi32, #tpu.memory_space<vmem>> -> memref<1x128xi32, #tpu.memory_space<vmem>>
    %dma_start3A_405 = tpu.memref_squeeze %dma_start3A_404 : memref<1x128xi32, #tpu.memory_space<vmem>> -> memref<128xi32, #tpu.memory_space<vmem>>
    %dma_start3A_406 = arith.constant 0 : i32
    %dma_start3A_407 = arith.constant 0 : i32
    %dma_start3A_408 = tpu.memref_slice %arg10[%dma_start3A_406, %dma_start3A_407] : memref<10112x48xf32, #tpu.memory_space<vmem_shared>> -> memref<10112x48xf32, #tpu.memory_space<vmem_shared>>
    tpu.enqueue_indirect_dma source(%dma_start3A_402 : memref<128x48xf32, #tpu.memory_space<vmem>>) target(%dma_start3A_408 : memref<10112x48xf32, #tpu.memory_space<vmem_shared>>) offsets(%dma_start3A_405 : memref<128xi32, #tpu.memory_space<vmem>>) semaphore(%arg12 : memref<!tpu.dma_semaphore, #tpu.memory_space<semaphore_mem>>) {add = true}
    %dma_start3A_409 = arith.constant 8 : i32
    %dma_start3A_410 = arith.constant 8 : i32
    %dma_start3A_411 = arith.constant 0 : i32
    %dma_start3A_412 = arith.constant 0 : i32
    %dma_start3A_413 = tpu.memref_slice %arg9[%dma_start3A_409, %dma_start3A_411, %dma_start3A_412] : memref<13x128x48xf32, #tpu.memory_space<vmem>> -> memref<1x128x48xf32, #tpu.memory_space<vmem>>
    %dma_start3A_414 = tpu.memref_squeeze %dma_start3A_413 : memref<1x128x48xf32, #tpu.memory_space<vmem>> -> memref<128x48xf32, #tpu.memory_space<vmem>>
    %dma_start3A_415 = arith.constant 0 : i32
    %dma_start3A_416 = tpu.memref_slice %arg8[%dma_start3A_410, %dma_start3A_415] : memref<13x128xi32, #tpu.memory_space<vmem>> -> memref<1x128xi32, #tpu.memory_space<vmem>>
    %dma_start3A_417 = tpu.memref_squeeze %dma_start3A_416 : memref<1x128xi32, #tpu.memory_space<vmem>> -> memref<128xi32, #tpu.memory_space<vmem>>
    %dma_start3A_418 = arith.constant 0 : i32
    %dma_start3A_419 = arith.constant 0 : i32
    %dma_start3A_420 = tpu.memref_slice %arg10[%dma_start3A_418, %dma_start3A_419] : memref<10112x48xf32, #tpu.memory_space<vmem_shared>> -> memref<10112x48xf32, #tpu.memory_space<vmem_shared>>
    tpu.enqueue_indirect_dma source(%dma_start3A_414 : memref<128x48xf32, #tpu.memory_space<vmem>>) target(%dma_start3A_420 : memref<10112x48xf32, #tpu.memory_space<vmem_shared>>) offsets(%dma_start3A_417 : memref<128xi32, #tpu.memory_space<vmem>>) semaphore(%arg12 : memref<!tpu.dma_semaphore, #tpu.memory_space<semaphore_mem>>) {add = true}
    %dma_start3A_421 = arith.constant 9 : i32
    %dma_start3A_422 = arith.constant 9 : i32
    %dma_start3A_423 = arith.constant 0 : i32
    %dma_start3A_424 = arith.constant 0 : i32
    %dma_start3A_425 = tpu.memref_slice %arg9[%dma_start3A_421, %dma_start3A_423, %dma_start3A_424] : memref<13x128x48xf32, #tpu.memory_space<vmem>> -> memref<1x128x48xf32, #tpu.memory_space<vmem>>
    %dma_start3A_426 = tpu.memref_squeeze %dma_start3A_425 : memref<1x128x48xf32, #tpu.memory_space<vmem>> -> memref<128x48xf32, #tpu.memory_space<vmem>>
    %dma_start3A_427 = arith.constant 0 : i32
    %dma_start3A_428 = tpu.memref_slice %arg8[%dma_start3A_422, %dma_start3A_427] : memref<13x128xi32, #tpu.memory_space<vmem>> -> memref<1x128xi32, #tpu.memory_space<vmem>>
    %dma_start3A_429 = tpu.memref_squeeze %dma_start3A_428 : memref<1x128xi32, #tpu.memory_space<vmem>> -> memref<128xi32, #tpu.memory_space<vmem>>
    %dma_start3A_430 = arith.constant 0 : i32
    %dma_start3A_431 = arith.constant 0 : i32
    %dma_start3A_432 = tpu.memref_slice %arg10[%dma_start3A_430, %dma_start3A_431] : memref<10112x48xf32, #tpu.memory_space<vmem_shared>> -> memref<10112x48xf32, #tpu.memory_space<vmem_shared>>
    tpu.enqueue_indirect_dma source(%dma_start3A_426 : memref<128x48xf32, #tpu.memory_space<vmem>>) target(%dma_start3A_432 : memref<10112x48xf32, #tpu.memory_space<vmem_shared>>) offsets(%dma_start3A_429 : memref<128xi32, #tpu.memory_space<vmem>>) semaphore(%arg12 : memref<!tpu.dma_semaphore, #tpu.memory_space<semaphore_mem>>) {add = true}
    %dma_start3A_433 = arith.constant 10 : i32
    %dma_start3A_434 = arith.constant 10 : i32
    %dma_start3A_435 = arith.constant 0 : i32
    %dma_start3A_436 = arith.constant 0 : i32
    %dma_start3A_437 = tpu.memref_slice %arg9[%dma_start3A_433, %dma_start3A_435, %dma_start3A_436] : memref<13x128x48xf32, #tpu.memory_space<vmem>> -> memref<1x128x48xf32, #tpu.memory_space<vmem>>
    %dma_start3A_438 = tpu.memref_squeeze %dma_start3A_437 : memref<1x128x48xf32, #tpu.memory_space<vmem>> -> memref<128x48xf32, #tpu.memory_space<vmem>>
    %dma_start3A_439 = arith.constant 0 : i32
    %dma_start3A_440 = tpu.memref_slice %arg8[%dma_start3A_434, %dma_start3A_439] : memref<13x128xi32, #tpu.memory_space<vmem>> -> memref<1x128xi32, #tpu.memory_space<vmem>>
    %dma_start3A_441 = tpu.memref_squeeze %dma_start3A_440 : memref<1x128xi32, #tpu.memory_space<vmem>> -> memref<128xi32, #tpu.memory_space<vmem>>
    %dma_start3A_442 = arith.constant 0 : i32
    %dma_start3A_443 = arith.constant 0 : i32
    %dma_start3A_444 = tpu.memref_slice %arg10[%dma_start3A_442, %dma_start3A_443] : memref<10112x48xf32, #tpu.memory_space<vmem_shared>> -> memref<10112x48xf32, #tpu.memory_space<vmem_shared>>
    tpu.enqueue_indirect_dma source(%dma_start3A_438 : memref<128x48xf32, #tpu.memory_space<vmem>>) target(%dma_start3A_444 : memref<10112x48xf32, #tpu.memory_space<vmem_shared>>) offsets(%dma_start3A_441 : memref<128xi32, #tpu.memory_space<vmem>>) semaphore(%arg12 : memref<!tpu.dma_semaphore, #tpu.memory_space<semaphore_mem>>) {add = true}
    %dma_start3A_445 = arith.constant 11 : i32
    %dma_start3A_446 = arith.constant 11 : i32
    %dma_start3A_447 = arith.constant 0 : i32
    %dma_start3A_448 = arith.constant 0 : i32
    %dma_start3A_449 = tpu.memref_slice %arg9[%dma_start3A_445, %dma_start3A_447, %dma_start3A_448] : memref<13x128x48xf32, #tpu.memory_space<vmem>> -> memref<1x128x48xf32, #tpu.memory_space<vmem>>
    %dma_start3A_450 = tpu.memref_squeeze %dma_start3A_449 : memref<1x128x48xf32, #tpu.memory_space<vmem>> -> memref<128x48xf32, #tpu.memory_space<vmem>>
    %dma_start3A_451 = arith.constant 0 : i32
    %dma_start3A_452 = tpu.memref_slice %arg8[%dma_start3A_446, %dma_start3A_451] : memref<13x128xi32, #tpu.memory_space<vmem>> -> memref<1x128xi32, #tpu.memory_space<vmem>>
    %dma_start3A_453 = tpu.memref_squeeze %dma_start3A_452 : memref<1x128xi32, #tpu.memory_space<vmem>> -> memref<128xi32, #tpu.memory_space<vmem>>
    %dma_start3A_454 = arith.constant 0 : i32
    %dma_start3A_455 = arith.constant 0 : i32
    %dma_start3A_456 = tpu.memref_slice %arg10[%dma_start3A_454, %dma_start3A_455] : memref<10112x48xf32, #tpu.memory_space<vmem_shared>> -> memref<10112x48xf32, #tpu.memory_space<vmem_shared>>
    tpu.enqueue_indirect_dma source(%dma_start3A_450 : memref<128x48xf32, #tpu.memory_space<vmem>>) target(%dma_start3A_456 : memref<10112x48xf32, #tpu.memory_space<vmem_shared>>) offsets(%dma_start3A_453 : memref<128xi32, #tpu.memory_space<vmem>>) semaphore(%arg12 : memref<!tpu.dma_semaphore, #tpu.memory_space<semaphore_mem>>) {add = true}
    %dma_start3A_457 = arith.constant 12 : i32
    %dma_start3A_458 = arith.constant 12 : i32
    %dma_start3A_459 = arith.constant 0 : i32
    %dma_start3A_460 = arith.constant 0 : i32
    %dma_start3A_461 = tpu.memref_slice %arg9[%dma_start3A_457, %dma_start3A_459, %dma_start3A_460] : memref<13x128x48xf32, #tpu.memory_space<vmem>> -> memref<1x128x48xf32, #tpu.memory_space<vmem>>
    %dma_start3A_462 = tpu.memref_squeeze %dma_start3A_461 : memref<1x128x48xf32, #tpu.memory_space<vmem>> -> memref<128x48xf32, #tpu.memory_space<vmem>>
    %dma_start3A_463 = arith.constant 0 : i32
    %dma_start3A_464 = tpu.memref_slice %arg8[%dma_start3A_458, %dma_start3A_463] : memref<13x128xi32, #tpu.memory_space<vmem>> -> memref<1x128xi32, #tpu.memory_space<vmem>>
    %dma_start3A_465 = tpu.memref_squeeze %dma_start3A_464 : memref<1x128xi32, #tpu.memory_space<vmem>> -> memref<128xi32, #tpu.memory_space<vmem>>
    %dma_start3A_466 = arith.constant 0 : i32
    %dma_start3A_467 = arith.constant 0 : i32
    %dma_start3A_468 = tpu.memref_slice %arg10[%dma_start3A_466, %dma_start3A_467] : memref<10112x48xf32, #tpu.memory_space<vmem_shared>> -> memref<10112x48xf32, #tpu.memory_space<vmem_shared>>
    tpu.enqueue_indirect_dma source(%dma_start3A_462 : memref<128x48xf32, #tpu.memory_space<vmem>>) target(%dma_start3A_468 : memref<10112x48xf32, #tpu.memory_space<vmem_shared>>) offsets(%dma_start3A_465 : memref<128xi32, #tpu.memory_space<vmem>>) semaphore(%arg12 : memref<!tpu.dma_semaphore, #tpu.memory_space<semaphore_mem>>) {add = true}
    %dma_wait3A_469 = arith.constant 0 : i32
    %dma_wait3A_470 = arith.constant 0 : i32
    %dma_wait3A_471 = arith.constant 0 : i32
    %dma_wait3A_472 = arith.constant 0 : i32
    %dma_wait3A_473 = tpu.memref_slice %arg9[%dma_wait3A_469, %dma_wait3A_471, %dma_wait3A_472] : memref<13x128x48xf32, #tpu.memory_space<vmem>> -> memref<1x128x48xf32, #tpu.memory_space<vmem>>
    %dma_wait3A_474 = tpu.memref_squeeze %dma_wait3A_473 : memref<1x128x48xf32, #tpu.memory_space<vmem>> -> memref<128x48xf32, #tpu.memory_space<vmem>>
    %dma_wait3A_475 = arith.constant 0 : i32
    %dma_wait3A_476 = tpu.memref_slice %arg8[%dma_wait3A_470, %dma_wait3A_475] : memref<13x128xi32, #tpu.memory_space<vmem>> -> memref<1x128xi32, #tpu.memory_space<vmem>>
    %dma_wait3A_477 = tpu.memref_squeeze %dma_wait3A_476 : memref<1x128xi32, #tpu.memory_space<vmem>> -> memref<128xi32, #tpu.memory_space<vmem>>
    %dma_wait3A_478 = arith.constant 0 : i32
    %dma_wait3A_479 = arith.constant 0 : i32
    %dma_wait3A_480 = tpu.memref_slice %arg10[%dma_wait3A_478, %dma_wait3A_479] : memref<10112x48xf32, #tpu.memory_space<vmem_shared>> -> memref<10112x48xf32, #tpu.memory_space<vmem_shared>>
    tpu.wait_indirect_dma semaphore(%arg12 : memref<!tpu.dma_semaphore, #tpu.memory_space<semaphore_mem>>) src(%dma_wait3A_474 : memref<128x48xf32, #tpu.memory_space<vmem>>) dst(%dma_wait3A_480 : memref<10112x48xf32, #tpu.memory_space<vmem_shared>>)
    %dma_wait3A_481 = arith.constant 1 : i32
    %dma_wait3A_482 = arith.constant 1 : i32
    %dma_wait3A_483 = arith.constant 0 : i32
    %dma_wait3A_484 = arith.constant 0 : i32
    %dma_wait3A_485 = tpu.memref_slice %arg9[%dma_wait3A_481, %dma_wait3A_483, %dma_wait3A_484] : memref<13x128x48xf32, #tpu.memory_space<vmem>> -> memref<1x128x48xf32, #tpu.memory_space<vmem>>
    %dma_wait3A_486 = tpu.memref_squeeze %dma_wait3A_485 : memref<1x128x48xf32, #tpu.memory_space<vmem>> -> memref<128x48xf32, #tpu.memory_space<vmem>>
    %dma_wait3A_487 = arith.constant 0 : i32
    %dma_wait3A_488 = tpu.memref_slice %arg8[%dma_wait3A_482, %dma_wait3A_487] : memref<13x128xi32, #tpu.memory_space<vmem>> -> memref<1x128xi32, #tpu.memory_space<vmem>>
    %dma_wait3A_489 = tpu.memref_squeeze %dma_wait3A_488 : memref<1x128xi32, #tpu.memory_space<vmem>> -> memref<128xi32, #tpu.memory_space<vmem>>
    %dma_wait3A_490 = arith.constant 0 : i32
    %dma_wait3A_491 = arith.constant 0 : i32
    %dma_wait3A_492 = tpu.memref_slice %arg10[%dma_wait3A_490, %dma_wait3A_491] : memref<10112x48xf32, #tpu.memory_space<vmem_shared>> -> memref<10112x48xf32, #tpu.memory_space<vmem_shared>>
    tpu.wait_indirect_dma semaphore(%arg12 : memref<!tpu.dma_semaphore, #tpu.memory_space<semaphore_mem>>) src(%dma_wait3A_486 : memref<128x48xf32, #tpu.memory_space<vmem>>) dst(%dma_wait3A_492 : memref<10112x48xf32, #tpu.memory_space<vmem_shared>>)
    %dma_wait3A_493 = arith.constant 2 : i32
    %dma_wait3A_494 = arith.constant 2 : i32
    %dma_wait3A_495 = arith.constant 0 : i32
    %dma_wait3A_496 = arith.constant 0 : i32
    %dma_wait3A_497 = tpu.memref_slice %arg9[%dma_wait3A_493, %dma_wait3A_495, %dma_wait3A_496] : memref<13x128x48xf32, #tpu.memory_space<vmem>> -> memref<1x128x48xf32, #tpu.memory_space<vmem>>
    %dma_wait3A_498 = tpu.memref_squeeze %dma_wait3A_497 : memref<1x128x48xf32, #tpu.memory_space<vmem>> -> memref<128x48xf32, #tpu.memory_space<vmem>>
    %dma_wait3A_499 = arith.constant 0 : i32
    %dma_wait3A_500 = tpu.memref_slice %arg8[%dma_wait3A_494, %dma_wait3A_499] : memref<13x128xi32, #tpu.memory_space<vmem>> -> memref<1x128xi32, #tpu.memory_space<vmem>>
    %dma_wait3A_501 = tpu.memref_squeeze %dma_wait3A_500 : memref<1x128xi32, #tpu.memory_space<vmem>> -> memref<128xi32, #tpu.memory_space<vmem>>
    %dma_wait3A_502 = arith.constant 0 : i32
    %dma_wait3A_503 = arith.constant 0 : i32
    %dma_wait3A_504 = tpu.memref_slice %arg10[%dma_wait3A_502, %dma_wait3A_503] : memref<10112x48xf32, #tpu.memory_space<vmem_shared>> -> memref<10112x48xf32, #tpu.memory_space<vmem_shared>>
    tpu.wait_indirect_dma semaphore(%arg12 : memref<!tpu.dma_semaphore, #tpu.memory_space<semaphore_mem>>) src(%dma_wait3A_498 : memref<128x48xf32, #tpu.memory_space<vmem>>) dst(%dma_wait3A_504 : memref<10112x48xf32, #tpu.memory_space<vmem_shared>>)
    %dma_wait3A_505 = arith.constant 3 : i32
    %dma_wait3A_506 = arith.constant 3 : i32
    %dma_wait3A_507 = arith.constant 0 : i32
    %dma_wait3A_508 = arith.constant 0 : i32
    %dma_wait3A_509 = tpu.memref_slice %arg9[%dma_wait3A_505, %dma_wait3A_507, %dma_wait3A_508] : memref<13x128x48xf32, #tpu.memory_space<vmem>> -> memref<1x128x48xf32, #tpu.memory_space<vmem>>
    %dma_wait3A_510 = tpu.memref_squeeze %dma_wait3A_509 : memref<1x128x48xf32, #tpu.memory_space<vmem>> -> memref<128x48xf32, #tpu.memory_space<vmem>>
    %dma_wait3A_511 = arith.constant 0 : i32
    %dma_wait3A_512 = tpu.memref_slice %arg8[%dma_wait3A_506, %dma_wait3A_511] : memref<13x128xi32, #tpu.memory_space<vmem>> -> memref<1x128xi32, #tpu.memory_space<vmem>>
    %dma_wait3A_513 = tpu.memref_squeeze %dma_wait3A_512 : memref<1x128xi32, #tpu.memory_space<vmem>> -> memref<128xi32, #tpu.memory_space<vmem>>
    %dma_wait3A_514 = arith.constant 0 : i32
    %dma_wait3A_515 = arith.constant 0 : i32
    %dma_wait3A_516 = tpu.memref_slice %arg10[%dma_wait3A_514, %dma_wait3A_515] : memref<10112x48xf32, #tpu.memory_space<vmem_shared>> -> memref<10112x48xf32, #tpu.memory_space<vmem_shared>>
    tpu.wait_indirect_dma semaphore(%arg12 : memref<!tpu.dma_semaphore, #tpu.memory_space<semaphore_mem>>) src(%dma_wait3A_510 : memref<128x48xf32, #tpu.memory_space<vmem>>) dst(%dma_wait3A_516 : memref<10112x48xf32, #tpu.memory_space<vmem_shared>>)
    %dma_wait3A_517 = arith.constant 4 : i32
    %dma_wait3A_518 = arith.constant 4 : i32
    %dma_wait3A_519 = arith.constant 0 : i32
    %dma_wait3A_520 = arith.constant 0 : i32
    %dma_wait3A_521 = tpu.memref_slice %arg9[%dma_wait3A_517, %dma_wait3A_519, %dma_wait3A_520] : memref<13x128x48xf32, #tpu.memory_space<vmem>> -> memref<1x128x48xf32, #tpu.memory_space<vmem>>
    %dma_wait3A_522 = tpu.memref_squeeze %dma_wait3A_521 : memref<1x128x48xf32, #tpu.memory_space<vmem>> -> memref<128x48xf32, #tpu.memory_space<vmem>>
    %dma_wait3A_523 = arith.constant 0 : i32
    %dma_wait3A_524 = tpu.memref_slice %arg8[%dma_wait3A_518, %dma_wait3A_523] : memref<13x128xi32, #tpu.memory_space<vmem>> -> memref<1x128xi32, #tpu.memory_space<vmem>>
    %dma_wait3A_525 = tpu.memref_squeeze %dma_wait3A_524 : memref<1x128xi32, #tpu.memory_space<vmem>> -> memref<128xi32, #tpu.memory_space<vmem>>
    %dma_wait3A_526 = arith.constant 0 : i32
    %dma_wait3A_527 = arith.constant 0 : i32
    %dma_wait3A_528 = tpu.memref_slice %arg10[%dma_wait3A_526, %dma_wait3A_527] : memref<10112x48xf32, #tpu.memory_space<vmem_shared>> -> memref<10112x48xf32, #tpu.memory_space<vmem_shared>>
    tpu.wait_indirect_dma semaphore(%arg12 : memref<!tpu.dma_semaphore, #tpu.memory_space<semaphore_mem>>) src(%dma_wait3A_522 : memref<128x48xf32, #tpu.memory_space<vmem>>) dst(%dma_wait3A_528 : memref<10112x48xf32, #tpu.memory_space<vmem_shared>>)
    %dma_wait3A_529 = arith.constant 5 : i32
    %dma_wait3A_530 = arith.constant 5 : i32
    %dma_wait3A_531 = arith.constant 0 : i32
    %dma_wait3A_532 = arith.constant 0 : i32
    %dma_wait3A_533 = tpu.memref_slice %arg9[%dma_wait3A_529, %dma_wait3A_531, %dma_wait3A_532] : memref<13x128x48xf32, #tpu.memory_space<vmem>> -> memref<1x128x48xf32, #tpu.memory_space<vmem>>
    %dma_wait3A_534 = tpu.memref_squeeze %dma_wait3A_533 : memref<1x128x48xf32, #tpu.memory_space<vmem>> -> memref<128x48xf32, #tpu.memory_space<vmem>>
    %dma_wait3A_535 = arith.constant 0 : i32
    %dma_wait3A_536 = tpu.memref_slice %arg8[%dma_wait3A_530, %dma_wait3A_535] : memref<13x128xi32, #tpu.memory_space<vmem>> -> memref<1x128xi32, #tpu.memory_space<vmem>>
    %dma_wait3A_537 = tpu.memref_squeeze %dma_wait3A_536 : memref<1x128xi32, #tpu.memory_space<vmem>> -> memref<128xi32, #tpu.memory_space<vmem>>
    %dma_wait3A_538 = arith.constant 0 : i32
    %dma_wait3A_539 = arith.constant 0 : i32
    %dma_wait3A_540 = tpu.memref_slice %arg10[%dma_wait3A_538, %dma_wait3A_539] : memref<10112x48xf32, #tpu.memory_space<vmem_shared>> -> memref<10112x48xf32, #tpu.memory_space<vmem_shared>>
    tpu.wait_indirect_dma semaphore(%arg12 : memref<!tpu.dma_semaphore, #tpu.memory_space<semaphore_mem>>) src(%dma_wait3A_534 : memref<128x48xf32, #tpu.memory_space<vmem>>) dst(%dma_wait3A_540 : memref<10112x48xf32, #tpu.memory_space<vmem_shared>>)
    %dma_wait3A_541 = arith.constant 6 : i32
    %dma_wait3A_542 = arith.constant 6 : i32
    %dma_wait3A_543 = arith.constant 0 : i32
    %dma_wait3A_544 = arith.constant 0 : i32
    %dma_wait3A_545 = tpu.memref_slice %arg9[%dma_wait3A_541, %dma_wait3A_543, %dma_wait3A_544] : memref<13x128x48xf32, #tpu.memory_space<vmem>> -> memref<1x128x48xf32, #tpu.memory_space<vmem>>
    %dma_wait3A_546 = tpu.memref_squeeze %dma_wait3A_545 : memref<1x128x48xf32, #tpu.memory_space<vmem>> -> memref<128x48xf32, #tpu.memory_space<vmem>>
    %dma_wait3A_547 = arith.constant 0 : i32
    %dma_wait3A_548 = tpu.memref_slice %arg8[%dma_wait3A_542, %dma_wait3A_547] : memref<13x128xi32, #tpu.memory_space<vmem>> -> memref<1x128xi32, #tpu.memory_space<vmem>>
    %dma_wait3A_549 = tpu.memref_squeeze %dma_wait3A_548 : memref<1x128xi32, #tpu.memory_space<vmem>> -> memref<128xi32, #tpu.memory_space<vmem>>
    %dma_wait3A_550 = arith.constant 0 : i32
    %dma_wait3A_551 = arith.constant 0 : i32
    %dma_wait3A_552 = tpu.memref_slice %arg10[%dma_wait3A_550, %dma_wait3A_551] : memref<10112x48xf32, #tpu.memory_space<vmem_shared>> -> memref<10112x48xf32, #tpu.memory_space<vmem_shared>>
    tpu.wait_indirect_dma semaphore(%arg12 : memref<!tpu.dma_semaphore, #tpu.memory_space<semaphore_mem>>) src(%dma_wait3A_546 : memref<128x48xf32, #tpu.memory_space<vmem>>) dst(%dma_wait3A_552 : memref<10112x48xf32, #tpu.memory_space<vmem_shared>>)
    %dma_wait3A_553 = arith.constant 7 : i32
    %dma_wait3A_554 = arith.constant 7 : i32
    %dma_wait3A_555 = arith.constant 0 : i32
    %dma_wait3A_556 = arith.constant 0 : i32
    %dma_wait3A_557 = tpu.memref_slice %arg9[%dma_wait3A_553, %dma_wait3A_555, %dma_wait3A_556] : memref<13x128x48xf32, #tpu.memory_space<vmem>> -> memref<1x128x48xf32, #tpu.memory_space<vmem>>
    %dma_wait3A_558 = tpu.memref_squeeze %dma_wait3A_557 : memref<1x128x48xf32, #tpu.memory_space<vmem>> -> memref<128x48xf32, #tpu.memory_space<vmem>>
    %dma_wait3A_559 = arith.constant 0 : i32
    %dma_wait3A_560 = tpu.memref_slice %arg8[%dma_wait3A_554, %dma_wait3A_559] : memref<13x128xi32, #tpu.memory_space<vmem>> -> memref<1x128xi32, #tpu.memory_space<vmem>>
    %dma_wait3A_561 = tpu.memref_squeeze %dma_wait3A_560 : memref<1x128xi32, #tpu.memory_space<vmem>> -> memref<128xi32, #tpu.memory_space<vmem>>
    %dma_wait3A_562 = arith.constant 0 : i32
    %dma_wait3A_563 = arith.constant 0 : i32
    %dma_wait3A_564 = tpu.memref_slice %arg10[%dma_wait3A_562, %dma_wait3A_563] : memref<10112x48xf32, #tpu.memory_space<vmem_shared>> -> memref<10112x48xf32, #tpu.memory_space<vmem_shared>>
    tpu.wait_indirect_dma semaphore(%arg12 : memref<!tpu.dma_semaphore, #tpu.memory_space<semaphore_mem>>) src(%dma_wait3A_558 : memref<128x48xf32, #tpu.memory_space<vmem>>) dst(%dma_wait3A_564 : memref<10112x48xf32, #tpu.memory_space<vmem_shared>>)
    %dma_wait3A_565 = arith.constant 8 : i32
    %dma_wait3A_566 = arith.constant 8 : i32
    %dma_wait3A_567 = arith.constant 0 : i32
    %dma_wait3A_568 = arith.constant 0 : i32
    %dma_wait3A_569 = tpu.memref_slice %arg9[%dma_wait3A_565, %dma_wait3A_567, %dma_wait3A_568] : memref<13x128x48xf32, #tpu.memory_space<vmem>> -> memref<1x128x48xf32, #tpu.memory_space<vmem>>
    %dma_wait3A_570 = tpu.memref_squeeze %dma_wait3A_569 : memref<1x128x48xf32, #tpu.memory_space<vmem>> -> memref<128x48xf32, #tpu.memory_space<vmem>>
    %dma_wait3A_571 = arith.constant 0 : i32
    %dma_wait3A_572 = tpu.memref_slice %arg8[%dma_wait3A_566, %dma_wait3A_571] : memref<13x128xi32, #tpu.memory_space<vmem>> -> memref<1x128xi32, #tpu.memory_space<vmem>>
    %dma_wait3A_573 = tpu.memref_squeeze %dma_wait3A_572 : memref<1x128xi32, #tpu.memory_space<vmem>> -> memref<128xi32, #tpu.memory_space<vmem>>
    %dma_wait3A_574 = arith.constant 0 : i32
    %dma_wait3A_575 = arith.constant 0 : i32
    %dma_wait3A_576 = tpu.memref_slice %arg10[%dma_wait3A_574, %dma_wait3A_575] : memref<10112x48xf32, #tpu.memory_space<vmem_shared>> -> memref<10112x48xf32, #tpu.memory_space<vmem_shared>>
    tpu.wait_indirect_dma semaphore(%arg12 : memref<!tpu.dma_semaphore, #tpu.memory_space<semaphore_mem>>) src(%dma_wait3A_570 : memref<128x48xf32, #tpu.memory_space<vmem>>) dst(%dma_wait3A_576 : memref<10112x48xf32, #tpu.memory_space<vmem_shared>>)
    %dma_wait3A_577 = arith.constant 9 : i32
    %dma_wait3A_578 = arith.constant 9 : i32
    %dma_wait3A_579 = arith.constant 0 : i32
    %dma_wait3A_580 = arith.constant 0 : i32
    %dma_wait3A_581 = tpu.memref_slice %arg9[%dma_wait3A_577, %dma_wait3A_579, %dma_wait3A_580] : memref<13x128x48xf32, #tpu.memory_space<vmem>> -> memref<1x128x48xf32, #tpu.memory_space<vmem>>
    %dma_wait3A_582 = tpu.memref_squeeze %dma_wait3A_581 : memref<1x128x48xf32, #tpu.memory_space<vmem>> -> memref<128x48xf32, #tpu.memory_space<vmem>>
    %dma_wait3A_583 = arith.constant 0 : i32
    %dma_wait3A_584 = tpu.memref_slice %arg8[%dma_wait3A_578, %dma_wait3A_583] : memref<13x128xi32, #tpu.memory_space<vmem>> -> memref<1x128xi32, #tpu.memory_space<vmem>>
    %dma_wait3A_585 = tpu.memref_squeeze %dma_wait3A_584 : memref<1x128xi32, #tpu.memory_space<vmem>> -> memref<128xi32, #tpu.memory_space<vmem>>
    %dma_wait3A_586 = arith.constant 0 : i32
    %dma_wait3A_587 = arith.constant 0 : i32
    %dma_wait3A_588 = tpu.memref_slice %arg10[%dma_wait3A_586, %dma_wait3A_587] : memref<10112x48xf32, #tpu.memory_space<vmem_shared>> -> memref<10112x48xf32, #tpu.memory_space<vmem_shared>>
    tpu.wait_indirect_dma semaphore(%arg12 : memref<!tpu.dma_semaphore, #tpu.memory_space<semaphore_mem>>) src(%dma_wait3A_582 : memref<128x48xf32, #tpu.memory_space<vmem>>) dst(%dma_wait3A_588 : memref<10112x48xf32, #tpu.memory_space<vmem_shared>>)
    %dma_wait3A_589 = arith.constant 10 : i32
    %dma_wait3A_590 = arith.constant 10 : i32
    %dma_wait3A_591 = arith.constant 0 : i32
    %dma_wait3A_592 = arith.constant 0 : i32
    %dma_wait3A_593 = tpu.memref_slice %arg9[%dma_wait3A_589, %dma_wait3A_591, %dma_wait3A_592] : memref<13x128x48xf32, #tpu.memory_space<vmem>> -> memref<1x128x48xf32, #tpu.memory_space<vmem>>
    %dma_wait3A_594 = tpu.memref_squeeze %dma_wait3A_593 : memref<1x128x48xf32, #tpu.memory_space<vmem>> -> memref<128x48xf32, #tpu.memory_space<vmem>>
    %dma_wait3A_595 = arith.constant 0 : i32
    %dma_wait3A_596 = tpu.memref_slice %arg8[%dma_wait3A_590, %dma_wait3A_595] : memref<13x128xi32, #tpu.memory_space<vmem>> -> memref<1x128xi32, #tpu.memory_space<vmem>>
    %dma_wait3A_597 = tpu.memref_squeeze %dma_wait3A_596 : memref<1x128xi32, #tpu.memory_space<vmem>> -> memref<128xi32, #tpu.memory_space<vmem>>
    %dma_wait3A_598 = arith.constant 0 : i32
    %dma_wait3A_599 = arith.constant 0 : i32
    %dma_wait3A_600 = tpu.memref_slice %arg10[%dma_wait3A_598, %dma_wait3A_599] : memref<10112x48xf32, #tpu.memory_space<vmem_shared>> -> memref<10112x48xf32, #tpu.memory_space<vmem_shared>>
    tpu.wait_indirect_dma semaphore(%arg12 : memref<!tpu.dma_semaphore, #tpu.memory_space<semaphore_mem>>) src(%dma_wait3A_594 : memref<128x48xf32, #tpu.memory_space<vmem>>) dst(%dma_wait3A_600 : memref<10112x48xf32, #tpu.memory_space<vmem_shared>>)
    %dma_wait3A_601 = arith.constant 11 : i32
    %dma_wait3A_602 = arith.constant 11 : i32
    %dma_wait3A_603 = arith.constant 0 : i32
    %dma_wait3A_604 = arith.constant 0 : i32
    %dma_wait3A_605 = tpu.memref_slice %arg9[%dma_wait3A_601, %dma_wait3A_603, %dma_wait3A_604] : memref<13x128x48xf32, #tpu.memory_space<vmem>> -> memref<1x128x48xf32, #tpu.memory_space<vmem>>
    %dma_wait3A_606 = tpu.memref_squeeze %dma_wait3A_605 : memref<1x128x48xf32, #tpu.memory_space<vmem>> -> memref<128x48xf32, #tpu.memory_space<vmem>>
    %dma_wait3A_607 = arith.constant 0 : i32
    %dma_wait3A_608 = tpu.memref_slice %arg8[%dma_wait3A_602, %dma_wait3A_607] : memref<13x128xi32, #tpu.memory_space<vmem>> -> memref<1x128xi32, #tpu.memory_space<vmem>>
    %dma_wait3A_609 = tpu.memref_squeeze %dma_wait3A_608 : memref<1x128xi32, #tpu.memory_space<vmem>> -> memref<128xi32, #tpu.memory_space<vmem>>
    %dma_wait3A_610 = arith.constant 0 : i32
    %dma_wait3A_611 = arith.constant 0 : i32
    %dma_wait3A_612 = tpu.memref_slice %arg10[%dma_wait3A_610, %dma_wait3A_611] : memref<10112x48xf32, #tpu.memory_space<vmem_shared>> -> memref<10112x48xf32, #tpu.memory_space<vmem_shared>>
    tpu.wait_indirect_dma semaphore(%arg12 : memref<!tpu.dma_semaphore, #tpu.memory_space<semaphore_mem>>) src(%dma_wait3A_606 : memref<128x48xf32, #tpu.memory_space<vmem>>) dst(%dma_wait3A_612 : memref<10112x48xf32, #tpu.memory_space<vmem_shared>>)
    %dma_wait3A_613 = arith.constant 12 : i32
    %dma_wait3A_614 = arith.constant 12 : i32
    %dma_wait3A_615 = arith.constant 0 : i32
    %dma_wait3A_616 = arith.constant 0 : i32
    %dma_wait3A_617 = tpu.memref_slice %arg9[%dma_wait3A_613, %dma_wait3A_615, %dma_wait3A_616] : memref<13x128x48xf32, #tpu.memory_space<vmem>> -> memref<1x128x48xf32, #tpu.memory_space<vmem>>
    %dma_wait3A_618 = tpu.memref_squeeze %dma_wait3A_617 : memref<1x128x48xf32, #tpu.memory_space<vmem>> -> memref<128x48xf32, #tpu.memory_space<vmem>>
    %dma_wait3A_619 = arith.constant 0 : i32
    %dma_wait3A_620 = tpu.memref_slice %arg8[%dma_wait3A_614, %dma_wait3A_619] : memref<13x128xi32, #tpu.memory_space<vmem>> -> memref<1x128xi32, #tpu.memory_space<vmem>>
    %dma_wait3A_621 = tpu.memref_squeeze %dma_wait3A_620 : memref<1x128xi32, #tpu.memory_space<vmem>> -> memref<128xi32, #tpu.memory_space<vmem>>
    %dma_wait3A_622 = arith.constant 0 : i32
    %dma_wait3A_623 = arith.constant 0 : i32
    %dma_wait3A_624 = tpu.memref_slice %arg10[%dma_wait3A_622, %dma_wait3A_623] : memref<10112x48xf32, #tpu.memory_space<vmem_shared>> -> memref<10112x48xf32, #tpu.memory_space<vmem_shared>>
    tpu.wait_indirect_dma semaphore(%arg12 : memref<!tpu.dma_semaphore, #tpu.memory_space<semaphore_mem>>) src(%dma_wait3A_618 : memref<128x48xf32, #tpu.memory_space<vmem>>) dst(%dma_wait3A_624 : memref<10112x48xf32, #tpu.memory_space<vmem_shared>>)
    %barrier3A_625 = arith.constant 0 : index
    tpu.barrier barrier_id(%barrier3A_625)
    %lt3A = arith.constant 15 : i32
    %lt3A_626 = arith.cmpi slt, %arg1, %lt3A : i32
    %convert_element_type3A = arith.extui %lt3A_626 : i1 to i32
    %cond3A = arith.constant 0 : i32
    %cond3A_627 = arith.cmpi ne, %convert_element_type3A, %cond3A : i32
    scf.if %cond3A_627 {
      %mul3A_632 = arith.constant 632 : i32
      %mul3A_633 = arith.muli %arg1, %mul3A_632 : i32
      %mul3A_634 = arith.constant 632 : i32
      %mul3A_635 = arith.muli %arg1, %mul3A_634 : i32
      "tpu.region"() ({
        %run_scoped3A = tpu.sem_alloc : memref<!tpu.dma_semaphore, #tpu.memory_space<semaphore_mem>>
        %dma_start3A_636 = arith.constant 0 : i32
        %dma_start3A_637 = tpu.memref_slice %arg6[%arg0, %mul3A_635, %dma_start3A_636] : memref<2x10000x48xf32, #tpu.memory_space<hbm>> -> memref<1x632x48xf32, #tpu.memory_space<hbm>>
        %dma_start3A_638 = tpu.memref_squeeze %dma_start3A_637 : memref<1x632x48xf32, #tpu.memory_space<hbm>> -> memref<632x48xf32, #tpu.memory_space<hbm>>
        %dma_start3A_639 = arith.constant 0 : i32
        %dma_start3A_640 = tpu.memref_slice %arg10[%mul3A_633, %dma_start3A_639] : memref<10112x48xf32, #tpu.memory_space<vmem_shared>> -> memref<632x48xf32, #tpu.memory_space<vmem_shared>>
        tpu.enqueue_dma source(%dma_start3A_640 : memref<632x48xf32, #tpu.memory_space<vmem_shared>>) target(%dma_start3A_638 : memref<632x48xf32, #tpu.memory_space<hbm>>) target_semaphore(%run_scoped3A : memref<!tpu.dma_semaphore, #tpu.memory_space<semaphore_mem>>)
        %dma_wait3A_641 = arith.constant 0 : i32
        %dma_wait3A_642 = tpu.memref_slice %arg6[%arg0, %mul3A_635, %dma_wait3A_641] : memref<2x10000x48xf32, #tpu.memory_space<hbm>> -> memref<1x632x48xf32, #tpu.memory_space<hbm>>
        %dma_wait3A_643 = tpu.memref_squeeze %dma_wait3A_642 : memref<1x632x48xf32, #tpu.memory_space<hbm>> -> memref<632x48xf32, #tpu.memory_space<hbm>>
        %dma_wait3A_644 = arith.constant 0 : i32
        %dma_wait3A_645 = tpu.memref_slice %arg10[%mul3A_633, %dma_wait3A_644] : memref<10112x48xf32, #tpu.memory_space<vmem_shared>> -> memref<632x48xf32, #tpu.memory_space<vmem_shared>>
        tpu.wait_dma2 semaphore(%run_scoped3A : memref<!tpu.dma_semaphore, #tpu.memory_space<semaphore_mem>>) src(%dma_wait3A_645 : memref<632x48xf32, #tpu.memory_space<vmem_shared>>) dst(%dma_wait3A_643 : memref<632x48xf32, #tpu.memory_space<hbm>>)
        tpu.yield
      }) : () -> ()
    } else {
    }
    %eq3A = arith.constant 15 : i32
    %eq3A_628 = arith.cmpi eq, %arg1, %eq3A : i32
    %convert_element_type3A_629 = arith.extui %eq3A_628 : i1 to i32
    %cond3A_630 = arith.constant 0 : i32
    %cond3A_631 = arith.cmpi ne, %convert_element_type3A_629, %cond3A_630 : i32
    scf.if %cond3A_631 {
      "tpu.region"() ({
        %run_scoped3A = tpu.sem_alloc : memref<!tpu.dma_semaphore, #tpu.memory_space<semaphore_mem>>
        %dma_start3A_632 = arith.constant 9480 : i32
        %dma_start3A_633 = arith.constant 0 : i32
        %dma_start3A_634 = tpu.memref_slice %arg6[%arg0, %dma_start3A_632, %dma_start3A_633] : memref<2x10000x48xf32, #tpu.memory_space<hbm>> -> memref<1x520x48xf32, #tpu.memory_space<hbm>>
        %dma_start3A_635 = tpu.memref_squeeze %dma_start3A_634 : memref<1x520x48xf32, #tpu.memory_space<hbm>> -> memref<520x48xf32, #tpu.memory_space<hbm>>
        %dma_start3A_636 = arith.constant 9480 : i32
        %dma_start3A_637 = arith.constant 0 : i32
        %dma_start3A_638 = tpu.memref_slice %arg10[%dma_start3A_636, %dma_start3A_637] : memref<10112x48xf32, #tpu.memory_space<vmem_shared>> -> memref<520x48xf32, #tpu.memory_space<vmem_shared>>
        tpu.enqueue_dma source(%dma_start3A_638 : memref<520x48xf32, #tpu.memory_space<vmem_shared>>) target(%dma_start3A_635 : memref<520x48xf32, #tpu.memory_space<hbm>>) target_semaphore(%run_scoped3A : memref<!tpu.dma_semaphore, #tpu.memory_space<semaphore_mem>>)
        %dma_wait3A_639 = arith.constant 9480 : i32
        %dma_wait3A_640 = arith.constant 0 : i32
        %dma_wait3A_641 = tpu.memref_slice %arg6[%arg0, %dma_wait3A_639, %dma_wait3A_640] : memref<2x10000x48xf32, #tpu.memory_space<hbm>> -> memref<1x520x48xf32, #tpu.memory_space<hbm>>
        %dma_wait3A_642 = tpu.memref_squeeze %dma_wait3A_641 : memref<1x520x48xf32, #tpu.memory_space<hbm>> -> memref<520x48xf32, #tpu.memory_space<hbm>>
        %dma_wait3A_643 = arith.constant 9480 : i32
        %dma_wait3A_644 = arith.constant 0 : i32
        %dma_wait3A_645 = tpu.memref_slice %arg10[%dma_wait3A_643, %dma_wait3A_644] : memref<10112x48xf32, #tpu.memory_space<vmem_shared>> -> memref<520x48xf32, #tpu.memory_space<vmem_shared>>
        tpu.wait_dma2 semaphore(%run_scoped3A : memref<!tpu.dma_semaphore, #tpu.memory_space<semaphore_mem>>) src(%dma_wait3A_645 : memref<520x48xf32, #tpu.memory_space<vmem_shared>>) dst(%dma_wait3A_642 : memref<520x48xf32, #tpu.memory_space<hbm>>)
        tpu.yield
      }) : () -> ()
    } else {
    }
    return
  }
}

module attributes {stable_mosaic.version = 14 : i64} {
  func.func @_mm1_body(%arg0: i32, %arg1: memref<1433x1024xf32, #tpu.memory_space<vmem>>, %arg2: memref<1433x96xbf16, #tpu.memory_space<vmem>>, %arg3: memref<1024x48xf32, #tpu.memory_space<vmem>>, %arg4: memref<1024x32xf32, #tpu.memory_space<vmem>>) attributes {dimension_semantics = [#tpu.dimension_semantics<arbitrary>], iteration_bounds = array<i64: 10>, scalar_prefetch = 0 : i64, scratch_operands = 0 : i64, tpu.core_type = #tpu.core_type<tc>, window_params = [{transform_indices = @transform_0, window_bounds = array<i64: 1433, 1024>}, {pipeline_mode = #tpu.pipeline_mode<synchronous>, transform_indices = @transform_1, window_bounds = array<i64: 1433, 96>}, {transform_indices = @transform_2, window_bounds = array<i64: 1024, 48>}, {transform_indices = @transform_3, window_bounds = array<i64: 1024, 32>}]} {
    %get3A = arith.constant 0 : index
    %get3A_0 = arith.constant 0 : index
    %get3A_1 = vector.load %arg1[%get3A, %get3A_0] : memref<1433x1024xf32, #tpu.memory_space<vmem>>, vector<1433x1024xf32>
    %convert_element_type3A = arith.truncf %get3A_1 : vector<1433x1024xf32> to vector<1433x1024xbf16>
    %convert_element_type3A_2 = arith.extf %convert_element_type3A : vector<1433x1024xbf16> to vector<1433x1024xf32>
    %sub3A = arith.subf %get3A_1, %convert_element_type3A_2 : vector<1433x1024xf32>
    %convert_element_type3A_3 = arith.truncf %sub3A : vector<1433x1024xf32> to vector<1433x1024xbf16>
    %concatenate3A = tpu.concatenate %convert_element_type3A, %convert_element_type3A_3 in 1 : vector<1433x1024xbf16>, vector<1433x1024xbf16> -> vector<1433x2048xbf16>
    %get3A_4 = arith.constant 0 : index
    %get3A_5 = arith.constant 0 : index
    %get3A_6 = vector.load %arg2[%get3A_4, %get3A_5] : memref<1433x96xbf16, #tpu.memory_space<vmem>>, vector<1433x96xbf16>
    %dot_general3A = arith.constant dense<0.000000e+00> : vector<2048x96xf32>
    %dot_general3A_7 = tpu.matmul %concatenate3A, %get3A_6, %dot_general3A {dimension_numbers = #tpu.dot_dimension_numbers<[0], [0], [1], [1], [0, 1, 1, 1], [], []>, transpose_lhs_hint = false} : vector<1433x2048xbf16>, vector<1433x96xbf16>, vector<2048x96xf32> -> vector<2048x96xf32>
    %slice3A = vector.extract_strided_slice %dot_general3A_7 {offsets = [0, 0], sizes = [1024, 32], strides = [1, 1]} : vector<2048x96xf32> to vector<1024x32xf32>
    %slice3A_8 = vector.extract_strided_slice %dot_general3A_7 {offsets = [0, 32], sizes = [1024, 32], strides = [1, 1]} : vector<2048x96xf32> to vector<1024x32xf32>
    %add3A = arith.addf %slice3A, %slice3A_8 : vector<1024x32xf32>
    %slice3A_9 = vector.extract_strided_slice %dot_general3A_7 {offsets = [1024, 0], sizes = [1024, 32], strides = [1, 1]} : vector<2048x96xf32> to vector<1024x32xf32>
    %add3A_10 = arith.addf %add3A, %slice3A_9 : vector<1024x32xf32>
    %slice3A_11 = vector.extract_strided_slice %dot_general3A_7 {offsets = [0, 64], sizes = [1024, 32], strides = [1, 1]} : vector<2048x96xf32> to vector<1024x32xf32>
    %iota3A = tpu.iota {dimensions = array<i32: 1>} : vector<1024x16xi32>
    %eq3A = arith.constant 0 : i32
    %eq3A_12 = vector.broadcast %eq3A : i32 to vector<1024x16xi32>
    %eq3A_13 = arith.cmpi eq, %iota3A, %eq3A_12 : vector<1024x16xi32>
    %jit3A = arith.constant 1.000000e+00 : f32
    %jit3A_14 = arith.constant 0.000000e+00 : f32
    %broadcast_in_dim3A = vector.broadcast %jit3A : f32 to vector<1024x16xf32>
    %broadcast_in_dim3A_15 = vector.broadcast %jit3A_14 : f32 to vector<1024x16xf32>
    %select_n3A = arith.select %eq3A_13, %broadcast_in_dim3A, %broadcast_in_dim3A_15 : vector<1024x16xi1>, vector<1024x16xf32>
    %concatenate3A_16 = tpu.concatenate %add3A_10, %select_n3A in 1 : vector<1024x32xf32>, vector<1024x16xf32> -> vector<1024x48xf32>
    %swap3A = arith.constant 0 : index
    %swap3A_17 = arith.constant 0 : index
    %swap3A_18 = vector.load %arg3[%swap3A, %swap3A_17] : memref<1024x48xf32, #tpu.memory_space<vmem>>, vector<1024x48xf32>
    tpu.vector_store %arg3[%swap3A, %swap3A_17], %concatenate3A_16 {strides = array<i32>} : memref<1024x48xf32, #tpu.memory_space<vmem>>, vector<1024x48xf32>,
    %swap3A_19 = arith.constant 0 : index
    %swap3A_20 = arith.constant 0 : index
    %swap3A_21 = vector.load %arg4[%swap3A_19, %swap3A_20] : memref<1024x32xf32, #tpu.memory_space<vmem>>, vector<1024x32xf32>
    tpu.vector_store %arg4[%swap3A_19, %swap3A_20], %slice3A_11 {strides = array<i32>} : memref<1024x32xf32, #tpu.memory_space<vmem>>, vector<1024x32xf32>,
    return
  }
  func.func @transform_0(%arg0: i32) -> (i32, i32) {
    %c0_i32 = arith.constant 0 : i32
    %c0_i32_0 = arith.constant 0 : i32
    return %c0_i32, %arg0 : i32, i32
  }
  func.func @transform_1(%arg0: i32) -> (i32, i32) {
    %c0_i32 = arith.constant 0 : i32
    %c0_i32_0 = arith.constant 0 : i32
    %c0_i32_1 = arith.constant 0 : i32
    return %c0_i32, %c0_i32_0 : i32, i32
  }
  func.func @transform_2(%arg0: i32) -> (i32, i32) {
    %c0_i32 = arith.constant 0 : i32
    %c0_i32_0 = arith.constant 0 : i32
    return %arg0, %c0_i32 : i32, i32
  }
  func.func @transform_3(%arg0: i32) -> (i32, i32) {
    %c0_i32 = arith.constant 0 : i32
    %c0_i32_0 = arith.constant 0 : i32
    return %arg0, %c0_i32 : i32, i32
  }
}

module attributes {stable_mosaic.version = 14 : i64} {
  func.func @_combine1_body(%arg0: i32, %arg1: memref<2x2000x48xf32, #tpu.memory_space<vmem>>, %arg2: memref<2000x32xf32, #tpu.memory_space<vmem>>, %arg3: memref<2000x32xf32, #tpu.memory_space<vmem>>, %arg4: memref<1x32xf32, #tpu.memory_space<vmem>>, %arg5: memref<2000x32xf32, #tpu.memory_space<vmem>>, %arg6: memref<2000x1xf32, #tpu.memory_space<vmem>>) attributes {dimension_semantics = [#tpu.dimension_semantics<arbitrary>], iteration_bounds = array<i64: 5>, scalar_prefetch = 0 : i64, scratch_operands = 0 : i64, tpu.core_type = #tpu.core_type<tc>, window_params = [{transform_indices = @transform_0, window_bounds = array<i64: 2, 2000, 48>}, {transform_indices = @transform_1, window_bounds = array<i64: 2000, 32>}, {transform_indices = @transform_2, window_bounds = array<i64: 2000, 32>}, {pipeline_mode = #tpu.pipeline_mode<synchronous>, transform_indices = @transform_3, window_bounds = array<i64: 1, 32>}, {transform_indices = @transform_4, window_bounds = array<i64: 2000, 32>}, {transform_indices = @transform_5, window_bounds = array<i64: 2000, 1>}]} {
    %get3A = arith.constant 0 : index
    %get3A_0 = arith.constant 0 : index
    %get3A_1 = arith.constant 0 : index
    %get3A_2 = vector.load %arg1[%get3A, %get3A_0, %get3A_1] : memref<2x2000x48xf32, #tpu.memory_space<vmem>>, vector<1x2000x48xf32>
    %get3A_3 = vector.shape_cast %get3A_2 : vector<1x2000x48xf32> to vector<2000x48xf32>
    %get3A_4 = arith.constant 1 : index
    %get3A_5 = arith.constant 0 : index
    %get3A_6 = arith.constant 0 : index
    %get3A_7 = vector.load %arg1[%get3A_4, %get3A_5, %get3A_6] : memref<2x2000x48xf32, #tpu.memory_space<vmem>>, vector<1x2000x48xf32>
    %get3A_8 = vector.shape_cast %get3A_7 : vector<1x2000x48xf32> to vector<2000x48xf32>
    %add3A = arith.addf %get3A_3, %get3A_8 : vector<2000x48xf32>
    %slice3A = vector.extract_strided_slice %add3A {offsets = [0, 0], sizes = [2000, 32], strides = [1, 1]} : vector<2000x48xf32> to vector<2000x32xf32>
    %slice3A_9 = vector.extract_strided_slice %add3A {offsets = [0, 32], sizes = [2000, 1], strides = [1, 1]} : vector<2000x48xf32> to vector<2000x1xf32>
    %max3A = arith.constant 1.000000e+00 : f32
    %max3A_10 = vector.broadcast %max3A : f32 to vector<2000x1xf32>
    %max3A_11 = arith.maximumf %slice3A_9, %max3A_10 : vector<2000x1xf32>
    %div3A = vector.broadcast %max3A_11 : vector<2000x1xf32> to vector<2000x32xf32>
    %div3A_12 = arith.divf %slice3A, %div3A : vector<2000x32xf32>
    %get3A_13 = arith.constant 0 : index
    %get3A_14 = arith.constant 0 : index
    %get3A_15 = vector.load %arg2[%get3A_13, %get3A_14] : memref<2000x32xf32, #tpu.memory_space<vmem>>, vector<2000x32xf32>
    %add3A_16 = arith.addf %div3A_12, %get3A_15 : vector<2000x32xf32>
    %get3A_17 = arith.constant 0 : index
    %get3A_18 = arith.constant 0 : index
    %get3A_19 = vector.load %arg4[%get3A_17, %get3A_18] : memref<1x32xf32, #tpu.memory_space<vmem>>, vector<1x32xf32>
    %add3A_20 = vector.broadcast %get3A_19 : vector<1x32xf32> to vector<2000x32xf32>
    %add3A_21 = arith.addf %add3A_16, %add3A_20 : vector<2000x32xf32>
    %get3A_22 = arith.constant 0 : index
    %get3A_23 = arith.constant 0 : index
    %get3A_24 = vector.load %arg3[%get3A_22, %get3A_23] : memref<2000x32xf32, #tpu.memory_space<vmem>>, vector<2000x32xf32>
    %reduce_min3A = arith.constant dense<0x7F800000> : vector<2000xf32>
    %reduce_min3A_25 = vector.multi_reduction <minimumf>, %add3A_21, %reduce_min3A [1] : vector<2000x32xf32> to vector<2000xf32>
    %broadcast_in_dim3A = vector.shape_cast %reduce_min3A_25 : vector<2000xf32> to vector<2000x1xf32>
    %reduce_max3A = arith.constant dense<0xFF800000> : vector<2000xf32>
    %reduce_max3A_26 = vector.multi_reduction <maximumf>, %add3A_21, %reduce_max3A [1] : vector<2000x32xf32> to vector<2000xf32>
    %broadcast_in_dim3A_27 = vector.shape_cast %reduce_max3A_26 : vector<2000xf32> to vector<2000x1xf32>
    %sub3A = vector.broadcast %broadcast_in_dim3A : vector<2000x1xf32> to vector<2000x32xf32>
    %sub3A_28 = arith.subf %add3A_21, %sub3A : vector<2000x32xf32>
    %mul3A = arith.constant 6.400000e+01 : f32
    %mul3A_29 = vector.broadcast %mul3A : f32 to vector<2000x32xf32>
    %mul3A_30 = arith.mulf %mul3A_29, %sub3A_28 : vector<2000x32xf32>
    %sub3A_31 = arith.subf %broadcast_in_dim3A_27, %broadcast_in_dim3A : vector<2000x1xf32>
    %div3A_32 = vector.broadcast %sub3A_31 : vector<2000x1xf32> to vector<2000x32xf32>
    %div3A_33 = arith.divf %mul3A_30, %div3A_32 : vector<2000x32xf32>
    %floor3A = math.floor %div3A_33 : vector<2000x32xf32>
    %sub3A_34 = arith.subf %div3A_33, %floor3A : vector<2000x32xf32>
    %gt3A = arith.cmpf ogt, %sub3A_34, %get3A_24 : vector<2000x32xf32>
    %convert_element_type3A = arith.extui %gt3A : vector<2000x32xi1> to vector<2000x32xi32>
    %convert_element_type3A_35 = arith.sitofp %convert_element_type3A : vector<2000x32xi32> to vector<2000x32xf32>
    %add3A_36 = arith.addf %floor3A, %convert_element_type3A_35 : vector<2000x32xf32>
    %swap3A = arith.constant 0 : index
    %swap3A_37 = arith.constant 0 : index
    %swap3A_38 = vector.load %arg5[%swap3A, %swap3A_37] : memref<2000x32xf32, #tpu.memory_space<vmem>>, vector<2000x32xf32>
    tpu.vector_store %arg5[%swap3A, %swap3A_37], %add3A_36 {strides = array<i32>} : memref<2000x32xf32, #tpu.memory_space<vmem>>, vector<2000x32xf32>,
    %swap3A_39 = arith.constant 0 : index
    %swap3A_40 = arith.constant 0 : index
    %swap3A_41 = vector.load %arg6[%swap3A_39, %swap3A_40] : memref<2000x1xf32, #tpu.memory_space<vmem>>, vector<2000x1xf32>
    tpu.vector_store %arg6[%swap3A_39, %swap3A_40], %max3A_11 {strides = array<i32>} : memref<2000x1xf32, #tpu.memory_space<vmem>>, vector<2000x1xf32>,
    return
  }
  func.func @transform_0(%arg0: i32) -> (i32, i32, i32) {
    %c0_i32 = arith.constant 0 : i32
    %c0_i32_0 = arith.constant 0 : i32
    %c0_i32_1 = arith.constant 0 : i32
    return %c0_i32, %arg0, %c0_i32_0 : i32, i32, i32
  }
  func.func @transform_1(%arg0: i32) -> (i32, i32) {
    %c0_i32 = arith.constant 0 : i32
    %c0_i32_0 = arith.constant 0 : i32
    return %arg0, %c0_i32 : i32, i32
  }
  func.func @transform_2(%arg0: i32) -> (i32, i32) {
    %c0_i32 = arith.constant 0 : i32
    %c0_i32_0 = arith.constant 0 : i32
    return %arg0, %c0_i32 : i32, i32
  }
  func.func @transform_3(%arg0: i32) -> (i32, i32) {
    %c0_i32 = arith.constant 0 : i32
    %c0_i32_0 = arith.constant 0 : i32
    %c0_i32_1 = arith.constant 0 : i32
    return %c0_i32, %c0_i32_0 : i32, i32
  }
  func.func @transform_4(%arg0: i32) -> (i32, i32) {
    %c0_i32 = arith.constant 0 : i32
    %c0_i32_0 = arith.constant 0 : i32
    return %arg0, %c0_i32 : i32, i32
  }
  func.func @transform_5(%arg0: i32) -> (i32, i32) {
    %c0_i32 = arith.constant 0 : i32
    %c0_i32_0 = arith.constant 0 : i32
    return %arg0, %c0_i32 : i32, i32
  }
}

module attributes {stable_mosaic.version = 14 : i64} {
  func.func @_final_body(%arg0: i32, %arg1: memref<2x2000x32xf32, #tpu.memory_space<vmem>>, %arg2: memref<2000x32xf32, #tpu.memory_space<vmem>>, %arg3: memref<2000x1xf32, #tpu.memory_space<vmem>>, %arg4: memref<2000x32xf32, #tpu.memory_space<vmem>>, %arg5: memref<1x32xf32, #tpu.memory_space<vmem>>, %arg6: memref<32x32xf32, #tpu.memory_space<vmem>>, %arg7: memref<32x32xf32, #tpu.memory_space<vmem>>, %arg8: memref<32x32xf32, #tpu.memory_space<vmem>>, %arg9: memref<1x32xf32, #tpu.memory_space<vmem>>, %arg10: memref<32x7xf32, #tpu.memory_space<vmem>>, %arg11: memref<1x7xf32, #tpu.memory_space<vmem>>, %arg12: memref<2000x7xf32, #tpu.memory_space<vmem>>) attributes {dimension_semantics = [#tpu.dimension_semantics<arbitrary>], iteration_bounds = array<i64: 5>, scalar_prefetch = 0 : i64, scratch_operands = 0 : i64, tpu.core_type = #tpu.core_type<tc>, window_params = [{transform_indices = @transform_0, window_bounds = array<i64: 2, 2000, 32>}, {transform_indices = @transform_1, window_bounds = array<i64: 2000, 32>}, {transform_indices = @transform_2, window_bounds = array<i64: 2000, 1>}, {transform_indices = @transform_3, window_bounds = array<i64: 2000, 32>}, {pipeline_mode = #tpu.pipeline_mode<synchronous>, transform_indices = @transform_4, window_bounds = array<i64: 1, 32>}, {pipeline_mode = #tpu.pipeline_mode<synchronous>, transform_indices = @transform_5, window_bounds = array<i64: 32, 32>}, {pipeline_mode = #tpu.pipeline_mode<synchronous>, transform_indices = @transform_6, window_bounds = array<i64: 32, 32>}, {pipeline_mode = #tpu.pipeline_mode<synchronous>, transform_indices = @transform_7, window_bounds = array<i64: 32, 32>}, {pipeline_mode = #tpu.pipeline_mode<synchronous>, transform_indices = @transform_8, window_bounds = array<i64: 1, 32>}, {pipeline_mode = #tpu.pipeline_mode<synchronous>, transform_indices = @transform_9, window_bounds = array<i64: 32, 7>}, {pipeline_mode = #tpu.pipeline_mode<synchronous>, transform_indices = @transform_10, window_bounds = array<i64: 1, 7>}, {transform_indices = @transform_11, window_bounds = array<i64: 2000, 7>}]} {
    %get3A = arith.constant 0 : index
    %get3A_0 = arith.constant 0 : index
    %get3A_1 = arith.constant 0 : index
    %get3A_2 = vector.load %arg1[%get3A, %get3A_0, %get3A_1] : memref<2x2000x32xf32, #tpu.memory_space<vmem>>, vector<1x2000x32xf32>
    %get3A_3 = vector.shape_cast %get3A_2 : vector<1x2000x32xf32> to vector<2000x32xf32>
    %get3A_4 = arith.constant 1 : index
    %get3A_5 = arith.constant 0 : index
    %get3A_6 = arith.constant 0 : index
    %get3A_7 = vector.load %arg1[%get3A_4, %get3A_5, %get3A_6] : memref<2x2000x32xf32, #tpu.memory_space<vmem>>, vector<1x2000x32xf32>
    %get3A_8 = vector.shape_cast %get3A_7 : vector<1x2000x32xf32> to vector<2000x32xf32>
    %add3A = arith.addf %get3A_3, %get3A_8 : vector<2000x32xf32>
    %get3A_9 = arith.constant 0 : index
    %get3A_10 = arith.constant 0 : index
    %get3A_11 = vector.load %arg3[%get3A_9, %get3A_10] : memref<2000x1xf32, #tpu.memory_space<vmem>>, vector<2000x1xf32>
    %div3A = vector.broadcast %get3A_11 : vector<2000x1xf32> to vector<2000x32xf32>
    %div3A_12 = arith.divf %add3A, %div3A : vector<2000x32xf32>
    %get3A_13 = arith.constant 0 : index
    %get3A_14 = arith.constant 0 : index
    %get3A_15 = vector.load %arg2[%get3A_13, %get3A_14] : memref<2000x32xf32, #tpu.memory_space<vmem>>, vector<2000x32xf32>
    %get3A_16 = arith.constant 0 : index
    %get3A_17 = arith.constant 0 : index
    %get3A_18 = vector.load %arg6[%get3A_16, %get3A_17] : memref<32x32xf32, #tpu.memory_space<vmem>>, vector<32x32xf32>
    %dot_general3A = arith.constant dense<0.000000e+00> : vector<2000x32xf32>
    %dot_general3A_19 = tpu.matmul %div3A_12, %get3A_18, %dot_general3A {dimension_numbers = #tpu.dot_dimension_numbers<[1], [0], [0], [1], [0, 0, 1, 1], [], []>, transpose_lhs_hint = false} : vector<2000x32xf32>, vector<32x32xf32>, vector<2000x32xf32> -> vector<2000x32xf32>
    %get3A_20 = arith.constant 0 : index
    %get3A_21 = arith.constant 0 : index
    %get3A_22 = vector.load %arg7[%get3A_20, %get3A_21] : memref<32x32xf32, #tpu.memory_space<vmem>>, vector<32x32xf32>
    %dot_general3A_23 = arith.constant dense<0.000000e+00> : vector<2000x32xf32>
    %dot_general3A_24 = tpu.matmul %get3A_15, %get3A_22, %dot_general3A_23 {dimension_numbers = #tpu.dot_dimension_numbers<[1], [0], [0], [1], [0, 0, 1, 1], [], []>, transpose_lhs_hint = false} : vector<2000x32xf32>, vector<32x32xf32>, vector<2000x32xf32> -> vector<2000x32xf32>
    %add3A_25 = arith.addf %dot_general3A_19, %dot_general3A_24 : vector<2000x32xf32>
    %get3A_26 = arith.constant 0 : index
    %get3A_27 = arith.constant 0 : index
    %get3A_28 = vector.load %arg5[%get3A_26, %get3A_27] : memref<1x32xf32, #tpu.memory_space<vmem>>, vector<1x32xf32>
    %add3A_29 = vector.broadcast %get3A_28 : vector<1x32xf32> to vector<2000x32xf32>
    %add3A_30 = arith.addf %add3A_25, %add3A_29 : vector<2000x32xf32>
    %get3A_31 = arith.constant 0 : index
    %get3A_32 = arith.constant 0 : index
    %get3A_33 = vector.load %arg4[%get3A_31, %get3A_32] : memref<2000x32xf32, #tpu.memory_space<vmem>>, vector<2000x32xf32>
    %reduce_min3A = arith.constant dense<0x7F800000> : vector<2000xf32>
    %reduce_min3A_34 = vector.multi_reduction <minimumf>, %add3A_30, %reduce_min3A [1] : vector<2000x32xf32> to vector<2000xf32>
    %broadcast_in_dim3A = vector.shape_cast %reduce_min3A_34 : vector<2000xf32> to vector<2000x1xf32>
    %reduce_max3A = arith.constant dense<0xFF800000> : vector<2000xf32>
    %reduce_max3A_35 = vector.multi_reduction <maximumf>, %add3A_30, %reduce_max3A [1] : vector<2000x32xf32> to vector<2000xf32>
    %broadcast_in_dim3A_36 = vector.shape_cast %reduce_max3A_35 : vector<2000xf32> to vector<2000x1xf32>
    %sub3A = vector.broadcast %broadcast_in_dim3A : vector<2000x1xf32> to vector<2000x32xf32>
    %sub3A_37 = arith.subf %add3A_30, %sub3A : vector<2000x32xf32>
    %mul3A = arith.constant 6.400000e+01 : f32
    %mul3A_38 = vector.broadcast %mul3A : f32 to vector<2000x32xf32>
    %mul3A_39 = arith.mulf %mul3A_38, %sub3A_37 : vector<2000x32xf32>
    %sub3A_40 = arith.subf %broadcast_in_dim3A_36, %broadcast_in_dim3A : vector<2000x1xf32>
    %div3A_41 = vector.broadcast %sub3A_40 : vector<2000x1xf32> to vector<2000x32xf32>
    %div3A_42 = arith.divf %mul3A_39, %div3A_41 : vector<2000x32xf32>
    %floor3A = math.floor %div3A_42 : vector<2000x32xf32>
    %sub3A_43 = arith.subf %div3A_42, %floor3A : vector<2000x32xf32>
    %gt3A = arith.cmpf ogt, %sub3A_43, %get3A_33 : vector<2000x32xf32>
    %convert_element_type3A = arith.extui %gt3A : vector<2000x32xi1> to vector<2000x32xi32>
    %convert_element_type3A_44 = arith.sitofp %convert_element_type3A : vector<2000x32xi32> to vector<2000x32xf32>
    %add3A_45 = arith.addf %floor3A, %convert_element_type3A_44 : vector<2000x32xf32>
    %get3A_46 = arith.constant 0 : index
    %get3A_47 = arith.constant 0 : index
    %get3A_48 = vector.load %arg8[%get3A_46, %get3A_47] : memref<32x32xf32, #tpu.memory_space<vmem>>, vector<32x32xf32>
    %dot_general3A_49 = arith.constant dense<0.000000e+00> : vector<2000x32xf32>
    %dot_general3A_50 = tpu.matmul %add3A_45, %get3A_48, %dot_general3A_49 {dimension_numbers = #tpu.dot_dimension_numbers<[1], [0], [0], [1], [0, 0, 1, 1], [], []>, transpose_lhs_hint = false} : vector<2000x32xf32>, vector<32x32xf32>, vector<2000x32xf32> -> vector<2000x32xf32>
    %get3A_51 = arith.constant 0 : index
    %get3A_52 = arith.constant 0 : index
    %get3A_53 = vector.load %arg9[%get3A_51, %get3A_52] : memref<1x32xf32, #tpu.memory_space<vmem>>, vector<1x32xf32>
    %add3A_54 = vector.broadcast %get3A_53 : vector<1x32xf32> to vector<2000x32xf32>
    %add3A_55 = arith.addf %dot_general3A_50, %add3A_54 : vector<2000x32xf32>
    %get3A_56 = arith.constant 0 : index
    %get3A_57 = arith.constant 0 : index
    %get3A_58 = vector.load %arg10[%get3A_56, %get3A_57] : memref<32x7xf32, #tpu.memory_space<vmem>>, vector<32x7xf32>
    %dot_general3A_59 = arith.constant dense<0.000000e+00> : vector<2000x7xf32>
    %dot_general3A_60 = tpu.matmul %add3A_55, %get3A_58, %dot_general3A_59 {dimension_numbers = #tpu.dot_dimension_numbers<[1], [0], [0], [1], [0, 0, 1, 1], [], []>, transpose_lhs_hint = false} : vector<2000x32xf32>, vector<32x7xf32>, vector<2000x7xf32> -> vector<2000x7xf32>
    %get3A_61 = arith.constant 0 : index
    %get3A_62 = arith.constant 0 : index
    %get3A_63 = vector.load %arg11[%get3A_61, %get3A_62] : memref<1x7xf32, #tpu.memory_space<vmem>>, vector<1x7xf32>
    %add3A_64 = vector.broadcast %get3A_63 : vector<1x7xf32> to vector<2000x7xf32>
    %add3A_65 = arith.addf %dot_general3A_60, %add3A_64 : vector<2000x7xf32>
    %reduce_max3A_66 = arith.constant dense<0xFF800000> : vector<2000xf32>
    %reduce_max3A_67 = vector.multi_reduction <maximumf>, %add3A_65, %reduce_max3A_66 [1] : vector<2000x7xf32> to vector<2000xf32>
    %broadcast_in_dim3A_68 = vector.shape_cast %reduce_max3A_67 : vector<2000xf32> to vector<2000x1xf32>
    %sub3A_69 = vector.broadcast %broadcast_in_dim3A_68 : vector<2000x1xf32> to vector<2000x7xf32>
    %sub3A_70 = arith.subf %add3A_65, %sub3A_69 : vector<2000x7xf32>
    %exp3A = math.exp %sub3A_70 : vector<2000x7xf32>
    %sub3A_71 = vector.broadcast %broadcast_in_dim3A_68 : vector<2000x1xf32> to vector<2000x7xf32>
    %sub3A_72 = arith.subf %add3A_65, %sub3A_71 : vector<2000x7xf32>
    %reduce_sum3A = arith.constant dense<0.000000e+00> : vector<2000xf32>
    %reduce_sum3A_73 = vector.multi_reduction <add>, %exp3A, %reduce_sum3A [1] : vector<2000x7xf32> to vector<2000xf32>
    %broadcast_in_dim3A_74 = vector.shape_cast %reduce_sum3A_73 : vector<2000xf32> to vector<2000x1xf32>
    %log3A = math.log %broadcast_in_dim3A_74 : vector<2000x1xf32>
    %sub3A_75 = vector.broadcast %log3A : vector<2000x1xf32> to vector<2000x7xf32>
    %sub3A_76 = arith.subf %sub3A_72, %sub3A_75 : vector<2000x7xf32>
    %swap3A = arith.constant 0 : index
    %swap3A_77 = arith.constant 0 : index
    %swap3A_78 = vector.load %arg12[%swap3A, %swap3A_77] : memref<2000x7xf32, #tpu.memory_space<vmem>>, vector<2000x7xf32>
    tpu.vector_store %arg12[%swap3A, %swap3A_77], %sub3A_76 {strides = array<i32>} : memref<2000x7xf32, #tpu.memory_space<vmem>>, vector<2000x7xf32>,
    return
  }
  func.func @transform_0(%arg0: i32) -> (i32, i32, i32) {
    %c0_i32 = arith.constant 0 : i32
    %c0_i32_0 = arith.constant 0 : i32
    %c0_i32_1 = arith.constant 0 : i32
    return %c0_i32, %arg0, %c0_i32_0 : i32, i32, i32
  }
  func.func @transform_1(%arg0: i32) -> (i32, i32) {
    %c0_i32 = arith.constant 0 : i32
    %c0_i32_0 = arith.constant 0 : i32
    return %arg0, %c0_i32 : i32, i32
  }
  func.func @transform_2(%arg0: i32) -> (i32, i32) {
    %c0_i32 = arith.constant 0 : i32
    %c0_i32_0 = arith.constant 0 : i32
    return %arg0, %c0_i32 : i32, i32
  }
  func.func @transform_3(%arg0: i32) -> (i32, i32) {
    %c0_i32 = arith.constant 0 : i32
    %c0_i32_0 = arith.constant 0 : i32
    return %arg0, %c0_i32 : i32, i32
  }
  func.func @transform_4(%arg0: i32) -> (i32, i32) {
    %c0_i32 = arith.constant 0 : i32
    %c0_i32_0 = arith.constant 0 : i32
    %c0_i32_1 = arith.constant 0 : i32
    return %c0_i32, %c0_i32_0 : i32, i32
  }
  func.func @transform_5(%arg0: i32) -> (i32, i32) {
    %c0_i32 = arith.constant 0 : i32
    %c0_i32_0 = arith.constant 0 : i32
    %c0_i32_1 = arith.constant 0 : i32
    return %c0_i32, %c0_i32_0 : i32, i32
  }
  func.func @transform_6(%arg0: i32) -> (i32, i32) {
    %c0_i32 = arith.constant 0 : i32
    %c0_i32_0 = arith.constant 0 : i32
    %c0_i32_1 = arith.constant 0 : i32
    return %c0_i32, %c0_i32_0 : i32, i32
  }
  func.func @transform_7(%arg0: i32) -> (i32, i32) {
    %c0_i32 = arith.constant 0 : i32
    %c0_i32_0 = arith.constant 0 : i32
    %c0_i32_1 = arith.constant 0 : i32
    return %c0_i32, %c0_i32_0 : i32, i32
  }
  func.func @transform_8(%arg0: i32) -> (i32, i32) {
    %c0_i32 = arith.constant 0 : i32
    %c0_i32_0 = arith.constant 0 : i32
    %c0_i32_1 = arith.constant 0 : i32
    return %c0_i32, %c0_i32_0 : i32, i32
  }
  func.func @transform_9(%arg0: i32) -> (i32, i32) {
    %c0_i32 = arith.constant 0 : i32
    %c0_i32_0 = arith.constant 0 : i32
    %c0_i32_1 = arith.constant 0 : i32
    return %c0_i32, %c0_i32_0 : i32, i32
  }
  func.func @transform_10(%arg0: i32) -> (i32, i32) {
    %c0_i32 = arith.constant 0 : i32
    %c0_i32_0 = arith.constant 0 : i32
    %c0_i32_1 = arith.constant 0 : i32
    return %c0_i32, %c0_i32_0 : i32, i32
  }
  func.func @transform_11(%arg0: i32) -> (i32, i32) {
    %c0_i32 = arith.constant 0 : i32
    %c0_i32_0 = arith.constant 0 : i32
    return %arg0, %c0_i32 : i32, i32
  }
}

</mosaic_0001>

<sc_bundles>
// kernel: kernel.10.cloned.1.call-start
scs
__scs_entry_jumppad:
0x0: {  	(pc) =	sbr.rel $0x88, $3  }
0x1: {  	(tag) =	ssettag $0x0;
	lr =	simm.s32 $0x1  }
0x2: {  	[smem:$0x3F95] =	sst lr;
	_ =	strace $0xD0000000  }
0x3: {  	_ = 	snop  }
0x4: {  	_ = 	snop  }
0x5: {  	_ = 	snop  }
0x6: {  	_ = 	snop  }
0x7: {  	_ = 	snop  }
__scs_overlays_trampoline_lowered:
0x8: {  	[smem:$0x3FA4] =	sst s0  }
0x9: {  	[smem:$0x3FA5] =	sst s1  }
0xa: {  	[smem:$0x3FA6] =	sst s2  }
0xb: {  	[smem:$0x3FA7] =	sst s3  }
0xc: {  	[smem:$0x3FA8] =	sst s4  }
0xd: {  	[smem:$0x3FA9] =	sst s5  }
0xe: {  	[smem:$0x3FAA] =	sst s6  }
0xf: {  	[smem:$0x3FAB] =	sst s7  }
0x10: {  	[smem:$0x3FAC] =	sst s8  }
0x11: {  	[smem:$0x3FAD] =	sst s9;
	s0 =	simm.s32 @!p0 $0x0  }
0x12: {  	s1 =	sld [smem:$0x3F93];
	s0 =	simm.s32 @p0 $0x1  }
0x13: {  	[smem:$0x3FAE] =	sst s0;
	s0 =	simm.s32 @!p1 $0x0  }
0x14: {  	s2 =	sld [smem:$0x3F92];
	s0 =	simm.s32 @p1 $0x1  }
0x15: {  	[smem:$0x3FAF] =	sst s0;
	s0 =	simm.s32 @!p2 $0x0  }
0x16: {  	s3 =	sld [smem:$0x3FDB];
	s0 =	simm.s32 @p2 $0x1  }
0x17: {  	s4 =	simm.s32 $0x1BF5;
	[smem:$0x3FB1] =	sst s0  }
0x18: {  	s0 =	sld [smem:$0x3F94];
	_ =	swait.ge [sflag:s4], $0x0  }
0x19: {  	s7 =	sld [smem:$0x3F95]  }
0x1a: {  	s8 =	sadd.s32 $0xFFFFE003, lr  }
0x1b: {  	s9 =	sadd.s32 $0xFFFFFEF7, lr;
	s5 =	simm.s32 $0xFFFFFFFF;
	p2 =	slt.u32 s8, $0xFFFFF086  }
0x1c: {  	p1 =	slt.u32 s9, $0xF7A;
	s5 =	simm.s32 @!p2 $0x0  }
0x1d: {  	s5 =	simm.s32 @p1 $0x1;
	p0 =	seq.s32 s7, s2  }
0x1e: {  	s7 =	smul.u32 @!p0 $0xF7A, s2;
	p2 =	seq.s32 @!p0 s5, $0x0  }
0x1f: {  	s9 =	smul.u32 $0xF7A, s1;
	s8 =	simm.s32 @!p0 $0x1BF5;
	p2 =	por !p2, p0  }
0x20: {  	[sflag:s8] =	ssyncset.s32 @!p0 $0xFFFFF086;
	s6 =	sadd.s32 @!p0 s3, s7;
	s7 =	simm.s32 @!p0 $0x108  }
0x21: {  	s3 =	sadd.s32 s3, s9;
	s6 =	sadd.s32 @!p0 $0x88, s6;
	s7 =	simm.s32 @p2 $0x1082  }
0x22: {  	[simem:s7], [sflag:s8] =	dma.local @!p0 [hbm:s6], $0xF7A  }
0x23: {  	s9 =	sor.u32 $0xD0000000, s2;
	s6 =	simm.s32 $0x108;
	_ =	swait.ge @!p0 [sflag:s8], $0x0  }
0x24: {  	s3 =	sadd.s32 $0x88, s3;
	s6 =	simm.s32 @!p1 $0x1082;
	[sflag:s4] =	ssyncset.s32 $0xFFFFF086  }
0x25: {  	[simem:s6], [sflag:s4] =	dma.local [hbm:s3], $0xF7A  }
0x26: {  	[smem:$0x3F95] =	sst s1;
	(tag) =	ssettag s2;
	_ =	strace s9  }
0x27: {  	s1 =	sld [smem:$0x3FA5]  }
0x28: {  	s2 =	sld [smem:$0x3FA6]  }
0x29: {  	s4 =	sld [smem:$0x3FA8]  }
0x2a: {  	p0 =	seq.s32 s5, $0x0;
	s5 =	sld [smem:$0x3FA9]  }
0x2b: {  	s6 =	sld [smem:$0x3FAA]  }
0x2c: {  	s7 =	sld [smem:$0x3FAB]  }
0x2d: {  	s3 =	simm.s32 $0x108;
	s8 =	sld [smem:$0x3FAC]  }
0x2e: {  	s3 =	simm.s32 @!p0 $0x1082;
	s9 =	sld [smem:$0x3FAD]  }
0x2f: {  	lr =	sadd.s32 s0, s3;
	s0 =	sld [smem:$0x3FA4]  }
0x30: {  	s3 =	sld [smem:$0x3FA7]  }
0x31: {  	[smem:$0x3FB0] =	sst s10  }
0x32: {  	s10 =	sld [smem:$0x3FAE];
	_ =	sdelay $0x3  }
0x33: {  	p0 =	seq.s32 s10, $0x1;
	s10 =	sld [smem:$0x3FB0];
	_ =	sdelay $0x3  }
0x34: {  	[smem:$0x3FB0] =	sst s10  }
0x35: {  	s10 =	sld [smem:$0x3FAF];
	_ =	sdelay $0x3  }
0x36: {  	p1 =	seq.s32 s10, $0x1;
	s10 =	sld [smem:$0x3FB0];
	_ =	sdelay $0x3  }
0x37: {  	[smem:$0x3FB0] =	sst s10  }
0x38: {  	s10 =	sld [smem:$0x3FB1]  }
0x39: {  	_ = 	snop;
	(pc) =	sbr.ind lr, $3  }
0x3a: {  	_ = 	snop  }
0x3b: {  	_ = 	snop  }
0x3c: {  	p2 =	seq.s32 s10, $0x1;
	s10 =	sld [smem:$0x3FB0]  }
0x3d: {  	_ =	shalt  }
0x3e: {  	_ =	shalt  }
0x3f: {  	_ =	shalt  }
0x40: {  	_ =	shalt  }
0x41: {  	_ =	shalt  }
0x42: {  	_ =	shalt  }
0x43: {  	_ =	shalt  }
0x44: {  	_ =	shalt  }
0x45: {  	_ =	shalt  }
0x46: {  	_ =	shalt  }
0x47: {  	_ =	shalt  }
0x48: {  	_ =	shalt  }
0x49: {  	_ =	shalt  }
0x4a: {  	_ =	shalt  }
0x4b: {  	_ =	shalt  }
0x4c: {  	_ =	shalt  }
0x4d: {  	_ =	shalt  }
0x4e: {  	_ =	shalt  }
0x4f: {  	_ =	shalt  }
0x50: {  	_ =	shalt  }
0x51: {  	_ =	shalt  }
0x52: {  	_ =	shalt  }
0x53: {  	_ =	shalt  }
0x54: {  	_ =	shalt  }
0x55: {  	_ =	shalt  }
0x56: {  	_ =	shalt  }
0x57: {  	_ =	shalt  }
0x58: {  	_ =	shalt  }
0x59: {  	_ =	shalt  }
0x5a: {  	_ =	shalt  }
0x5b: {  	_ =	shalt  }
0x5c: {  	_ =	shalt  }
0x5d: {  	_ =	shalt  }
0x5e: {  	_ =	shalt  }
0x5f: {  	_ =	shalt  }
0x60: {  	_ =	shalt  }
0x61: {  	_ =	shalt  }
0x62: {  	_ =	shalt  }
0x63: {  	_ =	shalt  }
0x64: {  	_ =	shalt  }
0x65: {  	_ =	shalt  }
0x66: {  	_ =	shalt  }
0x67: {  	_ =	shalt  }
0x68: {  	_ =	shalt  }
0x69: {  	_ =	shalt  }
0x6a: {  	_ =	shalt  }
0x6b: {  	_ =	shalt  }
0x6c: {  	_ =	shalt  }
0x6d: {  	_ =	shalt  }
0x6e: {  	_ =	shalt  }
0x6f: {  	_ =	shalt  }
0x70: {  	_ =	shalt  }
0x71: {  	_ =	shalt  }
0x72: {  	_ =	shalt  }
0x73: {  	_ =	shalt  }
0x74: {  	_ =	shalt  }
0x75: {  	_ =	shalt  }
0x76: {  	_ =	shalt  }
0x77: {  	_ =	shalt  }
0x78: {  	_ =	shalt  }
0x79: {  	_ =	shalt  }
0x7a: {  	_ =	shalt  }
0x7b: {  	_ =	shalt  }
0x7c: {  	_ =	shalt  }
0x7d: {  	_ =	shalt  }
0x7e: {  	_ =	shalt  }
0x7f: {  	_ =	shalt  }
0x80: {  	_ =	shalt  }
0x81: {  	_ =	shalt  }
0x82: {  	_ =	shalt  }
0x83: {  	_ =	shalt  }
0x84: {  	_ =	shalt  }
0x85: {  	_ =	shalt  }
0x86: {  	_ =	shalt  }
0x87: {  	_ =	shalt  }
.Lfunc_end0:
.L_simem_size_0:
called_computation.1_lowered:
.L_overlay_start_0:
0x88: {  	s2 =	sld [smem:$0x3FD9]  }
0x89: {  	s3 =	sld [smem:$0x3FFE];
	_ =	sdelay $0x1  }
0x8a: {  	s1 =	srdreg.scid  }
0x8b: {  	s0 =	sand.u32 $0x1, s1  }
0x8c: {  	s17 =	sshll.u32 s0, $0xA;
	s2 =	sadd.s32 s3, s2  }
0x8d: {  	s2 =	sadd.s32 s2, s17  }
0x8e: {  	[smem:$0x3FBC] =	sst s2  }
0x8f: {  	_ = 	snop  }
0x90: {  	s2 =	sld [smem:$0x3FD0];
	(tm) =	ssettm $0x1  }
0x91: {  	s18 =	sld [smem:$0x3FFB];
	_ =	sdelay $0x3  }
0x92: {  	_ =	strace s18  }
0x93: {  	s3 =	sld [smem:$0x3FFC];
	_ =	sdelay $0x3  }
0x94: {  	_ =	strace s3  }
0x95: {  	s3 =	sld [smem:$0x3FFD];
	_ =	sdelay $0x3  }
0x96: {  	_ =	strace s3  }
0x97: {  	_ =	strace $0x8FFFFFFF  }
0x98: {  	s19 =	sld [smem:$0x3FDB];
	_ =	sdelay $0x1  }
0x99: {  	s4 =	simm.s32 $_scs_section_size  }
0x9a: {  	s5 =	simm.s32 $_size__tile_overlayer_lowered;
	s6 =	simm.s32 $_tile_overlayer_lowered  }
0x9b: {  	s22 =	simm.s32 $0x1BFF;
	s21 =	sshll.u32 s6, $0x1;
	s3 =	sadd.s32 s4, s19  }
0x9c: {  	s7 =	simm.s32 $0x0;
	s20 =	sshll.u32 s5, $0x1;
	s5 =	sadd.s32 s21, s3  }
0x9d: {  	[timem:s7], [sflag:s22] =	dma.local [hbm:s5], s20  }
0x9e: {  	_ =	swait.ge [sflag:s22], s20  }
0x9f: {  	s4 =	ssub.s32 $0x0, s20;
	[sflag:s22] =	ssyncset.done $0x0  }
0xa0: {  	[sflag:s22] =	ssyncadd.s32 s4;
	_ =	sdelay $0x1  }
0xa1: {  	s23 =	simm.s32 $0x1B8B  }
0xa2: {  	_ =	swait.ge [sflag:s23], $0x1  }
0xa3: {  	[sflag:s23] =	ssyncset.done $0x0  }
0xa4: {  	s25 =	simm.s32 $0x1B8E;
	s24 =	sld [smem:$0x3FFE];
	[sflag:s23] =	ssyncadd.s32 $0xFFFFFFFF  }
0xa5: {  	s26 =	simm.s32 $execute0_lowered;
	[smem:$0x3FD2] =	sst s25  }
0xa6: {  	s5 =	sshll.u32 s26, $0x1;
	_ =	strace $0x80000049;
	[dreg:$0x1] =	wrdreg $0xFFFFFFFF  }
0xa7: {  	s28 =	simm.s32 $_size_execute0_lowered;
	s3 =	sadd.s32 s3, s5;
	[dreg:$0x0] =	wrdreg $0x0  }
0xa8: {  	s5 =	sshll.u32 s28, $0x1;
	[dreg:$0x2] =	wrdreg s3  }
0xa9: {  	[dreg:$0x3] =	wrdreg s5  }
0xaa: {  	[dreg:$0x4] =	wrdreg $0xC0  }
0xab: {  	_ =	task [dreg:s7], $0x5FFFF  }
0xac: {  	[dreg:$0x1] =	wrdreg $0xFFFFFFFF  }
0xad: {  	[dreg:$0x0] =	wrdreg $0x60  }
0xae: {  	[dreg:$0x2] =	wrdreg s24  }
0xaf: {  	[dreg:$0x3] =	wrdreg s2  }
0xb0: {  	[dreg:$0x4] =	wrdreg $0xDD000  }
0xb1: {  	[dreg:$0x5] =	wrdreg $0x9  }
0xb2: {  	_ =	task.clear_ibuf [dreg:s7], $0x6FFFF;
	_ =	strace $0x90000049  }
0xb3: {  	s29 =	simm.s32 $0x9;
	_ =	strace $0x8000004B  }
0xb4: {  	_ =	swait.ge [sflag:s29], $0x1  }
0xb5: {  	[sflag:s29] =	ssyncadd.s32 $0xFFFFFFFF  }
0xb6: {  	_ =	strace $0x9000004B  }
0xb7: {  	_ =	sfence  }
0xb8: {  	s30 =	sld [smem:$0x0];
	_ =	sdelay $0x2  }
0xb9: {  	s31 =	sshll.u32 s1, $0xD;
	s1 =	sshrl.u32 s1, $0x2  }
0xba: {  	s3 =	sand.u32 $0x4000, s31;
	s1 =	sadd.s32 s1, s30  }
0xbb: {  	s0 =	sor.u32 s3, s0;
	s1 =	sshll.u32 s1, $0x11  }
0xbc: {  	s0 =	sor.u32 s1, s0  }
0xbd: {  	s0 =	sadd.s32 $0x8F2B, s0  }
0xbe: {  	[sflag:s0] =	ssyncadd.remote.s32 $0x1  }
0xbf: {  	_ =	sfence.sel $0xFFFF  }
0xc0: {  	[dreg:$0x0] =	wrdreg $0xFFFFFFFF;
	(pc) =	sbr.abs _section_cstart, $3  }
0xc1: {  	[dreg:$0x1] =	wrdreg $0xFFFFFFFF  }
0xc2: {  	_ =	task.clear_ibuf [dreg:s7], $0x2FFFF;
	_ =	strace $0x9FFFFFFF  }
0xc3: {  	(tm) =	ssettm $0x7FFFFFFF  }
tec
execute0_lowered:
.L_overlay_start_1:
0x0: {  	(tag) =	ssettag $0x1  }
0x1: {  	s3 =	rddreg [dreg:$0x0]  }
0x2: {  	s4 =	rddreg [dreg:$0x1]  }
0x3: {  	s0 =	srdreg.scid;
	s2 =	rddreg [dreg:$0x2]  }
0x4: {  	s30 =	stileid.u32;
	s23 =	rddreg [dreg:$0x3];
	s22 =	simm.s32 $0x0  }
0x5: {  	s28 =	simm.s32 $0x100;
	s1 =	simm.s32 $0x200;
	s11 =	simm.s32 $0x500  }
0x6: {  	s12 =	simm.s32 $0x580;
	[smem:$0x7FF] =	sst s22;
	s9 =	sadd.s32 $0xE000, s3  }
0x7: {  	s13 =	simm.s32 $0x600;
	_ =	strace $0x8000004A;
	[dreg:$0x4] =	wrdreg s9  }
0x8: {  	s5 =	sand.u32 $0x1, s0;
	s0 =	simm.s32 $0x180;
	[dreg:$0x9] =	wrdreg s28  }
0x9: {  	s15 =	simm.s32 $0x700;
	s16 =	simm.s32 $0x780;
	[dreg:$0xa] =	wrdreg s0  }
0xa: {  	s17 =	simm.s32 $0x800;
	s18 =	simm.s32 $0x880;
	[dreg:$0xb] =	wrdreg s1  }
0xb: {  	s19 =	simm.s32 $0x900;
	s20 =	simm.s32 $0x980;
	[dreg:$0x11] =	wrdreg s11  }
0xc: {  	p1 =	por $0x0, $0x0;
	s14 =	sadd.s32 $0x4200, s3;
	[dreg:$0x12] =	wrdreg s12  }
0xd: {  	s7 =	smul.u32 $0x4F00, s30;
	p0 =	seq.s32 s30, $0xF;
	[dreg:$0x13] =	wrdreg s13  }
0xe: {  	s6 =	sshll.u32 s5, $0x4;
	s10 =	smul.u32 $0x4E200, s5;
	[dreg:$0x14] =	wrdreg s15  }
0xf: {  	s5 =	ssub.s32 $0x2, s5;
	s9 =	simm.s32 $0x400;
	[dreg:$0x15] =	wrdreg s16  }
0x10: {  	s11 =	simm.s32 $0x3D00;
	s12 =	simm.s32 $0x4D00;
	[dreg:$0x16] =	wrdreg s17  }
0x11: {  	s13 =	simm.s32 $0x5D00;
	s15 =	simm.s32 $0x6D00;
	[dreg:$0x17] =	wrdreg s18  }
0x12: {  	s16 =	simm.s32 $0x7D00;
	s17 =	simm.s32 $0x8D00;
	[dreg:$0x18] =	wrdreg s19  }
0x13: {  	s18 =	simm.s32 $0x9D00;
	[dreg:$0x19] =	wrdreg s20;
	s19 =	simm.s32 $0xAD00  }
0x14: {  	s20 =	simm.s32 $0xBD00;
	s28 =	simm.s32 $0xB00;
	[dreg:$0xf] =	wrdreg s9  }
0x15: {  	s0 =	simm.s32 $0xB80;
	s1 =	simm.s32 $0xC00;
	[dreg:$0x1c] =	wrdreg s28  }
0x16: {  	s6 =	sor.u32 s30, s6;
	s26 =	sshrl.u32 s5, $0x1;
	[dreg:$0x1d] =	wrdreg s0  }
0x17: {  	s9 =	simm.s32 $0x1D00;
	[dreg:$0x1e] =	wrdreg s1;
	s28 =	simm.s32 $0xC80  }
0x18: {  	s6 =	smul.u32 $0xD0, s6;
	s21 =	sadd.s32 s7, s10;
	s5 =	ssub.s32 s5, s26  }
0x19: {  	s26 =	sadd.s32 s7, s2;
	s7 =	simm.s32 $0x300;
	[dreg:$0x1f] =	wrdreg s28  }
0x1a: {  	s25 =	sshrl.u32 s10, $0x3;
	s10 =	simm.s32 $0x480;
	[dreg:$0xd] =	wrdreg s7  }
0x1b: {  	s5 =	smax.u32 s5, $0x1;
	s7 =	simm.s32 $0x680;
	[dreg:$0x10] =	wrdreg s10  }
0x1c: {  	s10 =	simm.s32 $0x2D00;
	s8 =	sadd.s32 s6, s3;
	s3 =	sadd.s32 $0xEA00, s3  }
0x1d: {  	s4 =	sadd.s32 s4, s6;
	s6 =	simm.s32 $0x280;
	s31 =	sadd.s32 $0xFFFFFFFF, s5  }
0x1e: {  	[dreg:$0x5] =	wrdreg s4;
	s24 =	sadd.s32 $0x2800, s8;
	s4 =	sshrl.u32 s21, $0x3  }
0x1f: {  	[dreg:$0xc] =	wrdreg s6;
	s8 =	simm.s32 $0x380;
	s21 =	simm.s32 $0xA00  }
0x20: {  	s6 =	simm.s32 $0x2;
	p2 =	sne.s32 s31, $0x0;
	[dreg:$0x6] =	wrdreg s24  }
0x21: {  	s4 =	sadd.s32 s3, s4;
	s3 =	sadd.s32 s3, s25;
	[dreg:$0xe] =	wrdreg s8  }
.Ltmp0:
0x22: {  	s24 =	simm.s32 $0x3;
	[dreg:$0x1a] =	wrdreg s21;
	(pc) =	sbr.rel @!p2 .LBB2_5-.Ltmp0, $4  }
0x23: {  	s8 =	simm.s32 $0xD00;
	s25 =	simm.s32 $0xA80;
	[dreg:$0x7] =	wrdreg s4  }
0x24: {  	s21 =	simm.s32 $0xCD00;
	s3 =	sadd.s32 $0x9420, s3;
	[dreg:$0x1b] =	wrdreg s25  }
0x25: {  	s4 =	sadd.s32 $0x4A100, s2;
	s25 =	simm.s32 $0x1;
	[dreg:$0x8] =	wrdreg s3  }
0x26: {  	s3 =	simm.s32 $0x80;
	s5 =	sshrl.u32 @p0 s4, $0x3;
	s4 =	sshrl.u32 @!p0 s26, $0x3  }
0x27: {  	s1 =	rddreg [dreg:$0x5]  }
0x28: {  	[tilespmem:s22], [sflag:$0x3] =	stream.linear.gather [hbm4b:s1+s22], $0x680, $0x38;
	[tilespmem:$0x12C00] =	vst v63  }
0x29: {  	_ =	swait.ge [sflag:s24], $0x680  }
0x2a: {  	[sflag:s24] =	ssyncset.done $0x0  }
0x2b: {  	s23 =	rddreg [dreg:$0x6];
	[sflag:s24] =	ssyncadd.s32 $0xFFFFF980  }
0x2c: {  	[tilespmem:s7], [sflag:$0x3] =	stream.linear.gather [hbm4b:s23+s22], $0x680, $0x38;
	[tilespmem:$0x12C00] =	vst v63  }
0x2d: {  	_ =	swait.ge [sflag:s24], $0x680  }
0x2e: {  	[sflag:s24] =	ssyncset.done $0x0  }
0x2f: {  	[sflag:s24] =	ssyncadd.s32 $0xFFFFF980  }
0x30: {  	[tilespmem:s8], [sflag:$0x1] =	stream.indirect.gather [hbm4b:s14+s3], $0x20, s22, s3, $0xb8;
	[tilespmem:$0x12C00] =	vst v63  }
0x31: {  	s1 =	rddreg [dreg:$0x9]  }
0x32: {  	[tilespmem:s9], [sflag:$0x1] =	stream.indirect.gather [hbm4b:s14+s3], $0x20, s3, s3, $0xb8;
	[tilespmem:$0x12C00] =	vst v63  }
0x33: {  	s28 =	rddreg [dreg:$0xa]  }
0x34: {  	[tilespmem:s10], [sflag:$0x1] =	stream.indirect.gather [hbm4b:s14+s3], $0x20, s1, s3, $0xb8;
	[tilespmem:$0x12C00] =	vst v63  }
0x35: {  	s23 =	rddreg [dreg:$0xb]  }
0x36: {  	[tilespmem:s11], [sflag:$0x1] =	stream.indirect.gather [hbm4b:s14+s3], $0x20, s28, s3, $0xb8;
	[tilespmem:$0x12C00] =	vst v63  }
0x37: {  	s29 =	rddreg [dreg:$0x4]  }
0x38: {  	[tilespmem:s12], [sflag:$0x1] =	stream.indirect.gather [hbm4b:s14+s3], $0x20, s23, s3, $0xb8;
	[tilespmem:$0x12C00] =	vst v63  }
0x39: {  	s28 =	rddreg [dreg:$0xc]  }
0x3a: {  	[tilespmem:s13], [sflag:$0x1] =	stream.indirect.gather [hbm4b:s14+s3], $0x20, s28, s3, $0xb8;
	[tilespmem:$0x12C00] =	vst v63  }
0x3b: {  	s1 =	rddreg [dreg:$0xd]  }
0x3c: {  	[tilespmem:s15], [sflag:$0x1] =	stream.indirect.gather [hbm4b:s14+s3], $0x20, s1, s3, $0xb8;
	[tilespmem:$0x12C00] =	vst v63  }
0x3d: {  	s28 =	rddreg [dreg:$0xe]  }
0x3e: {  	[tilespmem:s16], [sflag:$0x1] =	stream.indirect.gather [hbm4b:s14+s3], $0x20, s28, s3, $0xb8;
	[tilespmem:$0x12C00] =	vst v63  }
0x3f: {  	s23 =	rddreg [dreg:$0xf]  }
0x40: {  	[tilespmem:s17], [sflag:$0x1] =	stream.indirect.gather [hbm4b:s14+s3], $0x20, s23, s3, $0xb8;
	[tilespmem:$0x12C00] =	vst v63  }
0x41: {  	s28 =	rddreg [dreg:$0x10]  }
0x42: {  	[tilespmem:s18], [sflag:$0x1] =	stream.indirect.gather [hbm4b:s14+s3], $0x20, s28, s3, $0xb8;
	[tilespmem:$0x12C00] =	vst v63  }
0x43: {  	s1 =	rddreg [dreg:$0x11]  }
0x44: {  	[tilespmem:s19], [sflag:$0x1] =	stream.indirect.gather [hbm4b:s14+s3], $0x20, s1, s3, $0xb8;
	[tilespmem:$0x12C00] =	vst v63  }
0x45: {  	s0 =	smov.u32 s26;
	s28 =	rddreg [dreg:$0x12]  }
0x46: {  	[tilespmem:s20], [sflag:$0x1] =	stream.indirect.gather [hbm4b:s14+s3], $0x20, s28, s3, $0xb8;
	[tilespmem:$0x12C00] =	vst v63  }
0x47: {  	[smem:$0x7FD] =	sst s0;
	s28 =	sshll.u32 s30, $0x6  }
0x48: {  	s26 =	sshrl.u32 s0, $0x3;
	s23 =	rddreg [dreg:$0x13];
	s28 =	sor.u32 $0x1C03, s28  }
0x49: {  	[tilespmem:s21], [sflag:$0x1] =	stream.indirect.gather [hbm4b:s14+s3], $0x20, s23, s3, $0xb8;
	[tilespmem:$0x12C00] =	vst v63  }
0x4a: {  	[spmem:s26], [sflag:s28] =	dma.local [hbm:s29], $0x9E0  }
0x4b: {  	_ =	swait.ge [sflag:s24], $0x9E0  }
0x4c: {  	[sflag:s24] =	ssyncset.done $0x0  }
0x4d: {  	[sflag:s24] =	ssyncadd.s32 $0xFFFFF620  }
0x4e: {  	[bflag:$0x0] =	sbarrier.arrive $0xFFFF  }
0x4f: {  	_ =	swait.ge [sflag:s25], $0x1000  }
0x50: {  	[sflag:s25] =	ssyncset.done $0x0  }
0x51: {  	[sflag:s25] =	ssyncadd.s32 $0xFFFFF000  }
0x52: {  	_ =	swait.ge [sflag:s25], $0x1000  }
0x53: {  	[sflag:s25] =	ssyncset.done $0x0  }
0x54: {  	[sflag:s25] =	ssyncadd.s32 $0xFFFFF000  }
0x55: {  	_ =	swait.ge [sflag:s25], $0x1000  }
0x56: {  	[sflag:s25] =	ssyncset.done $0x0  }
0x57: {  	[sflag:s25] =	ssyncadd.s32 $0xFFFFF000  }
0x58: {  	_ =	swait.ge [sflag:s25], $0x1000  }
0x59: {  	[sflag:s25] =	ssyncset.done $0x0  }
0x5a: {  	[sflag:s25] =	ssyncadd.s32 $0xFFFFF000  }
0x5b: {  	_ =	swait.ge [sflag:s25], $0x1000  }
0x5c: {  	[sflag:s25] =	ssyncset.done $0x0  }
0x5d: {  	[sflag:s25] =	ssyncadd.s32 $0xFFFFF000  }
0x5e: {  	_ =	swait.ge [sflag:s25], $0x1000  }
0x5f: {  	[sflag:s25] =	ssyncset.done $0x0  }
0x60: {  	[sflag:s25] =	ssyncadd.s32 $0xFFFFF000  }
0x61: {  	_ =	swait.ge [sflag:s25], $0x1000  }
0x62: {  	[sflag:s25] =	ssyncset.done $0x0  }
0x63: {  	[sflag:s25] =	ssyncadd.s32 $0xFFFFF000  }
0x64: {  	_ =	swait.ge [sflag:s25], $0x1000  }
0x65: {  	[sflag:s25] =	ssyncset.done $0x0  }
0x66: {  	[sflag:s25] =	ssyncadd.s32 $0xFFFFF000  }
0x67: {  	_ =	swait.ge [sflag:s25], $0x1000  }
0x68: {  	[sflag:s25] =	ssyncset.done $0x0  }
0x69: {  	[sflag:s25] =	ssyncadd.s32 $0xFFFFF000  }
0x6a: {  	_ =	swait.ge [sflag:s25], $0x1000  }
0x6b: {  	[sflag:s25] =	ssyncset.done $0x0  }
0x6c: {  	[sflag:s25] =	ssyncadd.s32 $0xFFFFF000  }
0x6d: {  	_ =	swait.ge [sflag:s25], $0x1000  }
0x6e: {  	[sflag:s25] =	ssyncset.done $0x0  }
0x6f: {  	[sflag:s25] =	ssyncadd.s32 $0xFFFFF000  }
0x70: {  	_ =	swait.ge [sflag:s25], $0x1000  }
0x71: {  	[sflag:s25] =	ssyncset.done $0x0  }
0x72: {  	[sflag:s25] =	ssyncadd.s32 $0xFFFFF000  }
0x73: {  	_ =	swait.ge [sflag:s25], $0x1000  }
0x74: {  	[sflag:s25] =	ssyncset.done $0x0  }
0x75: {  	[sflag:s25] =	ssyncadd.s32 $0xFFFFF000  }
0x76: {  	[spmem:s2] =	stream.indirect.scatter.add.f32 [tilespmem:s8], [sflag:$0x2], $0x20, s7, s3, $0xb8;
	[tilespmem:$0x12C00] =	vst v63  }
0x77: {  	s29 =	rddreg [dreg:$0x14]  }
0x78: {  	[spmem:s2] =	stream.indirect.scatter.add.f32 [tilespmem:s9], [sflag:$0x2], $0x20, s29, s3, $0xb8;
	[tilespmem:$0x12C00] =	vst v63  }
0x79: {  	s30 =	rddreg [dreg:$0x15]  }
0x7a: {  	[spmem:s2] =	stream.indirect.scatter.add.f32 [tilespmem:s10], [sflag:$0x2], $0x20, s30, s3, $0xb8;
	[tilespmem:$0x12C00] =	vst v63  }
0x7b: {  	s29 =	rddreg [dreg:$0x16]  }
0x7c: {  	[spmem:s2] =	stream.indirect.scatter.add.f32 [tilespmem:s11], [sflag:$0x2], $0x20, s29, s3, $0xb8;
	[tilespmem:$0x12C00] =	vst v63  }
0x7d: {  	s30 =	rddreg [dreg:$0x17]  }
0x7e: {  	[spmem:s2] =	stream.indirect.scatter.add.f32 [tilespmem:s12], [sflag:$0x2], $0x20, s30, s3, $0xb8;
	[tilespmem:$0x12C00] =	vst v63  }
0x7f: {  	s29 =	rddreg [dreg:$0x18]  }
0x80: {  	[spmem:s2] =	stream.indirect.scatter.add.f32 [tilespmem:s13], [sflag:$0x2], $0x20, s29, s3, $0xb8;
	[tilespmem:$0x12C00] =	vst v63  }
0x81: {  	s30 =	rddreg [dreg:$0x19]  }
0x82: {  	[spmem:s2] =	stream.indirect.scatter.add.f32 [tilespmem:s15], [sflag:$0x2], $0x20, s30, s3, $0xb8;
	[tilespmem:$0x12C00] =	vst v63  }
0x83: {  	s29 =	rddreg [dreg:$0x1a]  }
0x84: {  	[spmem:s2] =	stream.indirect.scatter.add.f32 [tilespmem:s16], [sflag:$0x2], $0x20, s29, s3, $0xb8;
	[tilespmem:$0x12C00] =	vst v63  }
0x85: {  	s30 =	rddreg [dreg:$0x1b]  }
0x86: {  	[spmem:s2] =	stream.indirect.scatter.add.f32 [tilespmem:s17], [sflag:$0x2], $0x20, s30, s3, $0xb8;
	[tilespmem:$0x12C00] =	vst v63  }
0x87: {  	s29 =	rddreg [dreg:$0x1c]  }
0x88: {  	[spmem:s2] =	stream.indirect.scatter.add.f32 [tilespmem:s18], [sflag:$0x2], $0x20, s29, s3, $0xb8;
	[tilespmem:$0x12C00] =	vst v63  }
0x89: {  	s30 =	rddreg [dreg:$0x1d]  }
0x8a: {  	[spmem:s2] =	stream.indirect.scatter.add.f32 [tilespmem:s19], [sflag:$0x2], $0x20, s30, s3, $0xb8;
	[tilespmem:$0x12C00] =	vst v63  }
0x8b: {  	s29 =	rddreg [dreg:$0x1e]  }
0x8c: {  	[spmem:s2] =	stream.indirect.scatter.add.f32 [tilespmem:s20], [sflag:$0x2], $0x20, s29, s3, $0xb8;
	[tilespmem:$0x12C00] =	vst v63  }
0x8d: {  	s30 =	rddreg [dreg:$0x1f]  }
0x8e: {  	[spmem:s2] =	stream.indirect.scatter.add.f32 [tilespmem:s21], [sflag:$0x2], $0x20, s30, s3, $0xb8;
	[tilespmem:$0x12C00] =	vst v63  }
0x8f: {  	_ =	swait.ge [sflag:s6], $0x1000  }
0x90: {  	[sflag:s6] =	ssyncset.done $0x0  }
0x91: {  	[sflag:s6] =	ssyncadd.s32 $0xFFFFF000  }
0x92: {  	_ =	swait.ge [sflag:s6], $0x1000  }
0x93: {  	[sflag:s6] =	ssyncset.done $0x0  }
0x94: {  	[sflag:s6] =	ssyncadd.s32 $0xFFFFF000  }
0x95: {  	_ =	swait.ge [sflag:s6], $0x1000  }
0x96: {  	[sflag:s6] =	ssyncset.done $0x0  }
0x97: {  	[sflag:s6] =	ssyncadd.s32 $0xFFFFF000  }
0x98: {  	_ =	swait.ge [sflag:s6], $0x1000  }
0x99: {  	[sflag:s6] =	ssyncset.done $0x0  }
0x9a: {  	[sflag:s6] =	ssyncadd.s32 $0xFFFFF000  }
0x9b: {  	_ =	swait.ge [sflag:s6], $0x1000  }
0x9c: {  	[sflag:s6] =	ssyncset.done $0x0  }
0x9d: {  	[sflag:s6] =	ssyncadd.s32 $0xFFFFF000  }
0x9e: {  	_ =	swait.ge [sflag:s6], $0x1000  }
0x9f: {  	[sflag:s6] =	ssyncset.done $0x0  }
0xa0: {  	[sflag:s6] =	ssyncadd.s32 $0xFFFFF000  }
0xa1: {  	_ =	swait.ge [sflag:s6], $0x1000  }
0xa2: {  	[sflag:s6] =	ssyncset.done $0x0  }
0xa3: {  	[sflag:s6] =	ssyncadd.s32 $0xFFFFF000  }
0xa4: {  	_ =	swait.ge [sflag:s6], $0x1000  }
0xa5: {  	[sflag:s6] =	ssyncset.done $0x0  }
0xa6: {  	[sflag:s6] =	ssyncadd.s32 $0xFFFFF000  }
0xa7: {  	_ =	swait.ge [sflag:s6], $0x1000  }
0xa8: {  	[sflag:s6] =	ssyncset.done $0x0  }
0xa9: {  	[sflag:s6] =	ssyncadd.s32 $0xFFFFF000  }
0xaa: {  	_ =	swait.ge [sflag:s6], $0x1000  }
0xab: {  	[sflag:s6] =	ssyncset.done $0x0  }
0xac: {  	[sflag:s6] =	ssyncadd.s32 $0xFFFFF000  }
0xad: {  	_ =	swait.ge [sflag:s6], $0x1000  }
0xae: {  	[sflag:s6] =	ssyncset.done $0x0  }
0xaf: {  	[sflag:s6] =	ssyncadd.s32 $0xFFFFF000  }
0xb0: {  	_ =	swait.ge [sflag:s6], $0x1000  }
0xb1: {  	[sflag:s6] =	ssyncset.done $0x0  }
0xb2: {  	[sflag:s6] =	ssyncadd.s32 $0xFFFFF000  }
0xb3: {  	_ =	swait.ge [sflag:s6], $0x1000  }
0xb4: {  	[sflag:s6] =	ssyncset.done $0x0  }
0xb5: {  	[sflag:s6] =	ssyncadd.s32 $0xFFFFF000  }
0xb6: {  	[bflag:$0x0] =	sbarrier.arrive $0xFFFF  }
0xb7: {  	s31 =	sadd.s32 $0xFFFFFFFF, s31;
	s30 =	simm.s32 @p0 $0x3;
	s29 =	rddreg [dreg:$0x8]  }
0xb8: {  	[hbm:s29], [sflag:s28] =	dma.local @p0 [spmem:s5], $0x820  }
0xb9: {  	p2 =	sne.s32 s31, $0x0;
	_ =	swait.ge @p0 [sflag:s30], $0x820  }
.Ltmp1:
0xba: {  	[sflag:s30] =	ssyncset.done @p0 $0x0;
	(pc) =	sbr.rel @!p2 .LBB2_2-.Ltmp1, $4  }
0xbb: {  	s29 =	rddreg [dreg:$0x7];
	[sflag:s30] =	ssyncadd.s32 @p0 $0xFFFFF7E0  }
0xbc: {  	[hbm:s29], [sflag:s28] =	dma.local @!p0 [spmem:s4], $0x9E0  }
0xbd: {  	s29 =	simm.s32 @!p0 $0x3  }
0xbe: {  	p1 =	por $0x1, $0x1;
	_ =	swait.ge @!p0 [sflag:s29], $0x9E0  }
.LBB2_3:
0xbf: {  	[sflag:s29] =	ssyncset.done @!p0 $0x0  }
0xc0: {  	s0 =	rddreg [dreg:$0x5];
	[sflag:s29] =	ssyncadd.s32 @!p0 $0xFFFFF620  }
0xc1: {  	[tilespmem:s22], [sflag:$0x3] =	stream.linear.gather [hbm4b:s0+s22], $0x680, $0x38;
	[tilespmem:$0x12C00] =	vst v63  }
0xc2: {  	_ =	swait.ge [sflag:s24], $0x680  }
0xc3: {  	[sflag:s24] =	ssyncset.done $0x0  }
0xc4: {  	s23 =	rddreg [dreg:$0x6];
	[sflag:s24] =	ssyncadd.s32 $0xFFFFF980  }
0xc5: {  	[tilespmem:s7], [sflag:$0x3] =	stream.linear.gather [hbm4b:s23+s22], $0x680, $0x38;
	[tilespmem:$0x12C00] =	vst v63  }
0xc6: {  	_ =	swait.ge [sflag:s24], $0x680  }
0xc7: {  	[sflag:s24] =	ssyncset.done $0x0  }
0xc8: {  	[sflag:s24] =	ssyncadd.s32 $0xFFFFF980  }
0xc9: {  	[tilespmem:s8], [sflag:$0x1] =	stream.indirect.gather [hbm4b:s14+s3], $0x20, s22, s3, $0xb8;
	[tilespmem:$0x12C00] =	vst v63  }
0xca: {  	s0 =	rddreg [dreg:$0x4]  }
0xcb: {  	[tilespmem:s9], [sflag:$0x1] =	stream.indirect.gather [hbm4b:s14+s3], $0x20, s3, s3, $0xb8;
	[tilespmem:$0x12C00] =	vst v63  }
0xcc: {  	s1 =	rddreg [dreg:$0x9]  }
0xcd: {  	[tilespmem:s10], [sflag:$0x1] =	stream.indirect.gather [hbm4b:s14+s3], $0x20, s1, s3, $0xb8;
	[tilespmem:$0x12C00] =	vst v63  }
0xce: {  	s23 =	rddreg [dreg:$0xa]  }
0xcf: {  	[tilespmem:s11], [sflag:$0x1] =	stream.indirect.gather [hbm4b:s14+s3], $0x20, s23, s3, $0xb8;
	[tilespmem:$0x12C00] =	vst v63  }
0xd0: {  	s1 =	rddreg [dreg:$0xb]  }
0xd1: {  	[tilespmem:s12], [sflag:$0x1] =	stream.indirect.gather [hbm4b:s14+s3], $0x20, s1, s3, $0xb8;
	[tilespmem:$0x12C00] =	vst v63  }
0xd2: {  	s23 =	rddreg [dreg:$0xc]  }
0xd3: {  	[tilespmem:s13], [sflag:$0x1] =	stream.indirect.gather [hbm4b:s14+s3], $0x20, s23, s3, $0xb8;
	[tilespmem:$0x12C00] =	vst v63  }
0xd4: {  	s1 =	rddreg [dreg:$0xd]  }
0xd5: {  	[tilespmem:s15], [sflag:$0x1] =	stream.indirect.gather [hbm4b:s14+s3], $0x20, s1, s3, $0xb8;
	[tilespmem:$0x12C00] =	vst v63  }
0xd6: {  	s23 =	rddreg [dreg:$0xe]  }
0xd7: {  	[tilespmem:s16], [sflag:$0x1] =	stream.indirect.gather [hbm4b:s14+s3], $0x20, s23, s3, $0xb8;
	[tilespmem:$0x12C00] =	vst v63  }
0xd8: {  	s1 =	rddreg [dreg:$0xf]  }
0xd9: {  	[tilespmem:s17], [sflag:$0x1] =	stream.indirect.gather [hbm4b:s14+s3], $0x20, s1, s3, $0xb8;
	[tilespmem:$0x12C00] =	vst v63  }
0xda: {  	s23 =	rddreg [dreg:$0x10]  }
0xdb: {  	[tilespmem:s18], [sflag:$0x1] =	stream.indirect.gather [hbm4b:s14+s3], $0x20, s23, s3, $0xb8;
	[tilespmem:$0x12C00] =	vst v63  }
0xdc: {  	s1 =	rddreg [dreg:$0x11]  }
0xdd: {  	[tilespmem:s19], [sflag:$0x1] =	stream.indirect.gather [hbm4b:s14+s3], $0x20, s1, s3, $0xb8;
	[tilespmem:$0x12C00] =	vst v63  }
0xde: {  	s23 =	rddreg [dreg:$0x12]  }
0xdf: {  	[tilespmem:s20], [sflag:$0x1] =	stream.indirect.gather [hbm4b:s14+s3], $0x20, s23, s3, $0xb8;
	[tilespmem:$0x12C00] =	vst v63  }
0xe0: {  	s1 =	rddreg [dreg:$0x13]  }
0xe1: {  	[tilespmem:s21], [sflag:$0x1] =	stream.indirect.gather [hbm4b:s14+s3], $0x20, s1, s3, $0xb8;
	[tilespmem:$0x12C00] =	vst v63  }
0xe2: {  	[spmem:s26], [sflag:s28] =	dma.local [hbm:s0], $0x9E0  }
0xe3: {  	_ =	swait.ge [sflag:s24], $0x9E0  }
0xe4: {  	[sflag:s24] =	ssyncset.done $0x0  }
0xe5: {  	[sflag:s24] =	ssyncadd.s32 $0xFFFFF620  }
0xe6: {  	[bflag:$0x0] =	sbarrier.arrive $0xFFFF  }
0xe7: {  	_ =	swait.ge [sflag:s25], $0x1000  }
0xe8: {  	[sflag:s25] =	ssyncset.done $0x0  }
0xe9: {  	[sflag:s25] =	ssyncadd.s32 $0xFFFFF000  }
0xea: {  	_ =	swait.ge [sflag:s25], $0x1000  }
0xeb: {  	[sflag:s25] =	ssyncset.done $0x0  }
0xec: {  	[sflag:s25] =	ssyncadd.s32 $0xFFFFF000  }
0xed: {  	_ =	swait.ge [sflag:s25], $0x1000  }
0xee: {  	[sflag:s25] =	ssyncset.done $0x0  }
0xef: {  	[sflag:s25] =	ssyncadd.s32 $0xFFFFF000  }
0xf0: {  	_ =	swait.ge [sflag:s25], $0x1000  }
0xf1: {  	[sflag:s25] =	ssyncset.done $0x0  }
0xf2: {  	[sflag:s25] =	ssyncadd.s32 $0xFFFFF000  }
0xf3: {  	_ =	swait.ge [sflag:s25], $0x1000  }
0xf4: {  	[sflag:s25] =	ssyncset.done $0x0  }
0xf5: {  	[sflag:s25] =	ssyncadd.s32 $0xFFFFF000  }
0xf6: {  	_ =	swait.ge [sflag:s25], $0x1000  }
0xf7: {  	[sflag:s25] =	ssyncset.done $0x0  }
0xf8: {  	[sflag:s25] =	ssyncadd.s32 $0xFFFFF000  }
0xf9: {  	_ =	swait.ge [sflag:s25], $0x1000  }
0xfa: {  	[sflag:s25] =	ssyncset.done $0x0  }
0xfb: {  	[sflag:s25] =	ssyncadd.s32 $0xFFFFF000  }
0xfc: {  	_ =	swait.ge [sflag:s25], $0x1000  }
0xfd: {  	[sflag:s25] =	ssyncset.done $0x0  }
0xfe: {  	[sflag:s25] =	ssyncadd.s32 $0xFFFFF000  }
0xff: {  	_ =	swait.ge [sflag:s25], $0x1000  }
0x100: {  	[sflag:s25] =	ssyncset.done $0x0  }
0x101: {  	[sflag:s25] =	ssyncadd.s32 $0xFFFFF000  }
0x102: {  	_ =	swait.ge [sflag:s25], $0x1000  }
0x103: {  	[sflag:s25] =	ssyncset.done $0x0  }
0x104: {  	[sflag:s25] =	ssyncadd.s32 $0xFFFFF000  }
0x105: {  	_ =	swait.ge [sflag:s25], $0x1000  }
0x106: {  	[sflag:s25] =	ssyncset.done $0x0  }
0x107: {  	[sflag:s25] =	ssyncadd.s32 $0xFFFFF000  }
0x108: {  	_ =	swait.ge [sflag:s25], $0x1000  }
0x109: {  	[sflag:s25] =	ssyncset.done $0x0  }
0x10a: {  	[sflag:s25] =	ssyncadd.s32 $0xFFFFF000  }
0x10b: {  	_ =	swait.ge [sflag:s25], $0x1000  }
0x10c: {  	[sflag:s25] =	ssyncset.done $0x0  }
0x10d: {  	[sflag:s25] =	ssyncadd.s32 $0xFFFFF000  }
0x10e: {  	[spmem:s2] =	stream.indirect.scatter.add.f32 [tilespmem:s8], [sflag:$0x2], $0x20, s7, s3, $0xb8;
	[tilespmem:$0x12C00] =	vst v63  }
0x10f: {  	s0 =	rddreg [dreg:$0x14]  }
0x110: {  	[spmem:s2] =	stream.indirect.scatter.add.f32 [tilespmem:s9], [sflag:$0x2], $0x20, s0, s3, $0xb8;
	[tilespmem:$0x12C00] =	vst v63  }
0x111: {  	s1 =	rddreg [dreg:$0x15]  }
0x112: {  	[spmem:s2] =	stream.indirect.scatter.add.f32 [tilespmem:s10], [sflag:$0x2], $0x20, s1, s3, $0xb8;
	[tilespmem:$0x12C00] =	vst v63  }
0x113: {  	s23 =	rddreg [dreg:$0x16]  }
0x114: {  	[spmem:s2] =	stream.indirect.scatter.add.f32 [tilespmem:s11], [sflag:$0x2], $0x20, s23, s3, $0xb8;
	[tilespmem:$0x12C00] =	vst v63  }
0x115: {  	s0 =	rddreg [dreg:$0x17]  }
0x116: {  	[spmem:s2] =	stream.indirect.scatter.add.f32 [tilespmem:s12], [sflag:$0x2], $0x20, s0, s3, $0xb8;
	[tilespmem:$0x12C00] =	vst v63  }
0x117: {  	s1 =	rddreg [dreg:$0x18]  }
0x118: {  	[spmem:s2] =	stream.indirect.scatter.add.f32 [tilespmem:s13], [sflag:$0x2], $0x20, s1, s3, $0xb8;
	[tilespmem:$0x12C00] =	vst v63  }
0x119: {  	s23 =	rddreg [dreg:$0x19]  }
0x11a: {  	[spmem:s2] =	stream.indirect.scatter.add.f32 [tilespmem:s15], [sflag:$0x2], $0x20, s23, s3, $0xb8;
	[tilespmem:$0x12C00] =	vst v63  }
0x11b: {  	s0 =	rddreg [dreg:$0x1a]  }
0x11c: {  	[spmem:s2] =	stream.indirect.scatter.add.f32 [tilespmem:s16], [sflag:$0x2], $0x20, s0, s3, $0xb8;
	[tilespmem:$0x12C00] =	vst v63  }
0x11d: {  	s1 =	rddreg [dreg:$0x1b]  }
0x11e: {  	[spmem:s2] =	stream.indirect.scatter.add.f32 [tilespmem:s17], [sflag:$0x2], $0x20, s1, s3, $0xb8;
	[tilespmem:$0x12C00] =	vst v63  }
0x11f: {  	s23 =	rddreg [dreg:$0x1c]  }
0x120: {  	[spmem:s2] =	stream.indirect.scatter.add.f32 [tilespmem:s18], [sflag:$0x2], $0x20, s23, s3, $0xb8;
	[tilespmem:$0x12C00] =	vst v63  }
0x121: {  	s0 =	rddreg [dreg:$0x1d]  }
0x122: {  	[spmem:s2] =	stream.indirect.scatter.add.f32 [tilespmem:s19], [sflag:$0x2], $0x20, s0, s3, $0xb8;
	[tilespmem:$0x12C00] =	vst v63  }
0x123: {  	s1 =	rddreg [dreg:$0x1e]  }
0x124: {  	[spmem:s2] =	stream.indirect.scatter.add.f32 [tilespmem:s20], [sflag:$0x2], $0x20, s1, s3, $0xb8;
	[tilespmem:$0x12C00] =	vst v63  }
0x125: {  	s23 =	rddreg [dreg:$0x1f]  }
0x126: {  	[spmem:s2] =	stream.indirect.scatter.add.f32 [tilespmem:s21], [sflag:$0x2], $0x20, s23, s3, $0xb8;
	[tilespmem:$0x12C00] =	vst v63  }
0x127: {  	_ =	swait.ge [sflag:s6], $0x1000  }
0x128: {  	[sflag:s6] =	ssyncset.done $0x0  }
0x129: {  	[sflag:s6] =	ssyncadd.s32 $0xFFFFF000  }
0x12a: {  	_ =	swait.ge [sflag:s6], $0x1000  }
0x12b: {  	[sflag:s6] =	ssyncset.done $0x0  }
0x12c: {  	[sflag:s6] =	ssyncadd.s32 $0xFFFFF000  }
0x12d: {  	_ =	swait.ge [sflag:s6], $0x1000  }
0x12e: {  	[sflag:s6] =	ssyncset.done $0x0  }
0x12f: {  	[sflag:s6] =	ssyncadd.s32 $0xFFFFF000  }
0x130: {  	_ =	swait.ge [sflag:s6], $0x1000  }
0x131: {  	[sflag:s6] =	ssyncset.done $0x0  }
0x132: {  	[sflag:s6] =	ssyncadd.s32 $0xFFFFF000  }
0x133: {  	_ =	swait.ge [sflag:s6], $0x1000  }
0x134: {  	[sflag:s6] =	ssyncset.done $0x0  }
0x135: {  	[sflag:s6] =	ssyncadd.s32 $0xFFFFF000  }
0x136: {  	_ =	swait.ge [sflag:s6], $0x1000  }
0x137: {  	[sflag:s6] =	ssyncset.done $0x0  }
0x138: {  	[sflag:s6] =	ssyncadd.s32 $0xFFFFF000  }
0x139: {  	_ =	swait.ge [sflag:s6], $0x1000  }
0x13a: {  	[sflag:s6] =	ssyncset.done $0x0  }
0x13b: {  	[sflag:s6] =	ssyncadd.s32 $0xFFFFF000  }
0x13c: {  	_ =	swait.ge [sflag:s6], $0x1000  }
0x13d: {  	[sflag:s6] =	ssyncset.done $0x0  }
0x13e: {  	[sflag:s6] =	ssyncadd.s32 $0xFFFFF000  }
0x13f: {  	_ =	swait.ge [sflag:s6], $0x1000  }
0x140: {  	[sflag:s6] =	ssyncset.done $0x0  }
0x141: {  	[sflag:s6] =	ssyncadd.s32 $0xFFFFF000  }
0x142: {  	_ =	swait.ge [sflag:s6], $0x1000  }
0x143: {  	[sflag:s6] =	ssyncset.done $0x0  }
0x144: {  	[sflag:s6] =	ssyncadd.s32 $0xFFFFF000  }
0x145: {  	_ =	swait.ge [sflag:s6], $0x1000  }
0x146: {  	[sflag:s6] =	ssyncset.done $0x0  }
0x147: {  	[sflag:s6] =	ssyncadd.s32 $0xFFFFF000  }
0x148: {  	_ =	swait.ge [sflag:s6], $0x1000  }
0x149: {  	[sflag:s6] =	ssyncset.done $0x0  }
0x14a: {  	[sflag:s6] =	ssyncadd.s32 $0xFFFFF000  }
0x14b: {  	_ =	swait.ge [sflag:s6], $0x1000  }
0x14c: {  	[sflag:s6] =	ssyncset.done $0x0  }
0x14d: {  	[sflag:s6] =	ssyncadd.s32 $0xFFFFF000  }
0x14e: {  	s31 =	sadd.s32 $0xFFFFFFFF, s31;
	[bflag:$0x0] =	sbarrier.arrive $0xFFFF  }
0x14f: {  	p2 =	sne.s32 s31, $0x0;
	s0 =	rddreg [dreg:$0x8]  }
0x150: {  	[hbm:s0], [sflag:s28] =	dma.local @p0 [spmem:s5], $0x820  }
.Ltmp2:
0x151: {  	_ =	swait.ge @p0 [sflag:s30], $0x820;
	(pc) =	sbr.rel @p2 .LBB2_3-.Ltmp2, $4  }
0x152: {  	[sflag:s30] =	ssyncset.done @p0 $0x0  }
0x153: {  	s0 =	rddreg [dreg:$0x7];
	[sflag:s30] =	ssyncadd.s32 @p0 $0xFFFFF7E0  }
0x154: {  	[hbm:s0], [sflag:s28] =	dma.local @!p0 [spmem:s4], $0x9E0  }
0x155: {  	_ =	swait.ge @!p0 [sflag:s29], $0x9E0  }
0x156: {  	s23 =	rddreg [dreg:$0x3]  }
0x157: {  	s30 =	stileid.u32;
	s26 =	sld [smem:$0x7FD]  }
.LBB2_5:
0x158: {  	p1 =	por p0, !p1  }
0x159: {  	[sflag:s29] =	ssyncset.done @!p1 $0x0  }
0x15a: {  	s0 =	rddreg [dreg:$0x5];
	[sflag:s29] =	ssyncadd.s32 @!p1 $0xFFFFF620  }
0x15b: {  	[tilespmem:s22], [sflag:$0x3] =	stream.linear.gather [hbm4b:s0+s22], $0x680, $0x38;
	[tilespmem:$0x12C00] =	vst v63  }
0x15c: {  	_ =	swait.ge [sflag:s24], $0x680  }
0x15d: {  	[sflag:s24] =	ssyncset.done $0x0  }
0x15e: {  	s29 =	rddreg [dreg:$0x6];
	[sflag:s24] =	ssyncadd.s32 $0xFFFFF980  }
0x15f: {  	[tilespmem:s7], [sflag:$0x3] =	stream.linear.gather [hbm4b:s29+s22], $0x680, $0x38;
	[tilespmem:$0x12C00] =	vst v63  }
0x160: {  	_ =	swait.ge [sflag:s24], $0x680  }
0x161: {  	[sflag:s24] =	ssyncset.done $0x0  }
0x162: {  	[sflag:s24] =	ssyncadd.s32 $0xFFFFF980  }
0x163: {  	[tilespmem:s8], [sflag:$0x1] =	stream.indirect.gather [hbm4b:s14+s3], $0x20, s22, s3, $0xb8;
	[tilespmem:$0x12C00] =	vst v63  }
0x164: {  	_ = 	snop  }
0x165: {  	[tilespmem:s9], [sflag:$0x1] =	stream.indirect.gather [hbm4b:s14+s3], $0x20, s3, s3, $0xb8;
	[tilespmem:$0x12C00] =	vst v63  }
0x166: {  	s31 =	rddreg [dreg:$0x9]  }
0x167: {  	[tilespmem:s10], [sflag:$0x1] =	stream.indirect.gather [hbm4b:s14+s3], $0x20, s31, s3, $0xb8;
	[tilespmem:$0x12C00] =	vst v63  }
0x168: {  	s1 =	rddreg [dreg:$0xa]  }
0x169: {  	[tilespmem:s11], [sflag:$0x1] =	stream.indirect.gather [hbm4b:s14+s3], $0x20, s1, s3, $0xb8;
	[tilespmem:$0x12C00] =	vst v63  }
0x16a: {  	s22 =	rddreg [dreg:$0xb]  }
0x16b: {  	[tilespmem:s12], [sflag:$0x1] =	stream.indirect.gather [hbm4b:s14+s3], $0x20, s22, s3, $0xb8;
	[tilespmem:$0x12C00] =	vst v63  }
0x16c: {  	s28 =	rddreg [dreg:$0xc]  }
0x16d: {  	[tilespmem:s13], [sflag:$0x1] =	stream.indirect.gather [hbm4b:s14+s3], $0x20, s28, s3, $0xb8;
	[tilespmem:$0x12C00] =	vst v63  }
0x16e: {  	s29 =	rddreg [dreg:$0xd]  }
0x16f: {  	[tilespmem:s15], [sflag:$0x1] =	stream.indirect.gather [hbm4b:s14+s3], $0x20, s29, s3, $0xb8;
	[tilespmem:$0x12C00] =	vst v63  }
0x170: {  	s31 =	rddreg [dreg:$0xe]  }
0x171: {  	[tilespmem:s16], [sflag:$0x1] =	stream.indirect.gather [hbm4b:s14+s3], $0x20, s31, s3, $0xb8;
	[tilespmem:$0x12C00] =	vst v63  }
0x172: {  	s22 =	rddreg [dreg:$0xf]  }
0x173: {  	[tilespmem:s17], [sflag:$0x1] =	stream.indirect.gather [hbm4b:s14+s3], $0x20, s22, s3, $0xb8;
	[tilespmem:$0x12C00] =	vst v63  }
0x174: {  	s28 =	rddreg [dreg:$0x10]  }
0x175: {  	[tilespmem:s18], [sflag:$0x1] =	stream.indirect.gather [hbm4b:s14+s3], $0x20, s28, s3, $0xb8;
	[tilespmem:$0x12C00] =	vst v63  }
0x176: {  	s29 =	rddreg [dreg:$0x11]  }
0x177: {  	[tilespmem:s19], [sflag:$0x1] =	stream.indirect.gather [hbm4b:s14+s3], $0x20, s29, s3, $0xb8;
	[tilespmem:$0x12C00] =	vst v63  }
0x178: {  	s31 =	rddreg [dreg:$0x12]  }
0x179: {  	[tilespmem:s20], [sflag:$0x1] =	stream.indirect.gather [hbm4b:s14+s3], $0x20, s31, s3, $0xb8;
	[tilespmem:$0x12C00] =	vst v63  }
0x17a: {  	s22 =	rddreg [dreg:$0x13];
	s29 =	sshll.u32 s30, $0x6  }
0x17b: {  	[tilespmem:s21], [sflag:$0x1] =	stream.indirect.gather [hbm4b:s14+s3], $0x20, s22, s3, $0xb8;
	[tilespmem:$0x12C00] =	vst v63  }
0x17c: {  	s28 =	rddreg [dreg:$0x4];
	s31 =	sshrl.u32 s26, $0x3;
	s14 =	sor.u32 $0x1C03, s29  }
0x17d: {  	[spmem:s31], [sflag:s14] =	dma.local [hbm:s28], $0x9E0  }
0x17e: {  	_ =	swait.ge [sflag:s24], $0x9E0  }
0x17f: {  	[sflag:s24] =	ssyncset.done $0x0  }
0x180: {  	[sflag:s24] =	ssyncadd.s32 $0xFFFFF620  }
0x181: {  	[bflag:$0x0] =	sbarrier.arrive $0xFFFF  }
0x182: {  	_ =	swait.ge [sflag:s25], $0x1000  }
0x183: {  	[sflag:s25] =	ssyncset.done $0x0  }
0x184: {  	[sflag:s25] =	ssyncadd.s32 $0xFFFFF000  }
0x185: {  	_ =	swait.ge [sflag:s25], $0x1000  }
0x186: {  	[sflag:s25] =	ssyncset.done $0x0  }
0x187: {  	[sflag:s25] =	ssyncadd.s32 $0xFFFFF000  }
0x188: {  	_ =	swait.ge [sflag:s25], $0x1000  }
0x189: {  	[sflag:s25] =	ssyncset.done $0x0  }
0x18a: {  	[sflag:s25] =	ssyncadd.s32 $0xFFFFF000  }
0x18b: {  	_ =	swait.ge [sflag:s25], $0x1000  }
0x18c: {  	[sflag:s25] =	ssyncset.done $0x0  }
0x18d: {  	[sflag:s25] =	ssyncadd.s32 $0xFFFFF000  }
0x18e: {  	_ =	swait.ge [sflag:s25], $0x1000  }
0x18f: {  	[sflag:s25] =	ssyncset.done $0x0  }
0x190: {  	[sflag:s25] =	ssyncadd.s32 $0xFFFFF000  }
0x191: {  	_ =	swait.ge [sflag:s25], $0x1000  }
0x192: {  	[sflag:s25] =	ssyncset.done $0x0  }
0x193: {  	[sflag:s25] =	ssyncadd.s32 $0xFFFFF000  }
0x194: {  	_ =	swait.ge [sflag:s25], $0x1000  }
0x195: {  	[sflag:s25] =	ssyncset.done $0x0  }
0x196: {  	[sflag:s25] =	ssyncadd.s32 $0xFFFFF000  }
0x197: {  	_ =	swait.ge [sflag:s25], $0x1000  }
0x198: {  	[sflag:s25] =	ssyncset.done $0x0  }
0x199: {  	[sflag:s25] =	ssyncadd.s32 $0xFFFFF000  }
0x19a: {  	_ =	swait.ge [sflag:s25], $0x1000  }
0x19b: {  	[sflag:s25] =	ssyncset.done $0x0  }
0x19c: {  	[sflag:s25] =	ssyncadd.s32 $0xFFFFF000  }
0x19d: {  	_ =	swait.ge [sflag:s25], $0x1000  }
0x19e: {  	[sflag:s25] =	ssyncset.done $0x0  }
0x19f: {  	[sflag:s25] =	ssyncadd.s32 $0xFFFFF000  }
0x1a0: {  	_ =	swait.ge [sflag:s25], $0x1000  }
0x1a1: {  	[sflag:s25] =	ssyncset.done $0x0  }
0x1a2: {  	[sflag:s25] =	ssyncadd.s32 $0xFFFFF000  }
0x1a3: {  	_ =	swait.ge [sflag:s25], $0x1000  }
0x1a4: {  	[sflag:s25] =	ssyncset.done $0x0  }
0x1a5: {  	[sflag:s25] =	ssyncadd.s32 $0xFFFFF000  }
0x1a6: {  	_ =	swait.ge [sflag:s25], $0x1000  }
0x1a7: {  	[sflag:s25] =	ssyncset.done $0x0  }
0x1a8: {  	[sflag:s25] =	ssyncadd.s32 $0xFFFFF000  }
0x1a9: {  	[spmem:s2] =	stream.indirect.scatter.add.f32 [tilespmem:s8], [sflag:$0x2], $0x20, s7, s3, $0xb8;
	[tilespmem:$0x12C00] =	vst v63  }
0x1aa: {  	s1 =	rddreg [dreg:$0x14]  }
0x1ab: {  	[spmem:s2] =	stream.indirect.scatter.add.f32 [tilespmem:s9], [sflag:$0x2], $0x20, s1, s3, $0xb8;
	[tilespmem:$0x12C00] =	vst v63  }
0x1ac: {  	s8 =	rddreg [dreg:$0x15]  }
0x1ad: {  	[spmem:s2] =	stream.indirect.scatter.add.f32 [tilespmem:s10], [sflag:$0x2], $0x20, s8, s3, $0xb8;
	[tilespmem:$0x12C00] =	vst v63  }
0x1ae: {  	s9 =	rddreg [dreg:$0x16]  }
0x1af: {  	[spmem:s2] =	stream.indirect.scatter.add.f32 [tilespmem:s11], [sflag:$0x2], $0x20, s9, s3, $0xb8;
	[tilespmem:$0x12C00] =	vst v63  }
0x1b0: {  	s10 =	rddreg [dreg:$0x17]  }
0x1b1: {  	[spmem:s2] =	stream.indirect.scatter.add.f32 [tilespmem:s12], [sflag:$0x2], $0x20, s10, s3, $0xb8;
	[tilespmem:$0x12C00] =	vst v63  }
0x1b2: {  	s11 =	rddreg [dreg:$0x18]  }
0x1b3: {  	[spmem:s2] =	stream.indirect.scatter.add.f32 [tilespmem:s13], [sflag:$0x2], $0x20, s11, s3, $0xb8;
	[tilespmem:$0x12C00] =	vst v63  }
0x1b4: {  	s22 =	rddreg [dreg:$0x19]  }
0x1b5: {  	[spmem:s2] =	stream.indirect.scatter.add.f32 [tilespmem:s15], [sflag:$0x2], $0x20, s22, s3, $0xb8;
	[tilespmem:$0x12C00] =	vst v63  }
0x1b6: {  	s24 =	rddreg [dreg:$0x1a]  }
0x1b7: {  	[spmem:s2] =	stream.indirect.scatter.add.f32 [tilespmem:s16], [sflag:$0x2], $0x20, s24, s3, $0xb8;
	[tilespmem:$0x12C00] =	vst v63  }
0x1b8: {  	s25 =	rddreg [dreg:$0x1b]  }
0x1b9: {  	[spmem:s2] =	stream.indirect.scatter.add.f32 [tilespmem:s17], [sflag:$0x2], $0x20, s25, s3, $0xb8;
	[tilespmem:$0x12C00] =	vst v63  }
0x1ba: {  	s26 =	rddreg [dreg:$0x1c]  }
0x1bb: {  	[spmem:s2] =	stream.indirect.scatter.add.f32 [tilespmem:s18], [sflag:$0x2], $0x20, s26, s3, $0xb8;
	[tilespmem:$0x12C00] =	vst v63  }
0x1bc: {  	s28 =	rddreg [dreg:$0x1d]  }
0x1bd: {  	[spmem:s2] =	stream.indirect.scatter.add.f32 [tilespmem:s19], [sflag:$0x2], $0x20, s28, s3, $0xb8;
	[tilespmem:$0x12C00] =	vst v63  }
0x1be: {  	s29 =	rddreg [dreg:$0x1e]  }
0x1bf: {  	[spmem:s2] =	stream.indirect.scatter.add.f32 [tilespmem:s20], [sflag:$0x2], $0x20, s29, s3, $0xb8;
	[tilespmem:$0x12C00] =	vst v63  }
0x1c0: {  	s31 =	rddreg [dreg:$0x1f]  }
0x1c1: {  	[spmem:s2] =	stream.indirect.scatter.add.f32 [tilespmem:s21], [sflag:$0x2], $0x20, s31, s3, $0xb8;
	[tilespmem:$0x12C00] =	vst v63  }
0x1c2: {  	_ =	swait.ge [sflag:s6], $0x1000  }
0x1c3: {  	[sflag:s6] =	ssyncset.done $0x0  }
0x1c4: {  	[sflag:s6] =	ssyncadd.s32 $0xFFFFF000  }
0x1c5: {  	_ =	swait.ge [sflag:s6], $0x1000  }
0x1c6: {  	[sflag:s6] =	ssyncset.done $0x0  }
0x1c7: {  	[sflag:s6] =	ssyncadd.s32 $0xFFFFF000  }
0x1c8: {  	_ =	swait.ge [sflag:s6], $0x1000  }
0x1c9: {  	[sflag:s6] =	ssyncset.done $0x0  }
0x1ca: {  	[sflag:s6] =	ssyncadd.s32 $0xFFFFF000  }
0x1cb: {  	_ =	swait.ge [sflag:s6], $0x1000  }
0x1cc: {  	[sflag:s6] =	ssyncset.done $0x0  }
0x1cd: {  	[sflag:s6] =	ssyncadd.s32 $0xFFFFF000  }
0x1ce: {  	_ =	swait.ge [sflag:s6], $0x1000  }
0x1cf: {  	[sflag:s6] =	ssyncset.done $0x0  }
0x1d0: {  	[sflag:s6] =	ssyncadd.s32 $0xFFFFF000  }
0x1d1: {  	_ =	swait.ge [sflag:s6], $0x1000  }
0x1d2: {  	[sflag:s6] =	ssyncset.done $0x0  }
0x1d3: {  	[sflag:s6] =	ssyncadd.s32 $0xFFFFF000  }
0x1d4: {  	_ =	swait.ge [sflag:s6], $0x1000  }
0x1d5: {  	[sflag:s6] =	ssyncset.done $0x0  }
0x1d6: {  	[sflag:s6] =	ssyncadd.s32 $0xFFFFF000  }
0x1d7: {  	_ =	swait.ge [sflag:s6], $0x1000  }
0x1d8: {  	[sflag:s6] =	ssyncset.done $0x0  }
0x1d9: {  	[sflag:s6] =	ssyncadd.s32 $0xFFFFF000  }
0x1da: {  	_ =	swait.ge [sflag:s6], $0x1000  }
0x1db: {  	[sflag:s6] =	ssyncset.done $0x0  }
0x1dc: {  	[sflag:s6] =	ssyncadd.s32 $0xFFFFF000  }
0x1dd: {  	_ =	swait.ge [sflag:s6], $0x1000  }
0x1de: {  	[sflag:s6] =	ssyncset.done $0x0  }
0x1df: {  	[sflag:s6] =	ssyncadd.s32 $0xFFFFF000  }
0x1e0: {  	_ =	swait.ge [sflag:s6], $0x1000  }
0x1e1: {  	[sflag:s6] =	ssyncset.done $0x0  }
0x1e2: {  	[sflag:s6] =	ssyncadd.s32 $0xFFFFF000  }
0x1e3: {  	_ =	swait.ge [sflag:s6], $0x1000  }
0x1e4: {  	[sflag:s6] =	ssyncset.done $0x0  }
0x1e5: {  	[sflag:s6] =	ssyncadd.s32 $0xFFFFF000  }
0x1e6: {  	_ =	swait.ge [sflag:s6], $0x1000  }
0x1e7: {  	[sflag:s6] =	ssyncset.done $0x0  }
0x1e8: {  	[sflag:s6] =	ssyncadd.s32 $0xFFFFF000  }
0x1e9: {  	[bflag:$0x0] =	sbarrier.arrive $0xFFFF  }
0x1ea: {  	s0 =	rddreg [dreg:$0x8]  }
0x1eb: {  	[hbm:s0], [sflag:s14] =	dma.local @p0 [spmem:s5], $0x820  }
0x1ec: {  	s0 =	simm.s32 @p0 $0x3  }
0x1ed: {  	_ =	swait.ge @p0 [sflag:s0], $0x820  }
0x1ee: {  	[sflag:s0] =	ssyncset.done @p0 $0x0  }
0x1ef: {  	s1 =	rddreg [dreg:$0x7];
	[sflag:s0] =	ssyncadd.s32 @p0 $0xFFFFF7E0;
	s0 =	simm.s32 @!p0 $0x3  }
0x1f0: {  	[hbm:s1], [sflag:s14] =	dma.local @!p0 [spmem:s4], $0x9E0  }
0x1f1: {  	_ =	swait.ge @!p0 [sflag:s0], $0x9E0  }
0x1f2: {  	[sflag:s0] =	ssyncset.done @!p0 $0x0  }
0x1f3: {  	[sflag:s0] =	ssyncadd.s32 @!p0 $0xFFFFF620  }
0x1f4: {  	_ =	sfence.sel $0x180000  }
0x1f5: {  	[bflag:$0x0] =	sbarrier.arrive $0xFFFF  }
0x1f6: {  	p0 =	sne.s32 s30, $0x0;
	_ =	strace $0x9000004A  }
0x1f7: {  	s0 =	sadd.s32 @!p0 $0x100000, s23;
	[bflag:$0x2] =	sbarrier.arrive $0xFFFF  }
0x1f8: {  	[sflag:s0] =	ssyncadd.tile.s32 @!p0 $0x1;
	_ =	shalt  }
.LBB2_2:
.Ltmp3:
0x1f9: {  	(pc) =	sbr.rel .LBB2_5-.Ltmp3, $3  }
0x1fa: {  	_ =	sdelay $0x1  }
0x1fb: {  	s23 =	rddreg [dreg:$0x3]  }
0x1fc: {  	s30 =	stileid.u32;
	s26 =	sld [smem:$0x7FD]  }
.Lfunc_end2:
_tile_overlayer_lowered:
.L_overlay_start_2:
0x1fd: {  	(tag) =	ssettag $0x2  }
0x1fe: {  	s0 =	rddreg [dreg:$0x0];
	s2 =	stileid.u32  }
0x1ff: {  	s1 =	rddreg [dreg:$0x1];
	p0 =	sne.s32 s2, $0x0  }
0x200: {  	s3 =	rddreg [dreg:$0x2];
	[bflag:$0x3] =	sbarrier.arrive $0xFFFF;
	s2 =	simm.s32 @!p0 $0x1C03  }
0x201: {  	[timem:s3], [sflag:s2] =	dma.local @!p0 [hbm:s0], s1  }
0x202: {  	s0 =	simm.s32 @!p0 $0x3  }
0x203: {  	_ =	swait.ge @!p0 [sflag:s0], s1  }
0x204: {  	s1 =	ssub.s32 @!p0 $0x0, s1;
	[sflag:s0] =	ssyncset.done @!p0 $0x0  }
0x205: {  	[sflag:s0] =	ssyncadd.s32 @!p0 s1  }
0x206: {  	[bflag:$0x3] =	sbarrier.arrive $0xFFFF  }
0x207: {  	_ =	shalt  }

// kernel: kernel.7.cloned.1.call-start
scs
__scs_entry_jumppad:
0x0: {  	(pc) =	sbr.rel $0x88, $3  }
0x1: {  	(tag) =	ssettag $0x0;
	lr =	simm.s32 $0x1  }
0x2: {  	[smem:$0x3F95] =	sst lr;
	_ =	strace $0xD0000000  }
0x3: {  	_ = 	snop  }
0x4: {  	_ = 	snop  }
0x5: {  	_ = 	snop  }
0x6: {  	_ = 	snop  }
0x7: {  	_ = 	snop  }
__scs_overlays_trampoline_lowered:
0x8: {  	[smem:$0x3FA4] =	sst s0  }
0x9: {  	[smem:$0x3FA5] =	sst s1  }
0xa: {  	[smem:$0x3FA6] =	sst s2  }
0xb: {  	[smem:$0x3FA7] =	sst s3  }
0xc: {  	[smem:$0x3FA8] =	sst s4  }
0xd: {  	[smem:$0x3FA9] =	sst s5  }
0xe: {  	[smem:$0x3FAA] =	sst s6  }
0xf: {  	[smem:$0x3FAB] =	sst s7  }
0x10: {  	[smem:$0x3FAC] =	sst s8  }
0x11: {  	[smem:$0x3FAD] =	sst s9;
	s0 =	simm.s32 @!p0 $0x0  }
0x12: {  	s1 =	sld [smem:$0x3F93];
	s0 =	simm.s32 @p0 $0x1  }
0x13: {  	[smem:$0x3FAE] =	sst s0;
	s0 =	simm.s32 @!p1 $0x0  }
0x14: {  	s2 =	sld [smem:$0x3F92];
	s0 =	simm.s32 @p1 $0x1  }
0x15: {  	[smem:$0x3FAF] =	sst s0;
	s0 =	simm.s32 @!p2 $0x0  }
0x16: {  	s3 =	sld [smem:$0x3FDB];
	s0 =	simm.s32 @p2 $0x1  }
0x17: {  	s4 =	simm.s32 $0x1BF5;
	[smem:$0x3FB1] =	sst s0  }
0x18: {  	s0 =	sld [smem:$0x3F94];
	_ =	swait.ge [sflag:s4], $0x0  }
0x19: {  	s7 =	sld [smem:$0x3F95]  }
0x1a: {  	s8 =	sadd.s32 $0xFFFFE003, lr  }
0x1b: {  	s9 =	sadd.s32 $0xFFFFFEF7, lr;
	s5 =	simm.s32 $0xFFFFFFFF;
	p2 =	slt.u32 s8, $0xFFFFF086  }
0x1c: {  	p1 =	slt.u32 s9, $0xF7A;
	s5 =	simm.s32 @!p2 $0x0  }
0x1d: {  	s5 =	simm.s32 @p1 $0x1;
	p0 =	seq.s32 s7, s2  }
0x1e: {  	s7 =	smul.u32 @!p0 $0xF7A, s2;
	p2 =	seq.s32 @!p0 s5, $0x0  }
0x1f: {  	s9 =	smul.u32 $0xF7A, s1;
	s8 =	simm.s32 @!p0 $0x1BF5;
	p2 =	por !p2, p0  }
0x20: {  	[sflag:s8] =	ssyncset.s32 @!p0 $0xFFFFF086;
	s6 =	sadd.s32 @!p0 s3, s7;
	s7 =	simm.s32 @!p0 $0x108  }
0x21: {  	s3 =	sadd.s32 s3, s9;
	s6 =	sadd.s32 @!p0 $0x88, s6;
	s7 =	simm.s32 @p2 $0x1082  }
0x22: {  	[simem:s7], [sflag:s8] =	dma.local @!p0 [hbm:s6], $0xF7A  }
0x23: {  	s9 =	sor.u32 $0xD0000000, s2;
	s6 =	simm.s32 $0x108;
	_ =	swait.ge @!p0 [sflag:s8], $0x0  }
0x24: {  	s3 =	sadd.s32 $0x88, s3;
	s6 =	simm.s32 @!p1 $0x1082;
	[sflag:s4] =	ssyncset.s32 $0xFFFFF086  }
0x25: {  	[simem:s6], [sflag:s4] =	dma.local [hbm:s3], $0xF7A  }
0x26: {  	[smem:$0x3F95] =	sst s1;
	(tag) =	ssettag s2;
	_ =	strace s9  }
0x27: {  	s1 =	sld [smem:$0x3FA5]  }
0x28: {  	s2 =	sld [smem:$0x3FA6]  }
0x29: {  	s4 =	sld [smem:$0x3FA8]  }
0x2a: {  	p0 =	seq.s32 s5, $0x0;
	s5 =	sld [smem:$0x3FA9]  }
0x2b: {  	s6 =	sld [smem:$0x3FAA]  }
0x2c: {  	s7 =	sld [smem:$0x3FAB]  }
0x2d: {  	s3 =	simm.s32 $0x108;
	s8 =	sld [smem:$0x3FAC]  }
0x2e: {  	s3 =	simm.s32 @!p0 $0x1082;
	s9 =	sld [smem:$0x3FAD]  }
0x2f: {  	lr =	sadd.s32 s0, s3;
	s0 =	sld [smem:$0x3FA4]  }
0x30: {  	s3 =	sld [smem:$0x3FA7]  }
0x31: {  	[smem:$0x3FB0] =	sst s10  }
0x32: {  	s10 =	sld [smem:$0x3FAE];
	_ =	sdelay $0x3  }
0x33: {  	p0 =	seq.s32 s10, $0x1;
	s10 =	sld [smem:$0x3FB0];
	_ =	sdelay $0x3  }
0x34: {  	[smem:$0x3FB0] =	sst s10  }
0x35: {  	s10 =	sld [smem:$0x3FAF];
	_ =	sdelay $0x3  }
0x36: {  	p1 =	seq.s32 s10, $0x1;
	s10 =	sld [smem:$0x3FB0];
	_ =	sdelay $0x3  }
0x37: {  	[smem:$0x3FB0] =	sst s10  }
0x38: {  	s10 =	sld [smem:$0x3FB1]  }
0x39: {  	_ = 	snop;
	(pc) =	sbr.ind lr, $3  }
0x3a: {  	_ = 	snop  }
0x3b: {  	_ = 	snop  }
0x3c: {  	p2 =	seq.s32 s10, $0x1;
	s10 =	sld [smem:$0x3FB0]  }
0x3d: {  	_ =	shalt  }
0x3e: {  	_ =	shalt  }
0x3f: {  	_ =	shalt  }
0x40: {  	_ =	shalt  }
0x41: {  	_ =	shalt  }
0x42: {  	_ =	shalt  }
0x43: {  	_ =	shalt  }
0x44: {  	_ =	shalt  }
0x45: {  	_ =	shalt  }
0x46: {  	_ =	shalt  }
0x47: {  	_ =	shalt  }
0x48: {  	_ =	shalt  }
0x49: {  	_ =	shalt  }
0x4a: {  	_ =	shalt  }
0x4b: {  	_ =	shalt  }
0x4c: {  	_ =	shalt  }
0x4d: {  	_ =	shalt  }
0x4e: {  	_ =	shalt  }
0x4f: {  	_ =	shalt  }
0x50: {  	_ =	shalt  }
0x51: {  	_ =	shalt  }
0x52: {  	_ =	shalt  }
0x53: {  	_ =	shalt  }
0x54: {  	_ =	shalt  }
0x55: {  	_ =	shalt  }
0x56: {  	_ =	shalt  }
0x57: {  	_ =	shalt  }
0x58: {  	_ =	shalt  }
0x59: {  	_ =	shalt  }
0x5a: {  	_ =	shalt  }
0x5b: {  	_ =	shalt  }
0x5c: {  	_ =	shalt  }
0x5d: {  	_ =	shalt  }
0x5e: {  	_ =	shalt  }
0x5f: {  	_ =	shalt  }
0x60: {  	_ =	shalt  }
0x61: {  	_ =	shalt  }
0x62: {  	_ =	shalt  }
0x63: {  	_ =	shalt  }
0x64: {  	_ =	shalt  }
0x65: {  	_ =	shalt  }
0x66: {  	_ =	shalt  }
0x67: {  	_ =	shalt  }
0x68: {  	_ =	shalt  }
0x69: {  	_ =	shalt  }
0x6a: {  	_ =	shalt  }
0x6b: {  	_ =	shalt  }
0x6c: {  	_ =	shalt  }
0x6d: {  	_ =	shalt  }
0x6e: {  	_ =	shalt  }
0x6f: {  	_ =	shalt  }
0x70: {  	_ =	shalt  }
0x71: {  	_ =	shalt  }
0x72: {  	_ =	shalt  }
0x73: {  	_ =	shalt  }
0x74: {  	_ =	shalt  }
0x75: {  	_ =	shalt  }
0x76: {  	_ =	shalt  }
0x77: {  	_ =	shalt  }
0x78: {  	_ =	shalt  }
0x79: {  	_ =	shalt  }
0x7a: {  	_ =	shalt  }
0x7b: {  	_ =	shalt  }
0x7c: {  	_ =	shalt  }
0x7d: {  	_ =	shalt  }
0x7e: {  	_ =	shalt  }
0x7f: {  	_ =	shalt  }
0x80: {  	_ =	shalt  }
0x81: {  	_ =	shalt  }
0x82: {  	_ =	shalt  }
0x83: {  	_ =	shalt  }
0x84: {  	_ =	shalt  }
0x85: {  	_ =	shalt  }
0x86: {  	_ =	shalt  }
0x87: {  	_ =	shalt  }
.Lfunc_end0:
.L_simem_size_0:
called_computation_lowered:
.L_overlay_start_0:
0x88: {  	s2 =	sld [smem:$0x3FD9]  }
0x89: {  	s3 =	sld [smem:$0x3FFE];
	_ =	sdelay $0x1  }
0x8a: {  	s1 =	srdreg.scid  }
0x8b: {  	s0 =	sand.u32 $0x1, s1  }
0x8c: {  	s17 =	sshll.u32 s0, $0xA;
	s2 =	sadd.s32 s3, s2  }
0x8d: {  	s2 =	sadd.s32 s2, s17  }
0x8e: {  	[smem:$0x3FBC] =	sst s2  }
0x8f: {  	_ = 	snop  }
0x90: {  	s2 =	sld [smem:$0x3FD0];
	(tm) =	ssettm $0x1  }
0x91: {  	s18 =	sld [smem:$0x3FFB];
	_ =	sdelay $0x3  }
0x92: {  	_ =	strace s18  }
0x93: {  	s3 =	sld [smem:$0x3FFC];
	_ =	sdelay $0x3  }
0x94: {  	_ =	strace s3  }
0x95: {  	s3 =	sld [smem:$0x3FFD];
	_ =	sdelay $0x3  }
0x96: {  	_ =	strace s3  }
0x97: {  	_ =	strace $0x8FFFFFFF  }
0x98: {  	s19 =	sld [smem:$0x3FDB];
	_ =	sdelay $0x1  }
0x99: {  	s4 =	simm.s32 $_scs_section_size  }
0x9a: {  	s5 =	simm.s32 $_size__tile_overlayer_lowered;
	s6 =	simm.s32 $_tile_overlayer_lowered  }
0x9b: {  	s22 =	simm.s32 $0x1BFF;
	s21 =	sshll.u32 s6, $0x1;
	s3 =	sadd.s32 s4, s19  }
0x9c: {  	s7 =	simm.s32 $0x0;
	s20 =	sshll.u32 s5, $0x1;
	s5 =	sadd.s32 s21, s3  }
0x9d: {  	[timem:s7], [sflag:s22] =	dma.local [hbm:s5], s20  }
0x9e: {  	_ =	swait.ge [sflag:s22], s20  }
0x9f: {  	s4 =	ssub.s32 $0x0, s20;
	[sflag:s22] =	ssyncset.done $0x0  }
0xa0: {  	[sflag:s22] =	ssyncadd.s32 s4;
	_ =	sdelay $0x1  }
0xa1: {  	s23 =	simm.s32 $0x1B8B  }
0xa2: {  	_ =	swait.ge [sflag:s23], $0x1  }
0xa3: {  	[sflag:s23] =	ssyncset.done $0x0  }
0xa4: {  	s25 =	simm.s32 $0x1B8E;
	s24 =	sld [smem:$0x3FFE];
	[sflag:s23] =	ssyncadd.s32 $0xFFFFFFFF  }
0xa5: {  	s26 =	simm.s32 $execute0_lowered;
	[smem:$0x3FD2] =	sst s25  }
0xa6: {  	s5 =	sshll.u32 s26, $0x1;
	_ =	strace $0x80000046;
	[dreg:$0x1] =	wrdreg $0xFFFFFFFF  }
0xa7: {  	s28 =	simm.s32 $_size_execute0_lowered;
	s3 =	sadd.s32 s3, s5;
	[dreg:$0x0] =	wrdreg $0x0  }
0xa8: {  	s5 =	sshll.u32 s28, $0x1;
	[dreg:$0x2] =	wrdreg s3  }
0xa9: {  	[dreg:$0x3] =	wrdreg s5  }
0xaa: {  	[dreg:$0x4] =	wrdreg $0xC0  }
0xab: {  	_ =	task [dreg:s7], $0x5FFFF  }
0xac: {  	[dreg:$0x1] =	wrdreg $0xFFFFFFFF  }
0xad: {  	[dreg:$0x0] =	wrdreg $0x60  }
0xae: {  	[dreg:$0x2] =	wrdreg s24  }
0xaf: {  	[dreg:$0x3] =	wrdreg s2  }
0xb0: {  	[dreg:$0x4] =	wrdreg $0x145000  }
0xb1: {  	[dreg:$0x5] =	wrdreg $0x9  }
0xb2: {  	_ =	task.clear_ibuf [dreg:s7], $0x6FFFF;
	_ =	strace $0x90000046  }
0xb3: {  	s29 =	simm.s32 $0x9;
	_ =	strace $0x80000048  }
0xb4: {  	_ =	swait.ge [sflag:s29], $0x1  }
0xb5: {  	[sflag:s29] =	ssyncadd.s32 $0xFFFFFFFF  }
0xb6: {  	_ =	strace $0x90000048  }
0xb7: {  	_ =	sfence  }
0xb8: {  	s30 =	sld [smem:$0x0];
	_ =	sdelay $0x2  }
0xb9: {  	s31 =	sshll.u32 s1, $0xD;
	s1 =	sshrl.u32 s1, $0x2  }
0xba: {  	s3 =	sand.u32 $0x4000, s31;
	s1 =	sadd.s32 s1, s30  }
0xbb: {  	s0 =	sor.u32 s3, s0;
	s1 =	sshll.u32 s1, $0x11  }
0xbc: {  	s0 =	sor.u32 s1, s0  }
0xbd: {  	s0 =	sadd.s32 $0x8F2B, s0  }
0xbe: {  	[sflag:s0] =	ssyncadd.remote.s32 $0x1  }
0xbf: {  	_ =	sfence.sel $0xFFFF  }
0xc0: {  	[dreg:$0x0] =	wrdreg $0xFFFFFFFF;
	(pc) =	sbr.abs _section_cstart, $3  }
0xc1: {  	[dreg:$0x1] =	wrdreg $0xFFFFFFFF  }
0xc2: {  	_ =	task.clear_ibuf [dreg:s7], $0x2FFFF;
	_ =	strace $0x9FFFFFFF  }
0xc3: {  	(tm) =	ssettm $0x7FFFFFFF  }
tec
execute0_lowered:
.L_overlay_start_1:
0x0: {  	(tag) =	ssettag $0x1  }
0x1: {  	s3 =	rddreg [dreg:$0x0]  }
0x2: {  	s4 =	rddreg [dreg:$0x1]  }
0x3: {  	s0 =	srdreg.scid;
	s2 =	rddreg [dreg:$0x2]  }
0x4: {  	s30 =	stileid.u32;
	s23 =	rddreg [dreg:$0x3];
	s22 =	simm.s32 $0x0  }
0x5: {  	s28 =	simm.s32 $0x100;
	s1 =	simm.s32 $0x200;
	s11 =	simm.s32 $0x500  }
0x6: {  	s12 =	simm.s32 $0x580;
	[smem:$0x7FF] =	sst s22;
	s9 =	sadd.s32 $0x12E00, s3  }
0x7: {  	s13 =	simm.s32 $0x600;
	_ =	strace $0x80000047;
	[dreg:$0x4] =	wrdreg s9  }
0x8: {  	s5 =	sand.u32 $0x1, s0;
	s0 =	simm.s32 $0x180;
	[dreg:$0x9] =	wrdreg s28  }
0x9: {  	s15 =	simm.s32 $0x700;
	s16 =	simm.s32 $0x780;
	[dreg:$0xa] =	wrdreg s0  }
0xa: {  	s17 =	simm.s32 $0x800;
	s18 =	simm.s32 $0x880;
	[dreg:$0xb] =	wrdreg s1  }
0xb: {  	s19 =	simm.s32 $0x900;
	s20 =	simm.s32 $0x980;
	[dreg:$0x11] =	wrdreg s11  }
0xc: {  	p1 =	por $0x0, $0x0;
	s14 =	sadd.s32 $0x4200, s3;
	[dreg:$0x12] =	wrdreg s12  }
0xd: {  	s7 =	smul.u32 $0x7680, s30;
	p0 =	seq.s32 s30, $0xF;
	[dreg:$0x13] =	wrdreg s13  }
0xe: {  	s6 =	sshll.u32 s5, $0x4;
	s10 =	smul.u32 $0x75300, s5;
	[dreg:$0x14] =	wrdreg s15  }
0xf: {  	s5 =	ssub.s32 $0x2, s5;
	s9 =	simm.s32 $0x400;
	[dreg:$0x15] =	wrdreg s16  }
0x10: {  	s11 =	simm.s32 $0x5500;
	s12 =	simm.s32 $0x6D00;
	[dreg:$0x16] =	wrdreg s17  }
0x11: {  	s13 =	simm.s32 $0x8500;
	s15 =	simm.s32 $0x9D00;
	[dreg:$0x17] =	wrdreg s18  }
0x12: {  	s16 =	simm.s32 $0xB500;
	s17 =	simm.s32 $0xCD00;
	[dreg:$0x18] =	wrdreg s19  }
0x13: {  	s18 =	simm.s32 $0xE500;
	[dreg:$0x19] =	wrdreg s20;
	s19 =	simm.s32 $0xFD00  }
0x14: {  	s20 =	simm.s32 $0x11500;
	s28 =	simm.s32 $0xB00;
	[dreg:$0xf] =	wrdreg s9  }
0x15: {  	s0 =	simm.s32 $0xB80;
	s1 =	simm.s32 $0xC00;
	[dreg:$0x1c] =	wrdreg s28  }
0x16: {  	s6 =	sor.u32 s30, s6;
	s26 =	sshrl.u32 s5, $0x1;
	[dreg:$0x1d] =	wrdreg s0  }
0x17: {  	s9 =	simm.s32 $0x2500;
	[dreg:$0x1e] =	wrdreg s1;
	s28 =	simm.s32 $0xC80  }
0x18: {  	s6 =	smul.u32 $0xD0, s6;
	s21 =	sadd.s32 s7, s10;
	s5 =	ssub.s32 s5, s26  }
0x19: {  	s26 =	sadd.s32 s7, s2;
	s7 =	simm.s32 $0x300;
	[dreg:$0x1f] =	wrdreg s28  }
0x1a: {  	s25 =	sshrl.u32 s10, $0x3;
	s10 =	simm.s32 $0x480;
	[dreg:$0xd] =	wrdreg s7  }
0x1b: {  	s5 =	smax.u32 s5, $0x1;
	s7 =	simm.s32 $0x680;
	[dreg:$0x10] =	wrdreg s10  }
0x1c: {  	s10 =	simm.s32 $0x3D00;
	s8 =	sadd.s32 s6, s3;
	s3 =	sadd.s32 $0x13E00, s3  }
0x1d: {  	s4 =	sadd.s32 s4, s6;
	s6 =	simm.s32 $0x280;
	s31 =	sadd.s32 $0xFFFFFFFF, s5  }
0x1e: {  	[dreg:$0x5] =	wrdreg s4;
	s24 =	sadd.s32 $0x2800, s8;
	s4 =	sshrl.u32 s21, $0x3  }
0x1f: {  	[dreg:$0xc] =	wrdreg s6;
	s8 =	simm.s32 $0x380;
	s21 =	simm.s32 $0xA00  }
0x20: {  	s6 =	simm.s32 $0x2;
	p2 =	sne.s32 s31, $0x0;
	[dreg:$0x6] =	wrdreg s24  }
0x21: {  	s4 =	sadd.s32 s3, s4;
	s3 =	sadd.s32 s3, s25;
	[dreg:$0xe] =	wrdreg s8  }
.Ltmp0:
0x22: {  	s24 =	simm.s32 $0x3;
	[dreg:$0x1a] =	wrdreg s21;
	(pc) =	sbr.rel @!p2 .LBB2_5-.Ltmp0, $4  }
0x23: {  	s8 =	simm.s32 $0xD00;
	s25 =	simm.s32 $0xA80;
	[dreg:$0x7] =	wrdreg s4  }
0x24: {  	s21 =	simm.s32 $0x12D00;
	s3 =	sadd.s32 $0xDE30, s3;
	[dreg:$0x1b] =	wrdreg s25  }
0x25: {  	s4 =	sadd.s32 $0x6F180, s2;
	s25 =	simm.s32 $0x1;
	[dreg:$0x8] =	wrdreg s3  }
0x26: {  	s3 =	simm.s32 $0x80;
	s5 =	sshrl.u32 @p0 s4, $0x3;
	s4 =	sshrl.u32 @!p0 s26, $0x3  }
0x27: {  	s1 =	rddreg [dreg:$0x5]  }
0x28: {  	[tilespmem:s22], [sflag:$0x3] =	stream.linear.gather [hbm4b:s1+s22], $0x680, $0x38;
	[tilespmem:$0x1BB80] =	vst v63  }
0x29: {  	_ =	swait.ge [sflag:s24], $0x680  }
0x2a: {  	[sflag:s24] =	ssyncset.done $0x0  }
0x2b: {  	s23 =	rddreg [dreg:$0x6];
	[sflag:s24] =	ssyncadd.s32 $0xFFFFF980  }
0x2c: {  	[tilespmem:s7], [sflag:$0x3] =	stream.linear.gather [hbm4b:s23+s22], $0x680, $0x38;
	[tilespmem:$0x1BB80] =	vst v63  }
0x2d: {  	_ =	swait.ge [sflag:s24], $0x680  }
0x2e: {  	[sflag:s24] =	ssyncset.done $0x0  }
0x2f: {  	[sflag:s24] =	ssyncadd.s32 $0xFFFFF980  }
0x30: {  	[tilespmem:s8], [sflag:$0x1] =	stream.indirect.gather [hbm4b:s14+s3], $0x30, s22, s3, $0xb8;
	[tilespmem:$0x1BB80] =	vst v63  }
0x31: {  	s1 =	rddreg [dreg:$0x9]  }
0x32: {  	[tilespmem:s9], [sflag:$0x1] =	stream.indirect.gather [hbm4b:s14+s3], $0x30, s3, s3, $0xb8;
	[tilespmem:$0x1BB80] =	vst v63  }
0x33: {  	s28 =	rddreg [dreg:$0xa]  }
0x34: {  	[tilespmem:s10], [sflag:$0x1] =	stream.indirect.gather [hbm4b:s14+s3], $0x30, s1, s3, $0xb8;
	[tilespmem:$0x1BB80] =	vst v63  }
0x35: {  	s23 =	rddreg [dreg:$0xb]  }
0x36: {  	[tilespmem:s11], [sflag:$0x1] =	stream.indirect.gather [hbm4b:s14+s3], $0x30, s28, s3, $0xb8;
	[tilespmem:$0x1BB80] =	vst v63  }
0x37: {  	s29 =	rddreg [dreg:$0x4]  }
0x38: {  	[tilespmem:s12], [sflag:$0x1] =	stream.indirect.gather [hbm4b:s14+s3], $0x30, s23, s3, $0xb8;
	[tilespmem:$0x1BB80] =	vst v63  }
0x39: {  	s28 =	rddreg [dreg:$0xc]  }
0x3a: {  	[tilespmem:s13], [sflag:$0x1] =	stream.indirect.gather [hbm4b:s14+s3], $0x30, s28, s3, $0xb8;
	[tilespmem:$0x1BB80] =	vst v63  }
0x3b: {  	s1 =	rddreg [dreg:$0xd]  }
0x3c: {  	[tilespmem:s15], [sflag:$0x1] =	stream.indirect.gather [hbm4b:s14+s3], $0x30, s1, s3, $0xb8;
	[tilespmem:$0x1BB80] =	vst v63  }
0x3d: {  	s28 =	rddreg [dreg:$0xe]  }
0x3e: {  	[tilespmem:s16], [sflag:$0x1] =	stream.indirect.gather [hbm4b:s14+s3], $0x30, s28, s3, $0xb8;
	[tilespmem:$0x1BB80] =	vst v63  }
0x3f: {  	s23 =	rddreg [dreg:$0xf]  }
0x40: {  	[tilespmem:s17], [sflag:$0x1] =	stream.indirect.gather [hbm4b:s14+s3], $0x30, s23, s3, $0xb8;
	[tilespmem:$0x1BB80] =	vst v63  }
0x41: {  	s28 =	rddreg [dreg:$0x10]  }
0x42: {  	[tilespmem:s18], [sflag:$0x1] =	stream.indirect.gather [hbm4b:s14+s3], $0x30, s28, s3, $0xb8;
	[tilespmem:$0x1BB80] =	vst v63  }
0x43: {  	s1 =	rddreg [dreg:$0x11]  }
0x44: {  	[tilespmem:s19], [sflag:$0x1] =	stream.indirect.gather [hbm4b:s14+s3], $0x30, s1, s3, $0xb8;
	[tilespmem:$0x1BB80] =	vst v63  }
0x45: {  	s0 =	smov.u32 s26;
	s28 =	rddreg [dreg:$0x12]  }
0x46: {  	[tilespmem:s20], [sflag:$0x1] =	stream.indirect.gather [hbm4b:s14+s3], $0x30, s28, s3, $0xb8;
	[tilespmem:$0x1BB80] =	vst v63  }
0x47: {  	[smem:$0x7FD] =	sst s0;
	s28 =	sshll.u32 s30, $0x6  }
0x48: {  	s26 =	sshrl.u32 s0, $0x3;
	s23 =	rddreg [dreg:$0x13];
	s28 =	sor.u32 $0x1C03, s28  }
0x49: {  	[tilespmem:s21], [sflag:$0x1] =	stream.indirect.gather [hbm4b:s14+s3], $0x30, s23, s3, $0xb8;
	[tilespmem:$0x1BB80] =	vst v63  }
0x4a: {  	[spmem:s26], [sflag:s28] =	dma.local [hbm:s29], $0xED0  }
0x4b: {  	_ =	swait.ge [sflag:s24], $0xED0  }
0x4c: {  	[sflag:s24] =	ssyncset.done $0x0  }
0x4d: {  	[sflag:s24] =	ssyncadd.s32 $0xFFFFF130  }
0x4e: {  	[bflag:$0x0] =	sbarrier.arrive $0xFFFF  }
0x4f: {  	_ =	swait.ge [sflag:s25], $0x1800  }
0x50: {  	[sflag:s25] =	ssyncset.done $0x0  }
0x51: {  	[sflag:s25] =	ssyncadd.s32 $0xFFFFE800  }
0x52: {  	_ =	swait.ge [sflag:s25], $0x1800  }
0x53: {  	[sflag:s25] =	ssyncset.done $0x0  }
0x54: {  	[sflag:s25] =	ssyncadd.s32 $0xFFFFE800  }
0x55: {  	_ =	swait.ge [sflag:s25], $0x1800  }
0x56: {  	[sflag:s25] =	ssyncset.done $0x0  }
0x57: {  	[sflag:s25] =	ssyncadd.s32 $0xFFFFE800  }
0x58: {  	_ =	swait.ge [sflag:s25], $0x1800  }
0x59: {  	[sflag:s25] =	ssyncset.done $0x0  }
0x5a: {  	[sflag:s25] =	ssyncadd.s32 $0xFFFFE800  }
0x5b: {  	_ =	swait.ge [sflag:s25], $0x1800  }
0x5c: {  	[sflag:s25] =	ssyncset.done $0x0  }
0x5d: {  	[sflag:s25] =	ssyncadd.s32 $0xFFFFE800  }
0x5e: {  	_ =	swait.ge [sflag:s25], $0x1800  }
0x5f: {  	[sflag:s25] =	ssyncset.done $0x0  }
0x60: {  	[sflag:s25] =	ssyncadd.s32 $0xFFFFE800  }
0x61: {  	_ =	swait.ge [sflag:s25], $0x1800  }
0x62: {  	[sflag:s25] =	ssyncset.done $0x0  }
0x63: {  	[sflag:s25] =	ssyncadd.s32 $0xFFFFE800  }
0x64: {  	_ =	swait.ge [sflag:s25], $0x1800  }
0x65: {  	[sflag:s25] =	ssyncset.done $0x0  }
0x66: {  	[sflag:s25] =	ssyncadd.s32 $0xFFFFE800  }
0x67: {  	_ =	swait.ge [sflag:s25], $0x1800  }
0x68: {  	[sflag:s25] =	ssyncset.done $0x0  }
0x69: {  	[sflag:s25] =	ssyncadd.s32 $0xFFFFE800  }
0x6a: {  	_ =	swait.ge [sflag:s25], $0x1800  }
0x6b: {  	[sflag:s25] =	ssyncset.done $0x0  }
0x6c: {  	[sflag:s25] =	ssyncadd.s32 $0xFFFFE800  }
0x6d: {  	_ =	swait.ge [sflag:s25], $0x1800  }
0x6e: {  	[sflag:s25] =	ssyncset.done $0x0  }
0x6f: {  	[sflag:s25] =	ssyncadd.s32 $0xFFFFE800  }
0x70: {  	_ =	swait.ge [sflag:s25], $0x1800  }
0x71: {  	[sflag:s25] =	ssyncset.done $0x0  }
0x72: {  	[sflag:s25] =	ssyncadd.s32 $0xFFFFE800  }
0x73: {  	_ =	swait.ge [sflag:s25], $0x1800  }
0x74: {  	[sflag:s25] =	ssyncset.done $0x0  }
0x75: {  	[sflag:s25] =	ssyncadd.s32 $0xFFFFE800  }
0x76: {  	[spmem:s2] =	stream.indirect.scatter.add.f32 [tilespmem:s8], [sflag:$0x2], $0x30, s7, s3, $0xb8;
	[tilespmem:$0x1BB80] =	vst v63  }
0x77: {  	s29 =	rddreg [dreg:$0x14]  }
0x78: {  	[spmem:s2] =	stream.indirect.scatter.add.f32 [tilespmem:s9], [sflag:$0x2], $0x30, s29, s3, $0xb8;
	[tilespmem:$0x1BB80] =	vst v63  }
0x79: {  	s30 =	rddreg [dreg:$0x15]  }
0x7a: {  	[spmem:s2] =	stream.indirect.scatter.add.f32 [tilespmem:s10], [sflag:$0x2], $0x30, s30, s3, $0xb8;
	[tilespmem:$0x1BB80] =	vst v63  }
0x7b: {  	s29 =	rddreg [dreg:$0x16]  }
0x7c: {  	[spmem:s2] =	stream.indirect.scatter.add.f32 [tilespmem:s11], [sflag:$0x2], $0x30, s29, s3, $0xb8;
	[tilespmem:$0x1BB80] =	vst v63  }
0x7d: {  	s30 =	rddreg [dreg:$0x17]  }
0x7e: {  	[spmem:s2] =	stream.indirect.scatter.add.f32 [tilespmem:s12], [sflag:$0x2], $0x30, s30, s3, $0xb8;
	[tilespmem:$0x1BB80] =	vst v63  }
0x7f: {  	s29 =	rddreg [dreg:$0x18]  }
0x80: {  	[spmem:s2] =	stream.indirect.scatter.add.f32 [tilespmem:s13], [sflag:$0x2], $0x30, s29, s3, $0xb8;
	[tilespmem:$0x1BB80] =	vst v63  }
0x81: {  	s30 =	rddreg [dreg:$0x19]  }
0x82: {  	[spmem:s2] =	stream.indirect.scatter.add.f32 [tilespmem:s15], [sflag:$0x2], $0x30, s30, s3, $0xb8;
	[tilespmem:$0x1BB80] =	vst v63  }
0x83: {  	s29 =	rddreg [dreg:$0x1a]  }
0x84: {  	[spmem:s2] =	stream.indirect.scatter.add.f32 [tilespmem:s16], [sflag:$0x2], $0x30, s29, s3, $0xb8;
	[tilespmem:$0x1BB80] =	vst v63  }
0x85: {  	s30 =	rddreg [dreg:$0x1b]  }
0x86: {  	[spmem:s2] =	stream.indirect.scatter.add.f32 [tilespmem:s17], [sflag:$0x2], $0x30, s30, s3, $0xb8;
	[tilespmem:$0x1BB80] =	vst v63  }
0x87: {  	s29 =	rddreg [dreg:$0x1c]  }
0x88: {  	[spmem:s2] =	stream.indirect.scatter.add.f32 [tilespmem:s18], [sflag:$0x2], $0x30, s29, s3, $0xb8;
	[tilespmem:$0x1BB80] =	vst v63  }
0x89: {  	s30 =	rddreg [dreg:$0x1d]  }
0x8a: {  	[spmem:s2] =	stream.indirect.scatter.add.f32 [tilespmem:s19], [sflag:$0x2], $0x30, s30, s3, $0xb8;
	[tilespmem:$0x1BB80] =	vst v63  }
0x8b: {  	s29 =	rddreg [dreg:$0x1e]  }
0x8c: {  	[spmem:s2] =	stream.indirect.scatter.add.f32 [tilespmem:s20], [sflag:$0x2], $0x30, s29, s3, $0xb8;
	[tilespmem:$0x1BB80] =	vst v63  }
0x8d: {  	s30 =	rddreg [dreg:$0x1f]  }
0x8e: {  	[spmem:s2] =	stream.indirect.scatter.add.f32 [tilespmem:s21], [sflag:$0x2], $0x30, s30, s3, $0xb8;
	[tilespmem:$0x1BB80] =	vst v63  }
0x8f: {  	_ =	swait.ge [sflag:s6], $0x1800  }
0x90: {  	[sflag:s6] =	ssyncset.done $0x0  }
0x91: {  	[sflag:s6] =	ssyncadd.s32 $0xFFFFE800  }
0x92: {  	_ =	swait.ge [sflag:s6], $0x1800  }
0x93: {  	[sflag:s6] =	ssyncset.done $0x0  }
0x94: {  	[sflag:s6] =	ssyncadd.s32 $0xFFFFE800  }
0x95: {  	_ =	swait.ge [sflag:s6], $0x1800  }
0x96: {  	[sflag:s6] =	ssyncset.done $0x0  }
0x97: {  	[sflag:s6] =	ssyncadd.s32 $0xFFFFE800  }
0x98: {  	_ =	swait.ge [sflag:s6], $0x1800  }
0x99: {  	[sflag:s6] =	ssyncset.done $0x0  }
0x9a: {  	[sflag:s6] =	ssyncadd.s32 $0xFFFFE800  }
0x9b: {  	_ =	swait.ge [sflag:s6], $0x1800  }
0x9c: {  	[sflag:s6] =	ssyncset.done $0x0  }
0x9d: {  	[sflag:s6] =	ssyncadd.s32 $0xFFFFE800  }
0x9e: {  	_ =	swait.ge [sflag:s6], $0x1800  }
0x9f: {  	[sflag:s6] =	ssyncset.done $0x0  }
0xa0: {  	[sflag:s6] =	ssyncadd.s32 $0xFFFFE800  }
0xa1: {  	_ =	swait.ge [sflag:s6], $0x1800  }
0xa2: {  	[sflag:s6] =	ssyncset.done $0x0  }
0xa3: {  	[sflag:s6] =	ssyncadd.s32 $0xFFFFE800  }
0xa4: {  	_ =	swait.ge [sflag:s6], $0x1800  }
0xa5: {  	[sflag:s6] =	ssyncset.done $0x0  }
0xa6: {  	[sflag:s6] =	ssyncadd.s32 $0xFFFFE800  }
0xa7: {  	_ =	swait.ge [sflag:s6], $0x1800  }
0xa8: {  	[sflag:s6] =	ssyncset.done $0x0  }
0xa9: {  	[sflag:s6] =	ssyncadd.s32 $0xFFFFE800  }
0xaa: {  	_ =	swait.ge [sflag:s6], $0x1800  }
0xab: {  	[sflag:s6] =	ssyncset.done $0x0  }
0xac: {  	[sflag:s6] =	ssyncadd.s32 $0xFFFFE800  }
0xad: {  	_ =	swait.ge [sflag:s6], $0x1800  }
0xae: {  	[sflag:s6] =	ssyncset.done $0x0  }
0xaf: {  	[sflag:s6] =	ssyncadd.s32 $0xFFFFE800  }
0xb0: {  	_ =	swait.ge [sflag:s6], $0x1800  }
0xb1: {  	[sflag:s6] =	ssyncset.done $0x0  }
0xb2: {  	[sflag:s6] =	ssyncadd.s32 $0xFFFFE800  }
0xb3: {  	_ =	swait.ge [sflag:s6], $0x1800  }
0xb4: {  	[sflag:s6] =	ssyncset.done $0x0  }
0xb5: {  	[sflag:s6] =	ssyncadd.s32 $0xFFFFE800  }
0xb6: {  	[bflag:$0x0] =	sbarrier.arrive $0xFFFF  }
0xb7: {  	s31 =	sadd.s32 $0xFFFFFFFF, s31;
	s30 =	simm.s32 @p0 $0x3;
	s29 =	rddreg [dreg:$0x8]  }
0xb8: {  	[hbm:s29], [sflag:s28] =	dma.local @p0 [spmem:s5], $0xC30  }
0xb9: {  	p2 =	sne.s32 s31, $0x0;
	_ =	swait.ge @p0 [sflag:s30], $0xC30  }
.Ltmp1:
0xba: {  	[sflag:s30] =	ssyncset.done @p0 $0x0;
	(pc) =	sbr.rel @!p2 .LBB2_2-.Ltmp1, $4  }
0xbb: {  	s29 =	rddreg [dreg:$0x7];
	[sflag:s30] =	ssyncadd.s32 @p0 $0xFFFFF3D0  }
0xbc: {  	[hbm:s29], [sflag:s28] =	dma.local @!p0 [spmem:s4], $0xED0  }
0xbd: {  	s29 =	simm.s32 @!p0 $0x3  }
0xbe: {  	p1 =	por $0x1, $0x1;
	_ =	swait.ge @!p0 [sflag:s29], $0xED0  }
.LBB2_3:
0xbf: {  	[sflag:s29] =	ssyncset.done @!p0 $0x0  }
0xc0: {  	s0 =	rddreg [dreg:$0x5];
	[sflag:s29] =	ssyncadd.s32 @!p0 $0xFFFFF130  }
0xc1: {  	[tilespmem:s22], [sflag:$0x3] =	stream.linear.gather [hbm4b:s0+s22], $0x680, $0x38;
	[tilespmem:$0x1BB80] =	vst v63  }
0xc2: {  	_ =	swait.ge [sflag:s24], $0x680  }
0xc3: {  	[sflag:s24] =	ssyncset.done $0x0  }
0xc4: {  	s23 =	rddreg [dreg:$0x6];
	[sflag:s24] =	ssyncadd.s32 $0xFFFFF980  }
0xc5: {  	[tilespmem:s7], [sflag:$0x3] =	stream.linear.gather [hbm4b:s23+s22], $0x680, $0x38;
	[tilespmem:$0x1BB80] =	vst v63  }
0xc6: {  	_ =	swait.ge [sflag:s24], $0x680  }
0xc7: {  	[sflag:s24] =	ssyncset.done $0x0  }
0xc8: {  	[sflag:s24] =	ssyncadd.s32 $0xFFFFF980  }
0xc9: {  	[tilespmem:s8], [sflag:$0x1] =	stream.indirect.gather [hbm4b:s14+s3], $0x30, s22, s3, $0xb8;
	[tilespmem:$0x1BB80] =	vst v63  }
0xca: {  	s0 =	rddreg [dreg:$0x4]  }
0xcb: {  	[tilespmem:s9], [sflag:$0x1] =	stream.indirect.gather [hbm4b:s14+s3], $0x30, s3, s3, $0xb8;
	[tilespmem:$0x1BB80] =	vst v63  }
0xcc: {  	s1 =	rddreg [dreg:$0x9]  }
0xcd: {  	[tilespmem:s10], [sflag:$0x1] =	stream.indirect.gather [hbm4b:s14+s3], $0x30, s1, s3, $0xb8;
	[tilespmem:$0x1BB80] =	vst v63  }
0xce: {  	s23 =	rddreg [dreg:$0xa]  }
0xcf: {  	[tilespmem:s11], [sflag:$0x1] =	stream.indirect.gather [hbm4b:s14+s3], $0x30, s23, s3, $0xb8;
	[tilespmem:$0x1BB80] =	vst v63  }
0xd0: {  	s1 =	rddreg [dreg:$0xb]  }
0xd1: {  	[tilespmem:s12], [sflag:$0x1] =	stream.indirect.gather [hbm4b:s14+s3], $0x30, s1, s3, $0xb8;
	[tilespmem:$0x1BB80] =	vst v63  }
0xd2: {  	s23 =	rddreg [dreg:$0xc]  }
0xd3: {  	[tilespmem:s13], [sflag:$0x1] =	stream.indirect.gather [hbm4b:s14+s3], $0x30, s23, s3, $0xb8;
	[tilespmem:$0x1BB80] =	vst v63  }
0xd4: {  	s1 =	rddreg [dreg:$0xd]  }
0xd5: {  	[tilespmem:s15], [sflag:$0x1] =	stream.indirect.gather [hbm4b:s14+s3], $0x30, s1, s3, $0xb8;
	[tilespmem:$0x1BB80] =	vst v63  }
0xd6: {  	s23 =	rddreg [dreg:$0xe]  }
0xd7: {  	[tilespmem:s16], [sflag:$0x1] =	stream.indirect.gather [hbm4b:s14+s3], $0x30, s23, s3, $0xb8;
	[tilespmem:$0x1BB80] =	vst v63  }
0xd8: {  	s1 =	rddreg [dreg:$0xf]  }
0xd9: {  	[tilespmem:s17], [sflag:$0x1] =	stream.indirect.gather [hbm4b:s14+s3], $0x30, s1, s3, $0xb8;
	[tilespmem:$0x1BB80] =	vst v63  }
0xda: {  	s23 =	rddreg [dreg:$0x10]  }
0xdb: {  	[tilespmem:s18], [sflag:$0x1] =	stream.indirect.gather [hbm4b:s14+s3], $0x30, s23, s3, $0xb8;
	[tilespmem:$0x1BB80] =	vst v63  }
0xdc: {  	s1 =	rddreg [dreg:$0x11]  }
0xdd: {  	[tilespmem:s19], [sflag:$0x1] =	stream.indirect.gather [hbm4b:s14+s3], $0x30, s1, s3, $0xb8;
	[tilespmem:$0x1BB80] =	vst v63  }
0xde: {  	s23 =	rddreg [dreg:$0x12]  }
0xdf: {  	[tilespmem:s20], [sflag:$0x1] =	stream.indirect.gather [hbm4b:s14+s3], $0x30, s23, s3, $0xb8;
	[tilespmem:$0x1BB80] =	vst v63  }
0xe0: {  	s1 =	rddreg [dreg:$0x13]  }
0xe1: {  	[tilespmem:s21], [sflag:$0x1] =	stream.indirect.gather [hbm4b:s14+s3], $0x30, s1, s3, $0xb8;
	[tilespmem:$0x1BB80] =	vst v63  }
0xe2: {  	[spmem:s26], [sflag:s28] =	dma.local [hbm:s0], $0xED0  }
0xe3: {  	_ =	swait.ge [sflag:s24], $0xED0  }
0xe4: {  	[sflag:s24] =	ssyncset.done $0x0  }
0xe5: {  	[sflag:s24] =	ssyncadd.s32 $0xFFFFF130  }
0xe6: {  	[bflag:$0x0] =	sbarrier.arrive $0xFFFF  }
0xe7: {  	_ =	swait.ge [sflag:s25], $0x1800  }
0xe8: {  	[sflag:s25] =	ssyncset.done $0x0  }
0xe9: {  	[sflag:s25] =	ssyncadd.s32 $0xFFFFE800  }
0xea: {  	_ =	swait.ge [sflag:s25], $0x1800  }
0xeb: {  	[sflag:s25] =	ssyncset.done $0x0  }
0xec: {  	[sflag:s25] =	ssyncadd.s32 $0xFFFFE800  }
0xed: {  	_ =	swait.ge [sflag:s25], $0x1800  }
0xee: {  	[sflag:s25] =	ssyncset.done $0x0  }
0xef: {  	[sflag:s25] =	ssyncadd.s32 $0xFFFFE800  }
0xf0: {  	_ =	swait.ge [sflag:s25], $0x1800  }
0xf1: {  	[sflag:s25] =	ssyncset.done $0x0  }
0xf2: {  	[sflag:s25] =	ssyncadd.s32 $0xFFFFE800  }
0xf3: {  	_ =	swait.ge [sflag:s25], $0x1800  }
0xf4: {  	[sflag:s25] =	ssyncset.done $0x0  }
0xf5: {  	[sflag:s25] =	ssyncadd.s32 $0xFFFFE800  }
0xf6: {  	_ =	swait.ge [sflag:s25], $0x1800  }
0xf7: {  	[sflag:s25] =	ssyncset.done $0x0  }
0xf8: {  	[sflag:s25] =	ssyncadd.s32 $0xFFFFE800  }
0xf9: {  	_ =	swait.ge [sflag:s25], $0x1800  }
0xfa: {  	[sflag:s25] =	ssyncset.done $0x0  }
0xfb: {  	[sflag:s25] =	ssyncadd.s32 $0xFFFFE800  }
0xfc: {  	_ =	swait.ge [sflag:s25], $0x1800  }
0xfd: {  	[sflag:s25] =	ssyncset.done $0x0  }
0xfe: {  	[sflag:s25] =	ssyncadd.s32 $0xFFFFE800  }
0xff: {  	_ =	swait.ge [sflag:s25], $0x1800  }
0x100: {  	[sflag:s25] =	ssyncset.done $0x0  }
0x101: {  	[sflag:s25] =	ssyncadd.s32 $0xFFFFE800  }
0x102: {  	_ =	swait.ge [sflag:s25], $0x1800  }
0x103: {  	[sflag:s25] =	ssyncset.done $0x0  }
0x104: {  	[sflag:s25] =	ssyncadd.s32 $0xFFFFE800  }
0x105: {  	_ =	swait.ge [sflag:s25], $0x1800  }
0x106: {  	[sflag:s25] =	ssyncset.done $0x0  }
0x107: {  	[sflag:s25] =	ssyncadd.s32 $0xFFFFE800  }
0x108: {  	_ =	swait.ge [sflag:s25], $0x1800  }
0x109: {  	[sflag:s25] =	ssyncset.done $0x0  }
0x10a: {  	[sflag:s25] =	ssyncadd.s32 $0xFFFFE800  }
0x10b: {  	_ =	swait.ge [sflag:s25], $0x1800  }
0x10c: {  	[sflag:s25] =	ssyncset.done $0x0  }
0x10d: {  	[sflag:s25] =	ssyncadd.s32 $0xFFFFE800  }
0x10e: {  	[spmem:s2] =	stream.indirect.scatter.add.f32 [tilespmem:s8], [sflag:$0x2], $0x30, s7, s3, $0xb8;
	[tilespmem:$0x1BB80] =	vst v63  }
0x10f: {  	s0 =	rddreg [dreg:$0x14]  }
0x110: {  	[spmem:s2] =	stream.indirect.scatter.add.f32 [tilespmem:s9], [sflag:$0x2], $0x30, s0, s3, $0xb8;
	[tilespmem:$0x1BB80] =	vst v63  }
0x111: {  	s1 =	rddreg [dreg:$0x15]  }
0x112: {  	[spmem:s2] =	stream.indirect.scatter.add.f32 [tilespmem:s10], [sflag:$0x2], $0x30, s1, s3, $0xb8;
	[tilespmem:$0x1BB80] =	vst v63  }
0x113: {  	s23 =	rddreg [dreg:$0x16]  }
0x114: {  	[spmem:s2] =	stream.indirect.scatter.add.f32 [tilespmem:s11], [sflag:$0x2], $0x30, s23, s3, $0xb8;
	[tilespmem:$0x1BB80] =	vst v63  }
0x115: {  	s0 =	rddreg [dreg:$0x17]  }
0x116: {  	[spmem:s2] =	stream.indirect.scatter.add.f32 [tilespmem:s12], [sflag:$0x2], $0x30, s0, s3, $0xb8;
	[tilespmem:$0x1BB80] =	vst v63  }
0x117: {  	s1 =	rddreg [dreg:$0x18]  }
0x118: {  	[spmem:s2] =	stream.indirect.scatter.add.f32 [tilespmem:s13], [sflag:$0x2], $0x30, s1, s3, $0xb8;
	[tilespmem:$0x1BB80] =	vst v63  }
0x119: {  	s23 =	rddreg [dreg:$0x19]  }
0x11a: {  	[spmem:s2] =	stream.indirect.scatter.add.f32 [tilespmem:s15], [sflag:$0x2], $0x30, s23, s3, $0xb8;
	[tilespmem:$0x1BB80] =	vst v63  }
0x11b: {  	s0 =	rddreg [dreg:$0x1a]  }
0x11c: {  	[spmem:s2] =	stream.indirect.scatter.add.f32 [tilespmem:s16], [sflag:$0x2], $0x30, s0, s3, $0xb8;
	[tilespmem:$0x1BB80] =	vst v63  }
0x11d: {  	s1 =	rddreg [dreg:$0x1b]  }
0x11e: {  	[spmem:s2] =	stream.indirect.scatter.add.f32 [tilespmem:s17], [sflag:$0x2], $0x30, s1, s3, $0xb8;
	[tilespmem:$0x1BB80] =	vst v63  }
0x11f: {  	s23 =	rddreg [dreg:$0x1c]  }
0x120: {  	[spmem:s2] =	stream.indirect.scatter.add.f32 [tilespmem:s18], [sflag:$0x2], $0x30, s23, s3, $0xb8;
	[tilespmem:$0x1BB80] =	vst v63  }
0x121: {  	s0 =	rddreg [dreg:$0x1d]  }
0x122: {  	[spmem:s2] =	stream.indirect.scatter.add.f32 [tilespmem:s19], [sflag:$0x2], $0x30, s0, s3, $0xb8;
	[tilespmem:$0x1BB80] =	vst v63  }
0x123: {  	s1 =	rddreg [dreg:$0x1e]  }
0x124: {  	[spmem:s2] =	stream.indirect.scatter.add.f32 [tilespmem:s20], [sflag:$0x2], $0x30, s1, s3, $0xb8;
	[tilespmem:$0x1BB80] =	vst v63  }
0x125: {  	s23 =	rddreg [dreg:$0x1f]  }
0x126: {  	[spmem:s2] =	stream.indirect.scatter.add.f32 [tilespmem:s21], [sflag:$0x2], $0x30, s23, s3, $0xb8;
	[tilespmem:$0x1BB80] =	vst v63  }
0x127: {  	_ =	swait.ge [sflag:s6], $0x1800  }
0x128: {  	[sflag:s6] =	ssyncset.done $0x0  }
0x129: {  	[sflag:s6] =	ssyncadd.s32 $0xFFFFE800  }
0x12a: {  	_ =	swait.ge [sflag:s6], $0x1800  }
0x12b: {  	[sflag:s6] =	ssyncset.done $0x0  }
0x12c: {  	[sflag:s6] =	ssyncadd.s32 $0xFFFFE800  }
0x12d: {  	_ =	swait.ge [sflag:s6], $0x1800  }
0x12e: {  	[sflag:s6] =	ssyncset.done $0x0  }
0x12f: {  	[sflag:s6] =	ssyncadd.s32 $0xFFFFE800  }
0x130: {  	_ =	swait.ge [sflag:s6], $0x1800  }
0x131: {  	[sflag:s6] =	ssyncset.done $0x0  }
0x132: {  	[sflag:s6] =	ssyncadd.s32 $0xFFFFE800  }
0x133: {  	_ =	swait.ge [sflag:s6], $0x1800  }
0x134: {  	[sflag:s6] =	ssyncset.done $0x0  }
0x135: {  	[sflag:s6] =	ssyncadd.s32 $0xFFFFE800  }
0x136: {  	_ =	swait.ge [sflag:s6], $0x1800  }
0x137: {  	[sflag:s6] =	ssyncset.done $0x0  }
0x138: {  	[sflag:s6] =	ssyncadd.s32 $0xFFFFE800  }
0x139: {  	_ =	swait.ge [sflag:s6], $0x1800  }
0x13a: {  	[sflag:s6] =	ssyncset.done $0x0  }
0x13b: {  	[sflag:s6] =	ssyncadd.s32 $0xFFFFE800  }
0x13c: {  	_ =	swait.ge [sflag:s6], $0x1800  }
0x13d: {  	[sflag:s6] =	ssyncset.done $0x0  }
0x13e: {  	[sflag:s6] =	ssyncadd.s32 $0xFFFFE800  }
0x13f: {  	_ =	swait.ge [sflag:s6], $0x1800  }
0x140: {  	[sflag:s6] =	ssyncset.done $0x0  }
0x141: {  	[sflag:s6] =	ssyncadd.s32 $0xFFFFE800  }
0x142: {  	_ =	swait.ge [sflag:s6], $0x1800  }
0x143: {  	[sflag:s6] =	ssyncset.done $0x0  }
0x144: {  	[sflag:s6] =	ssyncadd.s32 $0xFFFFE800  }
0x145: {  	_ =	swait.ge [sflag:s6], $0x1800  }
0x146: {  	[sflag:s6] =	ssyncset.done $0x0  }
0x147: {  	[sflag:s6] =	ssyncadd.s32 $0xFFFFE800  }
0x148: {  	_ =	swait.ge [sflag:s6], $0x1800  }
0x149: {  	[sflag:s6] =	ssyncset.done $0x0  }
0x14a: {  	[sflag:s6] =	ssyncadd.s32 $0xFFFFE800  }
0x14b: {  	_ =	swait.ge [sflag:s6], $0x1800  }
0x14c: {  	[sflag:s6] =	ssyncset.done $0x0  }
0x14d: {  	[sflag:s6] =	ssyncadd.s32 $0xFFFFE800  }
0x14e: {  	s31 =	sadd.s32 $0xFFFFFFFF, s31;
	[bflag:$0x0] =	sbarrier.arrive $0xFFFF  }
0x14f: {  	p2 =	sne.s32 s31, $0x0;
	s0 =	rddreg [dreg:$0x8]  }
0x150: {  	[hbm:s0], [sflag:s28] =	dma.local @p0 [spmem:s5], $0xC30  }
.Ltmp2:
0x151: {  	_ =	swait.ge @p0 [sflag:s30], $0xC30;
	(pc) =	sbr.rel @p2 .LBB2_3-.Ltmp2, $4  }
0x152: {  	[sflag:s30] =	ssyncset.done @p0 $0x0  }
0x153: {  	s0 =	rddreg [dreg:$0x7];
	[sflag:s30] =	ssyncadd.s32 @p0 $0xFFFFF3D0  }
0x154: {  	[hbm:s0], [sflag:s28] =	dma.local @!p0 [spmem:s4], $0xED0  }
0x155: {  	_ =	swait.ge @!p0 [sflag:s29], $0xED0  }
0x156: {  	s23 =	rddreg [dreg:$0x3]  }
0x157: {  	s30 =	stileid.u32;
	s26 =	sld [smem:$0x7FD]  }
.LBB2_5:
0x158: {  	p1 =	por p0, !p1  }
0x159: {  	[sflag:s29] =	ssyncset.done @!p1 $0x0  }
0x15a: {  	s0 =	rddreg [dreg:$0x5];
	[sflag:s29] =	ssyncadd.s32 @!p1 $0xFFFFF130  }
0x15b: {  	[tilespmem:s22], [sflag:$0x3] =	stream.linear.gather [hbm4b:s0+s22], $0x680, $0x38;
	[tilespmem:$0x1BB80] =	vst v63  }
0x15c: {  	_ =	swait.ge [sflag:s24], $0x680  }
0x15d: {  	[sflag:s24] =	ssyncset.done $0x0  }
0x15e: {  	s29 =	rddreg [dreg:$0x6];
	[sflag:s24] =	ssyncadd.s32 $0xFFFFF980  }
0x15f: {  	[tilespmem:s7], [sflag:$0x3] =	stream.linear.gather [hbm4b:s29+s22], $0x680, $0x38;
	[tilespmem:$0x1BB80] =	vst v63  }
0x160: {  	_ =	swait.ge [sflag:s24], $0x680  }
0x161: {  	[sflag:s24] =	ssyncset.done $0x0  }
0x162: {  	[sflag:s24] =	ssyncadd.s32 $0xFFFFF980  }
0x163: {  	[tilespmem:s8], [sflag:$0x1] =	stream.indirect.gather [hbm4b:s14+s3], $0x30, s22, s3, $0xb8;
	[tilespmem:$0x1BB80] =	vst v63  }
0x164: {  	_ = 	snop  }
0x165: {  	[tilespmem:s9], [sflag:$0x1] =	stream.indirect.gather [hbm4b:s14+s3], $0x30, s3, s3, $0xb8;
	[tilespmem:$0x1BB80] =	vst v63  }
0x166: {  	s31 =	rddreg [dreg:$0x9]  }
0x167: {  	[tilespmem:s10], [sflag:$0x1] =	stream.indirect.gather [hbm4b:s14+s3], $0x30, s31, s3, $0xb8;
	[tilespmem:$0x1BB80] =	vst v63  }
0x168: {  	s1 =	rddreg [dreg:$0xa]  }
0x169: {  	[tilespmem:s11], [sflag:$0x1] =	stream.indirect.gather [hbm4b:s14+s3], $0x30, s1, s3, $0xb8;
	[tilespmem:$0x1BB80] =	vst v63  }
0x16a: {  	s22 =	rddreg [dreg:$0xb]  }
0x16b: {  	[tilespmem:s12], [sflag:$0x1] =	stream.indirect.gather [hbm4b:s14+s3], $0x30, s22, s3, $0xb8;
	[tilespmem:$0x1BB80] =	vst v63  }
0x16c: {  	s28 =	rddreg [dreg:$0xc]  }
0x16d: {  	[tilespmem:s13], [sflag:$0x1] =	stream.indirect.gather [hbm4b:s14+s3], $0x30, s28, s3, $0xb8;
	[tilespmem:$0x1BB80] =	vst v63  }
0x16e: {  	s29 =	rddreg [dreg:$0xd]  }
0x16f: {  	[tilespmem:s15], [sflag:$0x1] =	stream.indirect.gather [hbm4b:s14+s3], $0x30, s29, s3, $0xb8;
	[tilespmem:$0x1BB80] =	vst v63  }
0x170: {  	s31 =	rddreg [dreg:$0xe]  }
0x171: {  	[tilespmem:s16], [sflag:$0x1] =	stream.indirect.gather [hbm4b:s14+s3], $0x30, s31, s3, $0xb8;
	[tilespmem:$0x1BB80] =	vst v63  }
0x172: {  	s22 =	rddreg [dreg:$0xf]  }
0x173: {  	[tilespmem:s17], [sflag:$0x1] =	stream.indirect.gather [hbm4b:s14+s3], $0x30, s22, s3, $0xb8;
	[tilespmem:$0x1BB80] =	vst v63  }
0x174: {  	s28 =	rddreg [dreg:$0x10]  }
0x175: {  	[tilespmem:s18], [sflag:$0x1] =	stream.indirect.gather [hbm4b:s14+s3], $0x30, s28, s3, $0xb8;
	[tilespmem:$0x1BB80] =	vst v63  }
0x176: {  	s29 =	rddreg [dreg:$0x11]  }
0x177: {  	[tilespmem:s19], [sflag:$0x1] =	stream.indirect.gather [hbm4b:s14+s3], $0x30, s29, s3, $0xb8;
	[tilespmem:$0x1BB80] =	vst v63  }
0x178: {  	s31 =	rddreg [dreg:$0x12]  }
0x179: {  	[tilespmem:s20], [sflag:$0x1] =	stream.indirect.gather [hbm4b:s14+s3], $0x30, s31, s3, $0xb8;
	[tilespmem:$0x1BB80] =	vst v63  }
0x17a: {  	s22 =	rddreg [dreg:$0x13];
	s29 =	sshll.u32 s30, $0x6  }
0x17b: {  	[tilespmem:s21], [sflag:$0x1] =	stream.indirect.gather [hbm4b:s14+s3], $0x30, s22, s3, $0xb8;
	[tilespmem:$0x1BB80] =	vst v63  }
0x17c: {  	s28 =	rddreg [dreg:$0x4];
	s31 =	sshrl.u32 s26, $0x3;
	s14 =	sor.u32 $0x1C03, s29  }
0x17d: {  	[spmem:s31], [sflag:s14] =	dma.local [hbm:s28], $0xED0  }
0x17e: {  	_ =	swait.ge [sflag:s24], $0xED0  }
0x17f: {  	[sflag:s24] =	ssyncset.done $0x0  }
0x180: {  	[sflag:s24] =	ssyncadd.s32 $0xFFFFF130  }
0x181: {  	[bflag:$0x0] =	sbarrier.arrive $0xFFFF  }
0x182: {  	_ =	swait.ge [sflag:s25], $0x1800  }
0x183: {  	[sflag:s25] =	ssyncset.done $0x0  }
0x184: {  	[sflag:s25] =	ssyncadd.s32 $0xFFFFE800  }
0x185: {  	_ =	swait.ge [sflag:s25], $0x1800  }
0x186: {  	[sflag:s25] =	ssyncset.done $0x0  }
0x187: {  	[sflag:s25] =	ssyncadd.s32 $0xFFFFE800  }
0x188: {  	_ =	swait.ge [sflag:s25], $0x1800  }
0x189: {  	[sflag:s25] =	ssyncset.done $0x0  }
0x18a: {  	[sflag:s25] =	ssyncadd.s32 $0xFFFFE800  }
0x18b: {  	_ =	swait.ge [sflag:s25], $0x1800  }
0x18c: {  	[sflag:s25] =	ssyncset.done $0x0  }
0x18d: {  	[sflag:s25] =	ssyncadd.s32 $0xFFFFE800  }
0x18e: {  	_ =	swait.ge [sflag:s25], $0x1800  }
0x18f: {  	[sflag:s25] =	ssyncset.done $0x0  }
0x190: {  	[sflag:s25] =	ssyncadd.s32 $0xFFFFE800  }
0x191: {  	_ =	swait.ge [sflag:s25], $0x1800  }
0x192: {  	[sflag:s25] =	ssyncset.done $0x0  }
0x193: {  	[sflag:s25] =	ssyncadd.s32 $0xFFFFE800  }
0x194: {  	_ =	swait.ge [sflag:s25], $0x1800  }
0x195: {  	[sflag:s25] =	ssyncset.done $0x0  }
0x196: {  	[sflag:s25] =	ssyncadd.s32 $0xFFFFE800  }
0x197: {  	_ =	swait.ge [sflag:s25], $0x1800  }
0x198: {  	[sflag:s25] =	ssyncset.done $0x0  }
0x199: {  	[sflag:s25] =	ssyncadd.s32 $0xFFFFE800  }
0x19a: {  	_ =	swait.ge [sflag:s25], $0x1800  }
0x19b: {  	[sflag:s25] =	ssyncset.done $0x0  }
0x19c: {  	[sflag:s25] =	ssyncadd.s32 $0xFFFFE800  }
0x19d: {  	_ =	swait.ge [sflag:s25], $0x1800  }
0x19e: {  	[sflag:s25] =	ssyncset.done $0x0  }
0x19f: {  	[sflag:s25] =	ssyncadd.s32 $0xFFFFE800  }
0x1a0: {  	_ =	swait.ge [sflag:s25], $0x1800  }
0x1a1: {  	[sflag:s25] =	ssyncset.done $0x0  }
0x1a2: {  	[sflag:s25] =	ssyncadd.s32 $0xFFFFE800  }
0x1a3: {  	_ =	swait.ge [sflag:s25], $0x1800  }
0x1a4: {  	[sflag:s25] =	ssyncset.done $0x0  }
0x1a5: {  	[sflag:s25] =	ssyncadd.s32 $0xFFFFE800  }
0x1a6: {  	_ =	swait.ge [sflag:s25], $0x1800  }
0x1a7: {  	[sflag:s25] =	ssyncset.done $0x0  }
0x1a8: {  	[sflag:s25] =	ssyncadd.s32 $0xFFFFE800  }
0x1a9: {  	[spmem:s2] =	stream.indirect.scatter.add.f32 [tilespmem:s8], [sflag:$0x2], $0x30, s7, s3, $0xb8;
	[tilespmem:$0x1BB80] =	vst v63  }
0x1aa: {  	s1 =	rddreg [dreg:$0x14]  }
0x1ab: {  	[spmem:s2] =	stream.indirect.scatter.add.f32 [tilespmem:s9], [sflag:$0x2], $0x30, s1, s3, $0xb8;
	[tilespmem:$0x1BB80] =	vst v63  }
0x1ac: {  	s8 =	rddreg [dreg:$0x15]  }
0x1ad: {  	[spmem:s2] =	stream.indirect.scatter.add.f32 [tilespmem:s10], [sflag:$0x2], $0x30, s8, s3, $0xb8;
	[tilespmem:$0x1BB80] =	vst v63  }
0x1ae: {  	s9 =	rddreg [dreg:$0x16]  }
0x1af: {  	[spmem:s2] =	stream.indirect.scatter.add.f32 [tilespmem:s11], [sflag:$0x2], $0x30, s9, s3, $0xb8;
	[tilespmem:$0x1BB80] =	vst v63  }
0x1b0: {  	s10 =	rddreg [dreg:$0x17]  }
0x1b1: {  	[spmem:s2] =	stream.indirect.scatter.add.f32 [tilespmem:s12], [sflag:$0x2], $0x30, s10, s3, $0xb8;
	[tilespmem:$0x1BB80] =	vst v63  }
0x1b2: {  	s11 =	rddreg [dreg:$0x18]  }
0x1b3: {  	[spmem:s2] =	stream.indirect.scatter.add.f32 [tilespmem:s13], [sflag:$0x2], $0x30, s11, s3, $0xb8;
	[tilespmem:$0x1BB80] =	vst v63  }
0x1b4: {  	s22 =	rddreg [dreg:$0x19]  }
0x1b5: {  	[spmem:s2] =	stream.indirect.scatter.add.f32 [tilespmem:s15], [sflag:$0x2], $0x30, s22, s3, $0xb8;
	[tilespmem:$0x1BB80] =	vst v63  }
0x1b6: {  	s24 =	rddreg [dreg:$0x1a]  }
0x1b7: {  	[spmem:s2] =	stream.indirect.scatter.add.f32 [tilespmem:s16], [sflag:$0x2], $0x30, s24, s3, $0xb8;
	[tilespmem:$0x1BB80] =	vst v63  }
0x1b8: {  	s25 =	rddreg [dreg:$0x1b]  }
0x1b9: {  	[spmem:s2] =	stream.indirect.scatter.add.f32 [tilespmem:s17], [sflag:$0x2], $0x30, s25, s3, $0xb8;
	[tilespmem:$0x1BB80] =	vst v63  }
0x1ba: {  	s26 =	rddreg [dreg:$0x1c]  }
0x1bb: {  	[spmem:s2] =	stream.indirect.scatter.add.f32 [tilespmem:s18], [sflag:$0x2], $0x30, s26, s3, $0xb8;
	[tilespmem:$0x1BB80] =	vst v63  }
0x1bc: {  	s28 =	rddreg [dreg:$0x1d]  }
0x1bd: {  	[spmem:s2] =	stream.indirect.scatter.add.f32 [tilespmem:s19], [sflag:$0x2], $0x30, s28, s3, $0xb8;
	[tilespmem:$0x1BB80] =	vst v63  }
0x1be: {  	s29 =	rddreg [dreg:$0x1e]  }
0x1bf: {  	[spmem:s2] =	stream.indirect.scatter.add.f32 [tilespmem:s20], [sflag:$0x2], $0x30, s29, s3, $0xb8;
	[tilespmem:$0x1BB80] =	vst v63  }
0x1c0: {  	s31 =	rddreg [dreg:$0x1f]  }
0x1c1: {  	[spmem:s2] =	stream.indirect.scatter.add.f32 [tilespmem:s21], [sflag:$0x2], $0x30, s31, s3, $0xb8;
	[tilespmem:$0x1BB80] =	vst v63  }
0x1c2: {  	_ =	swait.ge [sflag:s6], $0x1800  }
0x1c3: {  	[sflag:s6] =	ssyncset.done $0x0  }
0x1c4: {  	[sflag:s6] =	ssyncadd.s32 $0xFFFFE800  }
0x1c5: {  	_ =	swait.ge [sflag:s6], $0x1800  }
0x1c6: {  	[sflag:s6] =	ssyncset.done $0x0  }
0x1c7: {  	[sflag:s6] =	ssyncadd.s32 $0xFFFFE800  }
0x1c8: {  	_ =	swait.ge [sflag:s6], $0x1800  }
0x1c9: {  	[sflag:s6] =	ssyncset.done $0x0  }
0x1ca: {  	[sflag:s6] =	ssyncadd.s32 $0xFFFFE800  }
0x1cb: {  	_ =	swait.ge [sflag:s6], $0x1800  }
0x1cc: {  	[sflag:s6] =	ssyncset.done $0x0  }
0x1cd: {  	[sflag:s6] =	ssyncadd.s32 $0xFFFFE800  }
0x1ce: {  	_ =	swait.ge [sflag:s6], $0x1800  }
0x1cf: {  	[sflag:s6] =	ssyncset.done $0x0  }
0x1d0: {  	[sflag:s6] =	ssyncadd.s32 $0xFFFFE800  }
0x1d1: {  	_ =	swait.ge [sflag:s6], $0x1800  }
0x1d2: {  	[sflag:s6] =	ssyncset.done $0x0  }
0x1d3: {  	[sflag:s6] =	ssyncadd.s32 $0xFFFFE800  }
0x1d4: {  	_ =	swait.ge [sflag:s6], $0x1800  }
0x1d5: {  	[sflag:s6] =	ssyncset.done $0x0  }
0x1d6: {  	[sflag:s6] =	ssyncadd.s32 $0xFFFFE800  }
0x1d7: {  	_ =	swait.ge [sflag:s6], $0x1800  }
0x1d8: {  	[sflag:s6] =	ssyncset.done $0x0  }
0x1d9: {  	[sflag:s6] =	ssyncadd.s32 $0xFFFFE800  }
0x1da: {  	_ =	swait.ge [sflag:s6], $0x1800  }
0x1db: {  	[sflag:s6] =	ssyncset.done $0x0  }
0x1dc: {  	[sflag:s6] =	ssyncadd.s32 $0xFFFFE800  }
0x1dd: {  	_ =	swait.ge [sflag:s6], $0x1800  }
0x1de: {  	[sflag:s6] =	ssyncset.done $0x0  }
0x1df: {  	[sflag:s6] =	ssyncadd.s32 $0xFFFFE800  }
0x1e0: {  	_ =	swait.ge [sflag:s6], $0x1800  }
0x1e1: {  	[sflag:s6] =	ssyncset.done $0x0  }
0x1e2: {  	[sflag:s6] =	ssyncadd.s32 $0xFFFFE800  }
0x1e3: {  	_ =	swait.ge [sflag:s6], $0x1800  }
0x1e4: {  	[sflag:s6] =	ssyncset.done $0x0  }
0x1e5: {  	[sflag:s6] =	ssyncadd.s32 $0xFFFFE800  }
0x1e6: {  	_ =	swait.ge [sflag:s6], $0x1800  }
0x1e7: {  	[sflag:s6] =	ssyncset.done $0x0  }
0x1e8: {  	[sflag:s6] =	ssyncadd.s32 $0xFFFFE800  }
0x1e9: {  	[bflag:$0x0] =	sbarrier.arrive $0xFFFF  }
0x1ea: {  	s0 =	rddreg [dreg:$0x8]  }
0x1eb: {  	[hbm:s0], [sflag:s14] =	dma.local @p0 [spmem:s5], $0xC30  }
0x1ec: {  	s0 =	simm.s32 @p0 $0x3  }
0x1ed: {  	_ =	swait.ge @p0 [sflag:s0], $0xC30  }
0x1ee: {  	[sflag:s0] =	ssyncset.done @p0 $0x0  }
0x1ef: {  	s1 =	rddreg [dreg:$0x7];
	[sflag:s0] =	ssyncadd.s32 @p0 $0xFFFFF3D0;
	s0 =	simm.s32 @!p0 $0x3  }
0x1f0: {  	[hbm:s1], [sflag:s14] =	dma.local @!p0 [spmem:s4], $0xED0  }
0x1f1: {  	_ =	swait.ge @!p0 [sflag:s0], $0xED0  }
0x1f2: {  	[sflag:s0] =	ssyncset.done @!p0 $0x0  }
0x1f3: {  	[sflag:s0] =	ssyncadd.s32 @!p0 $0xFFFFF130  }
0x1f4: {  	_ =	sfence.sel $0x180000  }
0x1f5: {  	[bflag:$0x0] =	sbarrier.arrive $0xFFFF  }
0x1f6: {  	p0 =	sne.s32 s30, $0x0;
	_ =	strace $0x90000047  }
0x1f7: {  	s0 =	sadd.s32 @!p0 $0x100000, s23;
	[bflag:$0x2] =	sbarrier.arrive $0xFFFF  }
0x1f8: {  	[sflag:s0] =	ssyncadd.tile.s32 @!p0 $0x1;
	_ =	shalt  }
.LBB2_2:
.Ltmp3:
0x1f9: {  	(pc) =	sbr.rel .LBB2_5-.Ltmp3, $3  }
0x1fa: {  	_ =	sdelay $0x1  }
0x1fb: {  	s23 =	rddreg [dreg:$0x3]  }
0x1fc: {  	s30 =	stileid.u32;
	s26 =	sld [smem:$0x7FD]  }
.Lfunc_end2:
_tile_overlayer_lowered:
.L_overlay_start_2:
0x1fd: {  	(tag) =	ssettag $0x2  }
0x1fe: {  	s0 =	rddreg [dreg:$0x0];
	s2 =	stileid.u32  }
0x1ff: {  	s1 =	rddreg [dreg:$0x1];
	p0 =	sne.s32 s2, $0x0  }
0x200: {  	s3 =	rddreg [dreg:$0x2];
	[bflag:$0x3] =	sbarrier.arrive $0xFFFF;
	s2 =	simm.s32 @!p0 $0x1C03  }
0x201: {  	[timem:s3], [sflag:s2] =	dma.local @!p0 [hbm:s0], s1  }
0x202: {  	s0 =	simm.s32 @!p0 $0x3  }
0x203: {  	_ =	swait.ge @!p0 [sflag:s0], s1  }
0x204: {  	s1 =	ssub.s32 @!p0 $0x0, s1;
	[sflag:s0] =	ssyncset.done @!p0 $0x0  }
0x205: {  	[sflag:s0] =	ssyncadd.s32 @!p0 s1  }
0x206: {  	[bflag:$0x3] =	sbarrier.arrive $0xFFFF  }
0x207: {  	_ =	shalt  }

</sc_bundles>
